<compile_context>
chip_gen: v7x
topology: tpu7x:2x2x1
jax: 0.10.2.dev20260603
libtpu: 0.0.44.dev20260713+nightly
codegen_flags: <defaults>
</compile_context>

<pallas_src>
import functools

import jax
import jax.numpy as jnp
from jax import lax
from jax.experimental import pallas as pl
from jax.experimental.pallas import tpu as pltpu
from jax.experimental.pallas import tpu_sc as plsc

B = 16384
NW = 32
SPW = B // NW
NCHUNK = 1
CS = SPW // NCHUNK
BB = 2048


def _sc_body(x_hbm, y_hbm, out_hbm, ybuf, buf0, outv, sem0, semy):
    wid = lax.axis_index("s") * 2 + lax.axis_index("c")
    base = wid * SPW
    lanes = lax.iota(jnp.int32, 16)

    yh_handles = [
        pltpu.async_copy(y_hbm.at[i, j, pl.ds(base, SPW)],
                         ybuf.at[i * 4 + j], semy)
        for i in range(2) for j in range(4)
    ]

    bufs = (buf0,)
    sems = (sem0,)

    def start_chunk(c):
        hs = []
        for i, ch in enumerate((1, 2, 4, 5)):
            for r in range(7):
                hs.append(pltpu.async_copy(
                    x_hbm.at[ch, r, :, pl.ds(base + c * CS, CS)],
                    bufs[c % 2].at[pl.ds((i * 7 + r) * 8, 7), :],
                    sems[c % 2]))
        return hs

    handles = {c: start_chunk(c) for c in range(min(2, NCHUNK))}
    for h in yh_handles:
        h.wait()

    acc_c = jnp.zeros((16,), jnp.float32)

    for c in range(NCHUNK):
        buf = bufs[c % 2]
        for h in handles.pop(c):
            h.wait()

        def group_body(g, a_c, buf=buf, c=c):
            col = g * 16 + lanes
            yo = c * CS + g * 16
            r0 = ybuf[0, pl.ds(yo, 16)]
            c0 = ybuf[1, pl.ds(yo, 16)]
            t00 = ybuf[2, pl.ds(yo, 16)]
            t01 = ybuf[3, pl.ds(yo, 16)]
            r1 = ybuf[4, pl.ds(yo, 16)]
            c1 = ybuf[5, pl.ds(yo, 16)]
            t10 = ybuf[6, pl.ds(yo, 16)]
            t11 = ybuf[7, pl.ds(yo, 16)]
            cell0 = r0.astype(jnp.int32) * 8 + c0.astype(jnp.int32)
            cell1 = r1.astype(jnp.int32) * 8 + c1.astype(jnp.int32)
            g1 = plsc.load_gather(buf, [cell0, col])
            g2 = plsc.load_gather(buf, [cell0 + 56, col])
            g4 = plsc.load_gather(buf, [cell1 + 112, col])
            g5 = plsc.load_gather(buf, [cell1 + 168, col])
            d1 = g1 - t00
            d2 = g2 - t01
            d4 = g4 - t10
            d5 = g5 - t11
            return a_c + 5.0 * (d1 * d1 + d2 * d2 + d4 * d4 + d5 * d5)

        acc_c = lax.fori_loop(0, CS // 16, group_body, acc_c)

        nxt = c + 2
        if nxt < NCHUNK:
            handles[nxt] = start_chunk(nxt)

    outv[...] = acc_c
    pltpu.sync_copy(outv, out_hbm.at[wid])


def _tc_dense(x0_ref, x3_ref, y_ref, out_ref):
    i = pl.program_id(0)

    @pl.when(i == 0)
    def _init():
        out_ref[...] = jnp.zeros((1, 1), jnp.float32)

    a = x0_ref[0]
    b = x3_ref[0]
    r_iota = lax.broadcasted_iota(jnp.int32, (7, 7, BB), 0)
    c_iota = lax.broadcasted_iota(jnp.int32, (7, 7, BB), 1)
    r0 = y_ref[0, 0:1, :].astype(jnp.int32).reshape(1, 1, BB)
    c0 = y_ref[0, 1:2, :].astype(jnp.int32).reshape(1, 1, BB)
    r1 = y_ref[1, 0:1, :].astype(jnp.int32).reshape(1, 1, BB)
    c1 = y_ref[1, 1:2, :].astype(jnp.int32).reshape(1, 1, BB)
    m0 = (r_iota == r0) & (c_iota == c0)
    m3 = (r_iota == r1) & (c_iota == c1)
    term = 0.5 * (a * a + b * b)
    term = term + jnp.where(m0, (1.0 - a) * (1.0 - a) - 0.5 * a * a, 0.0)
    term = term + jnp.where(m3, (1.0 - b) * (1.0 - b) - 0.5 * b * b, 0.0)
    out_ref[...] += jnp.sum(term).reshape(1, 1)


@jax.jit
def kernel(yh, y):
    x4 = jnp.transpose(yh, (1, 2, 3, 0))
    y3 = jnp.transpose(y, (1, 2, 0))
    mesh = plsc.VectorSubcoreMesh(core_axis_name="c", subcore_axis_name="s")
    partials = pl.kernel(
        _sc_body,
        mesh=mesh,
        compiler_params=pltpu.CompilerParams(needs_layout_passes=False),
        out_type=jax.ShapeDtypeStruct((NW, 16), jnp.float32),
        scratch_types=[
            pltpu.VMEM((8, SPW), jnp.float32),
            pltpu.VMEM((224, CS), jnp.float32),
            pltpu.VMEM((16,), jnp.float32),
            pltpu.SemaphoreType.DMA,
            pltpu.SemaphoreType.DMA,
        ],
    )(x4, y3)
    dense = pl.pallas_call(
        _tc_dense,
        grid=(B // BB,),
        in_specs=[
            pl.BlockSpec((1, 7, 7, BB), lambda i: (0, 0, 0, i)),
            pl.BlockSpec((1, 7, 7, BB), lambda i: (3, 0, 0, i)),
            pl.BlockSpec((2, 4, BB), lambda i: (0, 0, i)),
        ],
        out_specs=pl.BlockSpec((1, 1), lambda i: (0, 0)),
        out_shape=jax.ShapeDtypeStruct((1, 1), jnp.float32),
    )(x4, x4, y3)
    return jnp.sum(partials) + dense[0, 0]

# --- scband reference (transcript-rebuilt; emitter-appended) ---
"""Pipeline reference for scband-net-64785286693225 (READ-ONLY COPY).

The authoritative reference and input builder live on the scoring server;
editing this copy changes nothing except your own understanding.
"""

import jax, jax.numpy as jnp
import numpy as np

B = 16384
GRID = 7

def setup_inputs(seed: int = 0) -> dict:
    key = jax.random.key(seed)
    k1, k2, k3 = jax.random.split(key, 3)
    yh = jax.random.normal(k1, (B, 6, GRID, GRID), dtype=jnp.float32)
    # y[:, :, 0:2] are integer grid coordinates stored as floats (cast with .long() in torch)
    idx = jax.random.randint(k2, (B, 2, 2), 0, GRID).astype(jnp.float32)
    # y[:, :, 2:4] are continuous regression targets
    res = jax.random.normal(k3, (B, 2, 2), dtype=jnp.float32)
    y = jnp.concatenate([idx, res], axis=2)  # [B, 2, 4]
    return {"yh": yh, "y": y}

def reference(yh, y):
    Bn = yh.shape[0]
    grid = GRID
    # probh = yh[:, [0, 3], :, :]
    probh = yh[:, jnp.array([0, 3]), :, :]
    r0 = y[:, 0, 0].astype(jnp.int32)
    c0 = y[:, 0, 1].astype(jnp.int32)
    r1 = y[:, 1, 0].astype(jnp.int32)
    c1 = y[:, 1, 1].astype(jnp.int32)
    ar = jnp.arange(Bn)
    prob = jnp.zeros((Bn, 2, grid, grid), dtype=jnp.float32)
    prob = prob.at[ar, 0, r0, c0].set(1.0)
    prob = prob.at[ar, 1, r1, c1].set(1.0)
    prob_loss = jnp.sum((prob - probh) ** 2 * ((1.0 - prob) * 0.5 + prob))
    ch12 = jnp.arange(1, 3)
    ch45 = jnp.arange(4, 6)
    # rlegh = yh[arange(B), 1:3, r0, c0] -> [B, 2]
    rlegh = yh[ar[:, None], ch12[None, :], r0[:, None], c0[:, None]]
    # llegh = yh[arange(B), 4:, r1, c1] -> [B, 2]
    llegh = yh[ar[:, None], ch45[None, :], r1[:, None], c1[:, None]]
    detect_loss = 5.0 * (jnp.sum((rlegh - y[:, 0, 2:]) ** 2) + jnp.sum((llegh - y[:, 1, 2:]) ** 2))
    return prob_loss + detect_loss

if __name__ == "__main__":
    import jax
    _d = setup_inputs()
    print(jax.jit(kernel)(*tuple(_d.values())))

</pallas_src>

<mosaic_0001>
#map = affine_map<(d0, d1) -> (0, 0, 0, 0)>
#map1 = affine_map<(d0, d1) -> (0, 0, 0)>
#map2 = affine_map<(d0, d1) -> (0, 0)>
module attributes {stable_mosaic.version = 14 : i64} {
  func.func @_sc_body(%arg0: i32, %arg1: i32, %arg2: memref<6x7x7x16384xf32, #tpu.memory_space<hbm>>, %arg3: memref<2x4x16384xf32, #tpu.memory_space<hbm>>, %arg4: memref<32x16xf32, #tpu.memory_space<hbm>>, %arg5: memref<8x512xf32, #tpu.memory_space<vmem>>, %arg6: memref<224x512xf32, #tpu.memory_space<vmem>>, %arg7: memref<16xf32, #tpu.memory_space<vmem>>, %arg8: memref<!tpu.dma_semaphore, #tpu.memory_space<semaphore_mem>>, %arg9: memref<!tpu.dma_semaphore, #tpu.memory_space<semaphore_mem>>) attributes {dimension_semantics = [#tpu.dimension_semantics<core_parallel>, #tpu.dimension_semantics<subcore_parallel>], iteration_bounds = array<i64: 2, 16>, scalar_prefetch = 0 : i64, scratch_operands = 5 : i64, tpu.core_type = #tpu.core_type<sc_vector_subcore>, window_params = [{transform_indices = #map}, {transform_indices = #map1}, {transform_indices = #map2}]} {
    %mul3A = arith.constant 2 : i32
    %mul3A_0 = arith.muli %arg1, %mul3A : i32
    %add3A = arith.addi %mul3A_0, %arg0 : i32
    %mul3A_1 = arith.constant 512 : i32
    %mul3A_2 = arith.muli %add3A, %mul3A_1 : i32
    %iota3A = tpu.iota {dimensions = array<i32: 0>} : vector<16xi32>
    %dma_start3A = arith.constant 0 : i32
    %dma_start3A_3 = arith.constant 0 : i32
    %dma_start3A_4 = arith.constant 0 : i32
    %dma_start3A_5 = arith.constant 0 : i32
    %dma_start3A_6 = tpu.memref_slice %arg5[%dma_start3A_4, %dma_start3A_5] : memref<8x512xf32, #tpu.memory_space<vmem>> -> memref<1x512xf32, #tpu.memory_space<vmem>>
    %dma_start3A_7 = tpu.memref_squeeze %dma_start3A_6 : memref<1x512xf32, #tpu.memory_space<vmem>> -> memref<512xf32, #tpu.memory_space<vmem>>
    %dma_start3A_8 = tpu.memref_slice %arg3[%dma_start3A, %dma_start3A_3, %mul3A_2] : memref<2x4x16384xf32, #tpu.memory_space<hbm>> -> memref<1x1x512xf32, #tpu.memory_space<hbm>>
    %dma_start3A_9 = tpu.memref_squeeze %dma_start3A_8 : memref<1x1x512xf32, #tpu.memory_space<hbm>> -> memref<512xf32, #tpu.memory_space<hbm>>
    %dma_start3A_10 = arith.constant 0 : i32
    %dma_start3A_11 = tpu.memref_slice %arg5[%dma_start3A_4, %dma_start3A_10] : memref<8x512xf32, #tpu.memory_space<vmem>> -> memref<1x512xf32, #tpu.memory_space<vmem>>
    %dma_start3A_12 = tpu.memref_squeeze %dma_start3A_11 : memref<1x512xf32, #tpu.memory_space<vmem>> -> memref<512xf32, #tpu.memory_space<vmem>>
    %dma_start3A_13 = tpu.memref_slice %arg3[%dma_start3A, %dma_start3A_3, %mul3A_2] : memref<2x4x16384xf32, #tpu.memory_space<hbm>> -> memref<1x1x512xf32, #tpu.memory_space<hbm>>
    %dma_start3A_14 = tpu.memref_squeeze %dma_start3A_13 : memref<1x1x512xf32, #tpu.memory_space<hbm>> -> memref<512xf32, #tpu.memory_space<hbm>>
    tpu.enqueue_dma source(%dma_start3A_14 : memref<512xf32, #tpu.memory_space<hbm>>) target(%dma_start3A_12 : memref<512xf32, #tpu.memory_space<vmem>>) target_semaphore(%arg9 : memref<!tpu.dma_semaphore, #tpu.memory_space<semaphore_mem>>)
    %dma_start3A_15 = arith.constant 0 : i32
    %dma_start3A_16 = arith.constant 1 : i32
    %dma_start3A_17 = arith.constant 1 : i32
    %dma_start3A_18 = arith.constant 0 : i32
    %dma_start3A_19 = tpu.memref_slice %arg5[%dma_start3A_17, %dma_start3A_18] : memref<8x512xf32, #tpu.memory_space<vmem>> -> memref<1x512xf32, #tpu.memory_space<vmem>>
    %dma_start3A_20 = tpu.memref_squeeze %dma_start3A_19 : memref<1x512xf32, #tpu.memory_space<vmem>> -> memref<512xf32, #tpu.memory_space<vmem>>
    %dma_start3A_21 = tpu.memref_slice %arg3[%dma_start3A_15, %dma_start3A_16, %mul3A_2] : memref<2x4x16384xf32, #tpu.memory_space<hbm>> -> memref<1x1x512xf32, #tpu.memory_space<hbm>>
    %dma_start3A_22 = tpu.memref_squeeze %dma_start3A_21 : memref<1x1x512xf32, #tpu.memory_space<hbm>> -> memref<512xf32, #tpu.memory_space<hbm>>
    %dma_start3A_23 = arith.constant 0 : i32
    %dma_start3A_24 = tpu.memref_slice %arg5[%dma_start3A_17, %dma_start3A_23] : memref<8x512xf32, #tpu.memory_space<vmem>> -> memref<1x512xf32, #tpu.memory_space<vmem>>
    %dma_start3A_25 = tpu.memref_squeeze %dma_start3A_24 : memref<1x512xf32, #tpu.memory_space<vmem>> -> memref<512xf32, #tpu.memory_space<vmem>>
    %dma_start3A_26 = tpu.memref_slice %arg3[%dma_start3A_15, %dma_start3A_16, %mul3A_2] : memref<2x4x16384xf32, #tpu.memory_space<hbm>> -> memref<1x1x512xf32, #tpu.memory_space<hbm>>
    %dma_start3A_27 = tpu.memref_squeeze %dma_start3A_26 : memref<1x1x512xf32, #tpu.memory_space<hbm>> -> memref<512xf32, #tpu.memory_space<hbm>>
    tpu.enqueue_dma source(%dma_start3A_27 : memref<512xf32, #tpu.memory_space<hbm>>) target(%dma_start3A_25 : memref<512xf32, #tpu.memory_space<vmem>>) target_semaphore(%arg9 : memref<!tpu.dma_semaphore, #tpu.memory_space<semaphore_mem>>)
    %dma_start3A_28 = arith.constant 0 : i32
    %dma_start3A_29 = arith.constant 2 : i32
    %dma_start3A_30 = arith.constant 2 : i32
    %dma_start3A_31 = arith.constant 0 : i32
    %dma_start3A_32 = tpu.memref_slice %arg5[%dma_start3A_30, %dma_start3A_31] : memref<8x512xf32, #tpu.memory_space<vmem>> -> memref<1x512xf32, #tpu.memory_space<vmem>>
    %dma_start3A_33 = tpu.memref_squeeze %dma_start3A_32 : memref<1x512xf32, #tpu.memory_space<vmem>> -> memref<512xf32, #tpu.memory_space<vmem>>
    %dma_start3A_34 = tpu.memref_slice %arg3[%dma_start3A_28, %dma_start3A_29, %mul3A_2] : memref<2x4x16384xf32, #tpu.memory_space<hbm>> -> memref<1x1x512xf32, #tpu.memory_space<hbm>>
    %dma_start3A_35 = tpu.memref_squeeze %dma_start3A_34 : memref<1x1x512xf32, #tpu.memory_space<hbm>> -> memref<512xf32, #tpu.memory_space<hbm>>
    %dma_start3A_36 = arith.constant 0 : i32
    %dma_start3A_37 = tpu.memref_slice %arg5[%dma_start3A_30, %dma_start3A_36] : memref<8x512xf32, #tpu.memory_space<vmem>> -> memref<1x512xf32, #tpu.memory_space<vmem>>
    %dma_start3A_38 = tpu.memref_squeeze %dma_start3A_37 : memref<1x512xf32, #tpu.memory_space<vmem>> -> memref<512xf32, #tpu.memory_space<vmem>>
    %dma_start3A_39 = tpu.memref_slice %arg3[%dma_start3A_28, %dma_start3A_29, %mul3A_2] : memref<2x4x16384xf32, #tpu.memory_space<hbm>> -> memref<1x1x512xf32, #tpu.memory_space<hbm>>
    %dma_start3A_40 = tpu.memref_squeeze %dma_start3A_39 : memref<1x1x512xf32, #tpu.memory_space<hbm>> -> memref<512xf32, #tpu.memory_space<hbm>>
    tpu.enqueue_dma source(%dma_start3A_40 : memref<512xf32, #tpu.memory_space<hbm>>) target(%dma_start3A_38 : memref<512xf32, #tpu.memory_space<vmem>>) target_semaphore(%arg9 : memref<!tpu.dma_semaphore, #tpu.memory_space<semaphore_mem>>)
    %dma_start3A_41 = arith.constant 0 : i32
    %dma_start3A_42 = arith.constant 3 : i32
    %dma_start3A_43 = arith.constant 3 : i32
    %dma_start3A_44 = arith.constant 0 : i32
    %dma_start3A_45 = tpu.memref_slice %arg5[%dma_start3A_43, %dma_start3A_44] : memref<8x512xf32, #tpu.memory_space<vmem>> -> memref<1x512xf32, #tpu.memory_space<vmem>>
    %dma_start3A_46 = tpu.memref_squeeze %dma_start3A_45 : memref<1x512xf32, #tpu.memory_space<vmem>> -> memref<512xf32, #tpu.memory_space<vmem>>
    %dma_start3A_47 = tpu.memref_slice %arg3[%dma_start3A_41, %dma_start3A_42, %mul3A_2] : memref<2x4x16384xf32, #tpu.memory_space<hbm>> -> memref<1x1x512xf32, #tpu.memory_space<hbm>>
    %dma_start3A_48 = tpu.memref_squeeze %dma_start3A_47 : memref<1x1x512xf32, #tpu.memory_space<hbm>> -> memref<512xf32, #tpu.memory_space<hbm>>
    %dma_start3A_49 = arith.constant 0 : i32
    %dma_start3A_50 = tpu.memref_slice %arg5[%dma_start3A_43, %dma_start3A_49] : memref<8x512xf32, #tpu.memory_space<vmem>> -> memref<1x512xf32, #tpu.memory_space<vmem>>
    %dma_start3A_51 = tpu.memref_squeeze %dma_start3A_50 : memref<1x512xf32, #tpu.memory_space<vmem>> -> memref<512xf32, #tpu.memory_space<vmem>>
    %dma_start3A_52 = tpu.memref_slice %arg3[%dma_start3A_41, %dma_start3A_42, %mul3A_2] : memref<2x4x16384xf32, #tpu.memory_space<hbm>> -> memref<1x1x512xf32, #tpu.memory_space<hbm>>
    %dma_start3A_53 = tpu.memref_squeeze %dma_start3A_52 : memref<1x1x512xf32, #tpu.memory_space<hbm>> -> memref<512xf32, #tpu.memory_space<hbm>>
    tpu.enqueue_dma source(%dma_start3A_53 : memref<512xf32, #tpu.memory_space<hbm>>) target(%dma_start3A_51 : memref<512xf32, #tpu.memory_space<vmem>>) target_semaphore(%arg9 : memref<!tpu.dma_semaphore, #tpu.memory_space<semaphore_mem>>)
    %dma_start3A_54 = arith.constant 1 : i32
    %dma_start3A_55 = arith.constant 0 : i32
    %dma_start3A_56 = arith.constant 4 : i32
    %dma_start3A_57 = arith.constant 0 : i32
    %dma_start3A_58 = tpu.memref_slice %arg5[%dma_start3A_56, %dma_start3A_57] : memref<8x512xf32, #tpu.memory_space<vmem>> -> memref<1x512xf32, #tpu.memory_space<vmem>>
    %dma_start3A_59 = tpu.memref_squeeze %dma_start3A_58 : memref<1x512xf32, #tpu.memory_space<vmem>> -> memref<512xf32, #tpu.memory_space<vmem>>
    %dma_start3A_60 = tpu.memref_slice %arg3[%dma_start3A_54, %dma_start3A_55, %mul3A_2] : memref<2x4x16384xf32, #tpu.memory_space<hbm>> -> memref<1x1x512xf32, #tpu.memory_space<hbm>>
    %dma_start3A_61 = tpu.memref_squeeze %dma_start3A_60 : memref<1x1x512xf32, #tpu.memory_space<hbm>> -> memref<512xf32, #tpu.memory_space<hbm>>
    %dma_start3A_62 = arith.constant 0 : i32
    %dma_start3A_63 = tpu.memref_slice %arg5[%dma_start3A_56, %dma_start3A_62] : memref<8x512xf32, #tpu.memory_space<vmem>> -> memref<1x512xf32, #tpu.memory_space<vmem>>
    %dma_start3A_64 = tpu.memref_squeeze %dma_start3A_63 : memref<1x512xf32, #tpu.memory_space<vmem>> -> memref<512xf32, #tpu.memory_space<vmem>>
    %dma_start3A_65 = tpu.memref_slice %arg3[%dma_start3A_54, %dma_start3A_55, %mul3A_2] : memref<2x4x16384xf32, #tpu.memory_space<hbm>> -> memref<1x1x512xf32, #tpu.memory_space<hbm>>
    %dma_start3A_66 = tpu.memref_squeeze %dma_start3A_65 : memref<1x1x512xf32, #tpu.memory_space<hbm>> -> memref<512xf32, #tpu.memory_space<hbm>>
    tpu.enqueue_dma source(%dma_start3A_66 : memref<512xf32, #tpu.memory_space<hbm>>) target(%dma_start3A_64 : memref<512xf32, #tpu.memory_space<vmem>>) target_semaphore(%arg9 : memref<!tpu.dma_semaphore, #tpu.memory_space<semaphore_mem>>)
    %dma_start3A_67 = arith.constant 1 : i32
    %dma_start3A_68 = arith.constant 1 : i32
    %dma_start3A_69 = arith.constant 5 : i32
    %dma_start3A_70 = arith.constant 0 : i32
    %dma_start3A_71 = tpu.memref_slice %arg5[%dma_start3A_69, %dma_start3A_70] : memref<8x512xf32, #tpu.memory_space<vmem>> -> memref<1x512xf32, #tpu.memory_space<vmem>>
    %dma_start3A_72 = tpu.memref_squeeze %dma_start3A_71 : memref<1x512xf32, #tpu.memory_space<vmem>> -> memref<512xf32, #tpu.memory_space<vmem>>
    %dma_start3A_73 = tpu.memref_slice %arg3[%dma_start3A_67, %dma_start3A_68, %mul3A_2] : memref<2x4x16384xf32, #tpu.memory_space<hbm>> -> memref<1x1x512xf32, #tpu.memory_space<hbm>>
    %dma_start3A_74 = tpu.memref_squeeze %dma_start3A_73 : memref<1x1x512xf32, #tpu.memory_space<hbm>> -> memref<512xf32, #tpu.memory_space<hbm>>
    %dma_start3A_75 = arith.constant 0 : i32
    %dma_start3A_76 = tpu.memref_slice %arg5[%dma_start3A_69, %dma_start3A_75] : memref<8x512xf32, #tpu.memory_space<vmem>> -> memref<1x512xf32, #tpu.memory_space<vmem>>
    %dma_start3A_77 = tpu.memref_squeeze %dma_start3A_76 : memref<1x512xf32, #tpu.memory_space<vmem>> -> memref<512xf32, #tpu.memory_space<vmem>>
    %dma_start3A_78 = tpu.memref_slice %arg3[%dma_start3A_67, %dma_start3A_68, %mul3A_2] : memref<2x4x16384xf32, #tpu.memory_space<hbm>> -> memref<1x1x512xf32, #tpu.memory_space<hbm>>
    %dma_start3A_79 = tpu.memref_squeeze %dma_start3A_78 : memref<1x1x512xf32, #tpu.memory_space<hbm>> -> memref<512xf32, #tpu.memory_space<hbm>>
    tpu.enqueue_dma source(%dma_start3A_79 : memref<512xf32, #tpu.memory_space<hbm>>) target(%dma_start3A_77 : memref<512xf32, #tpu.memory_space<vmem>>) target_semaphore(%arg9 : memref<!tpu.dma_semaphore, #tpu.memory_space<semaphore_mem>>)
    %dma_start3A_80 = arith.constant 1 : i32
    %dma_start3A_81 = arith.constant 2 : i32
    %dma_start3A_82 = arith.constant 6 : i32
    %dma_start3A_83 = arith.constant 0 : i32
    %dma_start3A_84 = tpu.memref_slice %arg5[%dma_start3A_82, %dma_start3A_83] : memref<8x512xf32, #tpu.memory_space<vmem>> -> memref<1x512xf32, #tpu.memory_space<vmem>>
    %dma_start3A_85 = tpu.memref_squeeze %dma_start3A_84 : memref<1x512xf32, #tpu.memory_space<vmem>> -> memref<512xf32, #tpu.memory_space<vmem>>
    %dma_start3A_86 = tpu.memref_slice %arg3[%dma_start3A_80, %dma_start3A_81, %mul3A_2] : memref<2x4x16384xf32, #tpu.memory_space<hbm>> -> memref<1x1x512xf32, #tpu.memory_space<hbm>>
    %dma_start3A_87 = tpu.memref_squeeze %dma_start3A_86 : memref<1x1x512xf32, #tpu.memory_space<hbm>> -> memref<512xf32, #tpu.memory_space<hbm>>
    %dma_start3A_88 = arith.constant 0 : i32
    %dma_start3A_89 = tpu.memref_slice %arg5[%dma_start3A_82, %dma_start3A_88] : memref<8x512xf32, #tpu.memory_space<vmem>> -> memref<1x512xf32, #tpu.memory_space<vmem>>
    %dma_start3A_90 = tpu.memref_squeeze %dma_start3A_89 : memref<1x512xf32, #tpu.memory_space<vmem>> -> memref<512xf32, #tpu.memory_space<vmem>>
    %dma_start3A_91 = tpu.memref_slice %arg3[%dma_start3A_80, %dma_start3A_81, %mul3A_2] : memref<2x4x16384xf32, #tpu.memory_space<hbm>> -> memref<1x1x512xf32, #tpu.memory_space<hbm>>
    %dma_start3A_92 = tpu.memref_squeeze %dma_start3A_91 : memref<1x1x512xf32, #tpu.memory_space<hbm>> -> memref<512xf32, #tpu.memory_space<hbm>>
    tpu.enqueue_dma source(%dma_start3A_92 : memref<512xf32, #tpu.memory_space<hbm>>) target(%dma_start3A_90 : memref<512xf32, #tpu.memory_space<vmem>>) target_semaphore(%arg9 : memref<!tpu.dma_semaphore, #tpu.memory_space<semaphore_mem>>)
    %dma_start3A_93 = arith.constant 1 : i32
    %dma_start3A_94 = arith.constant 3 : i32
    %dma_start3A_95 = arith.constant 7 : i32
    %dma_start3A_96 = arith.constant 0 : i32
    %dma_start3A_97 = tpu.memref_slice %arg5[%dma_start3A_95, %dma_start3A_96] : memref<8x512xf32, #tpu.memory_space<vmem>> -> memref<1x512xf32, #tpu.memory_space<vmem>>
    %dma_start3A_98 = tpu.memref_squeeze %dma_start3A_97 : memref<1x512xf32, #tpu.memory_space<vmem>> -> memref<512xf32, #tpu.memory_space<vmem>>
    %dma_start3A_99 = tpu.memref_slice %arg3[%dma_start3A_93, %dma_start3A_94, %mul3A_2] : memref<2x4x16384xf32, #tpu.memory_space<hbm>> -> memref<1x1x512xf32, #tpu.memory_space<hbm>>
    %dma_start3A_100 = tpu.memref_squeeze %dma_start3A_99 : memref<1x1x512xf32, #tpu.memory_space<hbm>> -> memref<512xf32, #tpu.memory_space<hbm>>
    %dma_start3A_101 = arith.constant 0 : i32
    %dma_start3A_102 = tpu.memref_slice %arg5[%dma_start3A_95, %dma_start3A_101] : memref<8x512xf32, #tpu.memory_space<vmem>> -> memref<1x512xf32, #tpu.memory_space<vmem>>
    %dma_start3A_103 = tpu.memref_squeeze %dma_start3A_102 : memref<1x512xf32, #tpu.memory_space<vmem>> -> memref<512xf32, #tpu.memory_space<vmem>>
    %dma_start3A_104 = tpu.memref_slice %arg3[%dma_start3A_93, %dma_start3A_94, %mul3A_2] : memref<2x4x16384xf32, #tpu.memory_space<hbm>> -> memref<1x1x512xf32, #tpu.memory_space<hbm>>
    %dma_start3A_105 = tpu.memref_squeeze %dma_start3A_104 : memref<1x1x512xf32, #tpu.memory_space<hbm>> -> memref<512xf32, #tpu.memory_space<hbm>>
    tpu.enqueue_dma source(%dma_start3A_105 : memref<512xf32, #tpu.memory_space<hbm>>) target(%dma_start3A_103 : memref<512xf32, #tpu.memory_space<vmem>>) target_semaphore(%arg9 : memref<!tpu.dma_semaphore, #tpu.memory_space<semaphore_mem>>)
    %add3A_106 = arith.constant 0 : i32
    %add3A_107 = arith.addi %mul3A_2, %add3A_106 : i32
    %dma_start3A_108 = arith.constant 1 : i32
    %dma_start3A_109 = arith.constant 0 : i32
    %dma_start3A_110 = arith.constant 0 : i32
    %dma_start3A_111 = arith.constant 0 : i32
    %dma_start3A_112 = tpu.memref_slice %arg6[%dma_start3A_110, %dma_start3A_111] : memref<224x512xf32, #tpu.memory_space<vmem>> -> memref<7x512xf32, #tpu.memory_space<vmem>>
    %dma_start3A_113 = arith.constant 0 : i32
    %dma_start3A_114 = tpu.memref_slice %arg2[%dma_start3A_108, %dma_start3A_109, %dma_start3A_113, %add3A_107] : memref<6x7x7x16384xf32, #tpu.memory_space<hbm>> -> memref<1x1x7x512xf32, #tpu.memory_space<hbm>>
    %dma_start3A_115 = tpu.memref_squeeze %dma_start3A_114 : memref<1x1x7x512xf32, #tpu.memory_space<hbm>> -> memref<7x512xf32, #tpu.memory_space<hbm>>
    %dma_start3A_116 = arith.constant 0 : i32
    %dma_start3A_117 = arith.constant 0 : i32
    %dma_start3A_118 = tpu.memref_slice %arg6[%dma_start3A_116, %dma_start3A_117] : memref<224x512xf32, #tpu.memory_space<vmem>> -> memref<7x512xf32, #tpu.memory_space<vmem>>
    %dma_start3A_119 = arith.constant 0 : i32
    %dma_start3A_120 = tpu.memref_slice %arg2[%dma_start3A_108, %dma_start3A_109, %dma_start3A_119, %add3A_107] : memref<6x7x7x16384xf32, #tpu.memory_space<hbm>> -> memref<1x1x7x512xf32, #tpu.memory_space<hbm>>
    %dma_start3A_121 = tpu.memref_squeeze %dma_start3A_120 : memref<1x1x7x512xf32, #tpu.memory_space<hbm>> -> memref<7x512xf32, #tpu.memory_space<hbm>>
    tpu.enqueue_dma source(%dma_start3A_121 : memref<7x512xf32, #tpu.memory_space<hbm>>) target(%dma_start3A_118 : memref<7x512xf32, #tpu.memory_space<vmem>>) target_semaphore(%arg8 : memref<!tpu.dma_semaphore, #tpu.memory_space<semaphore_mem>>)
    %add3A_122 = arith.constant 0 : i32
    %add3A_123 = arith.addi %mul3A_2, %add3A_122 : i32
    %dma_start3A_124 = arith.constant 1 : i32
    %dma_start3A_125 = arith.constant 1 : i32
    %dma_start3A_126 = arith.constant 8 : i32
    %dma_start3A_127 = arith.constant 0 : i32
    %dma_start3A_128 = tpu.memref_slice %arg6[%dma_start3A_126, %dma_start3A_127] : memref<224x512xf32, #tpu.memory_space<vmem>> -> memref<7x512xf32, #tpu.memory_space<vmem>>
    %dma_start3A_129 = arith.constant 0 : i32
    %dma_start3A_130 = tpu.memref_slice %arg2[%dma_start3A_124, %dma_start3A_125, %dma_start3A_129, %add3A_123] : memref<6x7x7x16384xf32, #tpu.memory_space<hbm>> -> memref<1x1x7x512xf32, #tpu.memory_space<hbm>>
    %dma_start3A_131 = tpu.memref_squeeze %dma_start3A_130 : memref<1x1x7x512xf32, #tpu.memory_space<hbm>> -> memref<7x512xf32, #tpu.memory_space<hbm>>
    %dma_start3A_132 = arith.constant 8 : i32
    %dma_start3A_133 = arith.constant 0 : i32
    %dma_start3A_134 = tpu.memref_slice %arg6[%dma_start3A_132, %dma_start3A_133] : memref<224x512xf32, #tpu.memory_space<vmem>> -> memref<7x512xf32, #tpu.memory_space<vmem>>
    %dma_start3A_135 = arith.constant 0 : i32
    %dma_start3A_136 = tpu.memref_slice %arg2[%dma_start3A_124, %dma_start3A_125, %dma_start3A_135, %add3A_123] : memref<6x7x7x16384xf32, #tpu.memory_space<hbm>> -> memref<1x1x7x512xf32, #tpu.memory_space<hbm>>
    %dma_start3A_137 = tpu.memref_squeeze %dma_start3A_136 : memref<1x1x7x512xf32, #tpu.memory_space<hbm>> -> memref<7x512xf32, #tpu.memory_space<hbm>>
    tpu.enqueue_dma source(%dma_start3A_137 : memref<7x512xf32, #tpu.memory_space<hbm>>) target(%dma_start3A_134 : memref<7x512xf32, #tpu.memory_space<vmem>>) target_semaphore(%arg8 : memref<!tpu.dma_semaphore, #tpu.memory_space<semaphore_mem>>)
    %add3A_138 = arith.constant 0 : i32
    %add3A_139 = arith.addi %mul3A_2, %add3A_138 : i32
    %dma_start3A_140 = arith.constant 1 : i32
    %dma_start3A_141 = arith.constant 2 : i32
    %dma_start3A_142 = arith.constant 16 : i32
    %dma_start3A_143 = arith.constant 0 : i32
    %dma_start3A_144 = tpu.memref_slice %arg6[%dma_start3A_142, %dma_start3A_143] : memref<224x512xf32, #tpu.memory_space<vmem>> -> memref<7x512xf32, #tpu.memory_space<vmem>>
    %dma_start3A_145 = arith.constant 0 : i32
    %dma_start3A_146 = tpu.memref_slice %arg2[%dma_start3A_140, %dma_start3A_141, %dma_start3A_145, %add3A_139] : memref<6x7x7x16384xf32, #tpu.memory_space<hbm>> -> memref<1x1x7x512xf32, #tpu.memory_space<hbm>>
    %dma_start3A_147 = tpu.memref_squeeze %dma_start3A_146 : memref<1x1x7x512xf32, #tpu.memory_space<hbm>> -> memref<7x512xf32, #tpu.memory_space<hbm>>
    %dma_start3A_148 = arith.constant 16 : i32
    %dma_start3A_149 = arith.constant 0 : i32
    %dma_start3A_150 = tpu.memref_slice %arg6[%dma_start3A_148, %dma_start3A_149] : memref<224x512xf32, #tpu.memory_space<vmem>> -> memref<7x512xf32, #tpu.memory_space<vmem>>
    %dma_start3A_151 = arith.constant 0 : i32
    %dma_start3A_152 = tpu.memref_slice %arg2[%dma_start3A_140, %dma_start3A_141, %dma_start3A_151, %add3A_139] : memref<6x7x7x16384xf32, #tpu.memory_space<hbm>> -> memref<1x1x7x512xf32, #tpu.memory_space<hbm>>
    %dma_start3A_153 = tpu.memref_squeeze %dma_start3A_152 : memref<1x1x7x512xf32, #tpu.memory_space<hbm>> -> memref<7x512xf32, #tpu.memory_space<hbm>>
    tpu.enqueue_dma source(%dma_start3A_153 : memref<7x512xf32, #tpu.memory_space<hbm>>) target(%dma_start3A_150 : memref<7x512xf32, #tpu.memory_space<vmem>>) target_semaphore(%arg8 : memref<!tpu.dma_semaphore, #tpu.memory_space<semaphore_mem>>)
    %add3A_154 = arith.constant 0 : i32
    %add3A_155 = arith.addi %mul3A_2, %add3A_154 : i32
    %dma_start3A_156 = arith.constant 1 : i32
    %dma_start3A_157 = arith.constant 3 : i32
    %dma_start3A_158 = arith.constant 24 : i32
    %dma_start3A_159 = arith.constant 0 : i32
    %dma_start3A_160 = tpu.memref_slice %arg6[%dma_start3A_158, %dma_start3A_159] : memref<224x512xf32, #tpu.memory_space<vmem>> -> memref<7x512xf32, #tpu.memory_space<vmem>>
    %dma_start3A_161 = arith.constant 0 : i32
    %dma_start3A_162 = tpu.memref_slice %arg2[%dma_start3A_156, %dma_start3A_157, %dma_start3A_161, %add3A_155] : memref<6x7x7x16384xf32, #tpu.memory_space<hbm>> -> memref<1x1x7x512xf32, #tpu.memory_space<hbm>>
    %dma_start3A_163 = tpu.memref_squeeze %dma_start3A_162 : memref<1x1x7x512xf32, #tpu.memory_space<hbm>> -> memref<7x512xf32, #tpu.memory_space<hbm>>
    %dma_start3A_164 = arith.constant 24 : i32
    %dma_start3A_165 = arith.constant 0 : i32
    %dma_start3A_166 = tpu.memref_slice %arg6[%dma_start3A_164, %dma_start3A_165] : memref<224x512xf32, #tpu.memory_space<vmem>> -> memref<7x512xf32, #tpu.memory_space<vmem>>
    %dma_start3A_167 = arith.constant 0 : i32
    %dma_start3A_168 = tpu.memref_slice %arg2[%dma_start3A_156, %dma_start3A_157, %dma_start3A_167, %add3A_155] : memref<6x7x7x16384xf32, #tpu.memory_space<hbm>> -> memref<1x1x7x512xf32, #tpu.memory_space<hbm>>
    %dma_start3A_169 = tpu.memref_squeeze %dma_start3A_168 : memref<1x1x7x512xf32, #tpu.memory_space<hbm>> -> memref<7x512xf32, #tpu.memory_space<hbm>>
    tpu.enqueue_dma source(%dma_start3A_169 : memref<7x512xf32, #tpu.memory_space<hbm>>) target(%dma_start3A_166 : memref<7x512xf32, #tpu.memory_space<vmem>>) target_semaphore(%arg8 : memref<!tpu.dma_semaphore, #tpu.memory_space<semaphore_mem>>)
    %add3A_170 = arith.constant 0 : i32
    %add3A_171 = arith.addi %mul3A_2, %add3A_170 : i32
    %dma_start3A_172 = arith.constant 1 : i32
    %dma_start3A_173 = arith.constant 4 : i32
    %dma_start3A_174 = arith.constant 32 : i32
    %dma_start3A_175 = arith.constant 0 : i32
    %dma_start3A_176 = tpu.memref_slice %arg6[%dma_start3A_174, %dma_start3A_175] : memref<224x512xf32, #tpu.memory_space<vmem>> -> memref<7x512xf32, #tpu.memory_space<vmem>>
    %dma_start3A_177 = arith.constant 0 : i32
    %dma_start3A_178 = tpu.memref_slice %arg2[%dma_start3A_172, %dma_start3A_173, %dma_start3A_177, %add3A_171] : memref<6x7x7x16384xf32, #tpu.memory_space<hbm>> -> memref<1x1x7x512xf32, #tpu.memory_space<hbm>>
    %dma_start3A_179 = tpu.memref_squeeze %dma_start3A_178 : memref<1x1x7x512xf32, #tpu.memory_space<hbm>> -> memref<7x512xf32, #tpu.memory_space<hbm>>
    %dma_start3A_180 = arith.constant 32 : i32
    %dma_start3A_181 = arith.constant 0 : i32
    %dma_start3A_182 = tpu.memref_slice %arg6[%dma_start3A_180, %dma_start3A_181] : memref<224x512xf32, #tpu.memory_space<vmem>> -> memref<7x512xf32, #tpu.memory_space<vmem>>
    %dma_start3A_183 = arith.constant 0 : i32
    %dma_start3A_184 = tpu.memref_slice %arg2[%dma_start3A_172, %dma_start3A_173, %dma_start3A_183, %add3A_171] : memref<6x7x7x16384xf32, #tpu.memory_space<hbm>> -> memref<1x1x7x512xf32, #tpu.memory_space<hbm>>
    %dma_start3A_185 = tpu.memref_squeeze %dma_start3A_184 : memref<1x1x7x512xf32, #tpu.memory_space<hbm>> -> memref<7x512xf32, #tpu.memory_space<hbm>>
    tpu.enqueue_dma source(%dma_start3A_185 : memref<7x512xf32, #tpu.memory_space<hbm>>) target(%dma_start3A_182 : memref<7x512xf32, #tpu.memory_space<vmem>>) target_semaphore(%arg8 : memref<!tpu.dma_semaphore, #tpu.memory_space<semaphore_mem>>)
    %add3A_186 = arith.constant 0 : i32
    %add3A_187 = arith.addi %mul3A_2, %add3A_186 : i32
    %dma_start3A_188 = arith.constant 1 : i32
    %dma_start3A_189 = arith.constant 5 : i32
    %dma_start3A_190 = arith.constant 40 : i32
    %dma_start3A_191 = arith.constant 0 : i32
    %dma_start3A_192 = tpu.memref_slice %arg6[%dma_start3A_190, %dma_start3A_191] : memref<224x512xf32, #tpu.memory_space<vmem>> -> memref<7x512xf32, #tpu.memory_space<vmem>>
    %dma_start3A_193 = arith.constant 0 : i32
    %dma_start3A_194 = tpu.memref_slice %arg2[%dma_start3A_188, %dma_start3A_189, %dma_start3A_193, %add3A_187] : memref<6x7x7x16384xf32, #tpu.memory_space<hbm>> -> memref<1x1x7x512xf32, #tpu.memory_space<hbm>>
    %dma_start3A_195 = tpu.memref_squeeze %dma_start3A_194 : memref<1x1x7x512xf32, #tpu.memory_space<hbm>> -> memref<7x512xf32, #tpu.memory_space<hbm>>
    %dma_start3A_196 = arith.constant 40 : i32
    %dma_start3A_197 = arith.constant 0 : i32
    %dma_start3A_198 = tpu.memref_slice %arg6[%dma_start3A_196, %dma_start3A_197] : memref<224x512xf32, #tpu.memory_space<vmem>> -> memref<7x512xf32, #tpu.memory_space<vmem>>
    %dma_start3A_199 = arith.constant 0 : i32
    %dma_start3A_200 = tpu.memref_slice %arg2[%dma_start3A_188, %dma_start3A_189, %dma_start3A_199, %add3A_187] : memref<6x7x7x16384xf32, #tpu.memory_space<hbm>> -> memref<1x1x7x512xf32, #tpu.memory_space<hbm>>
    %dma_start3A_201 = tpu.memref_squeeze %dma_start3A_200 : memref<1x1x7x512xf32, #tpu.memory_space<hbm>> -> memref<7x512xf32, #tpu.memory_space<hbm>>
    tpu.enqueue_dma source(%dma_start3A_201 : memref<7x512xf32, #tpu.memory_space<hbm>>) target(%dma_start3A_198 : memref<7x512xf32, #tpu.memory_space<vmem>>) target_semaphore(%arg8 : memref<!tpu.dma_semaphore, #tpu.memory_space<semaphore_mem>>)
    %add3A_202 = arith.constant 0 : i32
    %add3A_203 = arith.addi %mul3A_2, %add3A_202 : i32
    %dma_start3A_204 = arith.constant 1 : i32
    %dma_start3A_205 = arith.constant 6 : i32
    %dma_start3A_206 = arith.constant 48 : i32
    %dma_start3A_207 = arith.constant 0 : i32
    %dma_start3A_208 = tpu.memref_slice %arg6[%dma_start3A_206, %dma_start3A_207] : memref<224x512xf32, #tpu.memory_space<vmem>> -> memref<7x512xf32, #tpu.memory_space<vmem>>
    %dma_start3A_209 = arith.constant 0 : i32
    %dma_start3A_210 = tpu.memref_slice %arg2[%dma_start3A_204, %dma_start3A_205, %dma_start3A_209, %add3A_203] : memref<6x7x7x16384xf32, #tpu.memory_space<hbm>> -> memref<1x1x7x512xf32, #tpu.memory_space<hbm>>
    %dma_start3A_211 = tpu.memref_squeeze %dma_start3A_210 : memref<1x1x7x512xf32, #tpu.memory_space<hbm>> -> memref<7x512xf32, #tpu.memory_space<hbm>>
    %dma_start3A_212 = arith.constant 48 : i32
    %dma_start3A_213 = arith.constant 0 : i32
    %dma_start3A_214 = tpu.memref_slice %arg6[%dma_start3A_212, %dma_start3A_213] : memref<224x512xf32, #tpu.memory_space<vmem>> -> memref<7x512xf32, #tpu.memory_space<vmem>>
    %dma_start3A_215 = arith.constant 0 : i32
    %dma_start3A_216 = tpu.memref_slice %arg2[%dma_start3A_204, %dma_start3A_205, %dma_start3A_215, %add3A_203] : memref<6x7x7x16384xf32, #tpu.memory_space<hbm>> -> memref<1x1x7x512xf32, #tpu.memory_space<hbm>>
    %dma_start3A_217 = tpu.memref_squeeze %dma_start3A_216 : memref<1x1x7x512xf32, #tpu.memory_space<hbm>> -> memref<7x512xf32, #tpu.memory_space<hbm>>
    tpu.enqueue_dma source(%dma_start3A_217 : memref<7x512xf32, #tpu.memory_space<hbm>>) target(%dma_start3A_214 : memref<7x512xf32, #tpu.memory_space<vmem>>) target_semaphore(%arg8 : memref<!tpu.dma_semaphore, #tpu.memory_space<semaphore_mem>>)
    %add3A_218 = arith.constant 0 : i32
    %add3A_219 = arith.addi %mul3A_2, %add3A_218 : i32
    %dma_start3A_220 = arith.constant 2 : i32
    %dma_start3A_221 = arith.constant 0 : i32
    %dma_start3A_222 = arith.constant 56 : i32
    %dma_start3A_223 = arith.constant 0 : i32
    %dma_start3A_224 = tpu.memref_slice %arg6[%dma_start3A_222, %dma_start3A_223] : memref<224x512xf32, #tpu.memory_space<vmem>> -> memref<7x512xf32, #tpu.memory_space<vmem>>
    %dma_start3A_225 = arith.constant 0 : i32
    %dma_start3A_226 = tpu.memref_slice %arg2[%dma_start3A_220, %dma_start3A_221, %dma_start3A_225, %add3A_219] : memref<6x7x7x16384xf32, #tpu.memory_space<hbm>> -> memref<1x1x7x512xf32, #tpu.memory_space<hbm>>
    %dma_start3A_227 = tpu.memref_squeeze %dma_start3A_226 : memref<1x1x7x512xf32, #tpu.memory_space<hbm>> -> memref<7x512xf32, #tpu.memory_space<hbm>>
    %dma_start3A_228 = arith.constant 56 : i32
    %dma_start3A_229 = arith.constant 0 : i32
    %dma_start3A_230 = tpu.memref_slice %arg6[%dma_start3A_228, %dma_start3A_229] : memref<224x512xf32, #tpu.memory_space<vmem>> -> memref<7x512xf32, #tpu.memory_space<vmem>>
    %dma_start3A_231 = arith.constant 0 : i32
    %dma_start3A_232 = tpu.memref_slice %arg2[%dma_start3A_220, %dma_start3A_221, %dma_start3A_231, %add3A_219] : memref<6x7x7x16384xf32, #tpu.memory_space<hbm>> -> memref<1x1x7x512xf32, #tpu.memory_space<hbm>>
    %dma_start3A_233 = tpu.memref_squeeze %dma_start3A_232 : memref<1x1x7x512xf32, #tpu.memory_space<hbm>> -> memref<7x512xf32, #tpu.memory_space<hbm>>
    tpu.enqueue_dma source(%dma_start3A_233 : memref<7x512xf32, #tpu.memory_space<hbm>>) target(%dma_start3A_230 : memref<7x512xf32, #tpu.memory_space<vmem>>) target_semaphore(%arg8 : memref<!tpu.dma_semaphore, #tpu.memory_space<semaphore_mem>>)
    %add3A_234 = arith.constant 0 : i32
    %add3A_235 = arith.addi %mul3A_2, %add3A_234 : i32
    %dma_start3A_236 = arith.constant 2 : i32
    %dma_start3A_237 = arith.constant 1 : i32
    %dma_start3A_238 = arith.constant 64 : i32
    %dma_start3A_239 = arith.constant 0 : i32
    %dma_start3A_240 = tpu.memref_slice %arg6[%dma_start3A_238, %dma_start3A_239] : memref<224x512xf32, #tpu.memory_space<vmem>> -> memref<7x512xf32, #tpu.memory_space<vmem>>
    %dma_start3A_241 = arith.constant 0 : i32
    %dma_start3A_242 = tpu.memref_slice %arg2[%dma_start3A_236, %dma_start3A_237, %dma_start3A_241, %add3A_235] : memref<6x7x7x16384xf32, #tpu.memory_space<hbm>> -> memref<1x1x7x512xf32, #tpu.memory_space<hbm>>
    %dma_start3A_243 = tpu.memref_squeeze %dma_start3A_242 : memref<1x1x7x512xf32, #tpu.memory_space<hbm>> -> memref<7x512xf32, #tpu.memory_space<hbm>>
    %dma_start3A_244 = arith.constant 64 : i32
    %dma_start3A_245 = arith.constant 0 : i32
    %dma_start3A_246 = tpu.memref_slice %arg6[%dma_start3A_244, %dma_start3A_245] : memref<224x512xf32, #tpu.memory_space<vmem>> -> memref<7x512xf32, #tpu.memory_space<vmem>>
    %dma_start3A_247 = arith.constant 0 : i32
    %dma_start3A_248 = tpu.memref_slice %arg2[%dma_start3A_236, %dma_start3A_237, %dma_start3A_247, %add3A_235] : memref<6x7x7x16384xf32, #tpu.memory_space<hbm>> -> memref<1x1x7x512xf32, #tpu.memory_space<hbm>>
    %dma_start3A_249 = tpu.memref_squeeze %dma_start3A_248 : memref<1x1x7x512xf32, #tpu.memory_space<hbm>> -> memref<7x512xf32, #tpu.memory_space<hbm>>
    tpu.enqueue_dma source(%dma_start3A_249 : memref<7x512xf32, #tpu.memory_space<hbm>>) target(%dma_start3A_246 : memref<7x512xf32, #tpu.memory_space<vmem>>) target_semaphore(%arg8 : memref<!tpu.dma_semaphore, #tpu.memory_space<semaphore_mem>>)
    %add3A_250 = arith.constant 0 : i32
    %add3A_251 = arith.addi %mul3A_2, %add3A_250 : i32
    %dma_start3A_252 = arith.constant 2 : i32
    %dma_start3A_253 = arith.constant 2 : i32
    %dma_start3A_254 = arith.constant 72 : i32
    %dma_start3A_255 = arith.constant 0 : i32
    %dma_start3A_256 = tpu.memref_slice %arg6[%dma_start3A_254, %dma_start3A_255] : memref<224x512xf32, #tpu.memory_space<vmem>> -> memref<7x512xf32, #tpu.memory_space<vmem>>
    %dma_start3A_257 = arith.constant 0 : i32
    %dma_start3A_258 = tpu.memref_slice %arg2[%dma_start3A_252, %dma_start3A_253, %dma_start3A_257, %add3A_251] : memref<6x7x7x16384xf32, #tpu.memory_space<hbm>> -> memref<1x1x7x512xf32, #tpu.memory_space<hbm>>
    %dma_start3A_259 = tpu.memref_squeeze %dma_start3A_258 : memref<1x1x7x512xf32, #tpu.memory_space<hbm>> -> memref<7x512xf32, #tpu.memory_space<hbm>>
    %dma_start3A_260 = arith.constant 72 : i32
    %dma_start3A_261 = arith.constant 0 : i32
    %dma_start3A_262 = tpu.memref_slice %arg6[%dma_start3A_260, %dma_start3A_261] : memref<224x512xf32, #tpu.memory_space<vmem>> -> memref<7x512xf32, #tpu.memory_space<vmem>>
    %dma_start3A_263 = arith.constant 0 : i32
    %dma_start3A_264 = tpu.memref_slice %arg2[%dma_start3A_252, %dma_start3A_253, %dma_start3A_263, %add3A_251] : memref<6x7x7x16384xf32, #tpu.memory_space<hbm>> -> memref<1x1x7x512xf32, #tpu.memory_space<hbm>>
    %dma_start3A_265 = tpu.memref_squeeze %dma_start3A_264 : memref<1x1x7x512xf32, #tpu.memory_space<hbm>> -> memref<7x512xf32, #tpu.memory_space<hbm>>
    tpu.enqueue_dma source(%dma_start3A_265 : memref<7x512xf32, #tpu.memory_space<hbm>>) target(%dma_start3A_262 : memref<7x512xf32, #tpu.memory_space<vmem>>) target_semaphore(%arg8 : memref<!tpu.dma_semaphore, #tpu.memory_space<semaphore_mem>>)
    %add3A_266 = arith.constant 0 : i32
    %add3A_267 = arith.addi %mul3A_2, %add3A_266 : i32
    %dma_start3A_268 = arith.constant 2 : i32
    %dma_start3A_269 = arith.constant 3 : i32
    %dma_start3A_270 = arith.constant 80 : i32
    %dma_start3A_271 = arith.constant 0 : i32
    %dma_start3A_272 = tpu.memref_slice %arg6[%dma_start3A_270, %dma_start3A_271] : memref<224x512xf32, #tpu.memory_space<vmem>> -> memref<7x512xf32, #tpu.memory_space<vmem>>
    %dma_start3A_273 = arith.constant 0 : i32
    %dma_start3A_274 = tpu.memref_slice %arg2[%dma_start3A_268, %dma_start3A_269, %dma_start3A_273, %add3A_267] : memref<6x7x7x16384xf32, #tpu.memory_space<hbm>> -> memref<1x1x7x512xf32, #tpu.memory_space<hbm>>
    %dma_start3A_275 = tpu.memref_squeeze %dma_start3A_274 : memref<1x1x7x512xf32, #tpu.memory_space<hbm>> -> memref<7x512xf32, #tpu.memory_space<hbm>>
    %dma_start3A_276 = arith.constant 80 : i32
    %dma_start3A_277 = arith.constant 0 : i32
    %dma_start3A_278 = tpu.memref_slice %arg6[%dma_start3A_276, %dma_start3A_277] : memref<224x512xf32, #tpu.memory_space<vmem>> -> memref<7x512xf32, #tpu.memory_space<vmem>>
    %dma_start3A_279 = arith.constant 0 : i32
    %dma_start3A_280 = tpu.memref_slice %arg2[%dma_start3A_268, %dma_start3A_269, %dma_start3A_279, %add3A_267] : memref<6x7x7x16384xf32, #tpu.memory_space<hbm>> -> memref<1x1x7x512xf32, #tpu.memory_space<hbm>>
    %dma_start3A_281 = tpu.memref_squeeze %dma_start3A_280 : memref<1x1x7x512xf32, #tpu.memory_space<hbm>> -> memref<7x512xf32, #tpu.memory_space<hbm>>
    tpu.enqueue_dma source(%dma_start3A_281 : memref<7x512xf32, #tpu.memory_space<hbm>>) target(%dma_start3A_278 : memref<7x512xf32, #tpu.memory_space<vmem>>) target_semaphore(%arg8 : memref<!tpu.dma_semaphore, #tpu.memory_space<semaphore_mem>>)
    %add3A_282 = arith.constant 0 : i32
    %add3A_283 = arith.addi %mul3A_2, %add3A_282 : i32
    %dma_start3A_284 = arith.constant 2 : i32
    %dma_start3A_285 = arith.constant 4 : i32
    %dma_start3A_286 = arith.constant 88 : i32
    %dma_start3A_287 = arith.constant 0 : i32
    %dma_start3A_288 = tpu.memref_slice %arg6[%dma_start3A_286, %dma_start3A_287] : memref<224x512xf32, #tpu.memory_space<vmem>> -> memref<7x512xf32, #tpu.memory_space<vmem>>
    %dma_start3A_289 = arith.constant 0 : i32
    %dma_start3A_290 = tpu.memref_slice %arg2[%dma_start3A_284, %dma_start3A_285, %dma_start3A_289, %add3A_283] : memref<6x7x7x16384xf32, #tpu.memory_space<hbm>> -> memref<1x1x7x512xf32, #tpu.memory_space<hbm>>
    %dma_start3A_291 = tpu.memref_squeeze %dma_start3A_290 : memref<1x1x7x512xf32, #tpu.memory_space<hbm>> -> memref<7x512xf32, #tpu.memory_space<hbm>>
    %dma_start3A_292 = arith.constant 88 : i32
    %dma_start3A_293 = arith.constant 0 : i32
    %dma_start3A_294 = tpu.memref_slice %arg6[%dma_start3A_292, %dma_start3A_293] : memref<224x512xf32, #tpu.memory_space<vmem>> -> memref<7x512xf32, #tpu.memory_space<vmem>>
    %dma_start3A_295 = arith.constant 0 : i32
    %dma_start3A_296 = tpu.memref_slice %arg2[%dma_start3A_284, %dma_start3A_285, %dma_start3A_295, %add3A_283] : memref<6x7x7x16384xf32, #tpu.memory_space<hbm>> -> memref<1x1x7x512xf32, #tpu.memory_space<hbm>>
    %dma_start3A_297 = tpu.memref_squeeze %dma_start3A_296 : memref<1x1x7x512xf32, #tpu.memory_space<hbm>> -> memref<7x512xf32, #tpu.memory_space<hbm>>
    tpu.enqueue_dma source(%dma_start3A_297 : memref<7x512xf32, #tpu.memory_space<hbm>>) target(%dma_start3A_294 : memref<7x512xf32, #tpu.memory_space<vmem>>) target_semaphore(%arg8 : memref<!tpu.dma_semaphore, #tpu.memory_space<semaphore_mem>>)
    %add3A_298 = arith.constant 0 : i32
    %add3A_299 = arith.addi %mul3A_2, %add3A_298 : i32
    %dma_start3A_300 = arith.constant 2 : i32
    %dma_start3A_301 = arith.constant 5 : i32
    %dma_start3A_302 = arith.constant 96 : i32
    %dma_start3A_303 = arith.constant 0 : i32
    %dma_start3A_304 = tpu.memref_slice %arg6[%dma_start3A_302, %dma_start3A_303] : memref<224x512xf32, #tpu.memory_space<vmem>> -> memref<7x512xf32, #tpu.memory_space<vmem>>
    %dma_start3A_305 = arith.constant 0 : i32
    %dma_start3A_306 = tpu.memref_slice %arg2[%dma_start3A_300, %dma_start3A_301, %dma_start3A_305, %add3A_299] : memref<6x7x7x16384xf32, #tpu.memory_space<hbm>> -> memref<1x1x7x512xf32, #tpu.memory_space<hbm>>
    %dma_start3A_307 = tpu.memref_squeeze %dma_start3A_306 : memref<1x1x7x512xf32, #tpu.memory_space<hbm>> -> memref<7x512xf32, #tpu.memory_space<hbm>>
    %dma_start3A_308 = arith.constant 96 : i32
    %dma_start3A_309 = arith.constant 0 : i32
    %dma_start3A_310 = tpu.memref_slice %arg6[%dma_start3A_308, %dma_start3A_309] : memref<224x512xf32, #tpu.memory_space<vmem>> -> memref<7x512xf32, #tpu.memory_space<vmem>>
    %dma_start3A_311 = arith.constant 0 : i32
    %dma_start3A_312 = tpu.memref_slice %arg2[%dma_start3A_300, %dma_start3A_301, %dma_start3A_311, %add3A_299] : memref<6x7x7x16384xf32, #tpu.memory_space<hbm>> -> memref<1x1x7x512xf32, #tpu.memory_space<hbm>>
    %dma_start3A_313 = tpu.memref_squeeze %dma_start3A_312 : memref<1x1x7x512xf32, #tpu.memory_space<hbm>> -> memref<7x512xf32, #tpu.memory_space<hbm>>
    tpu.enqueue_dma source(%dma_start3A_313 : memref<7x512xf32, #tpu.memory_space<hbm>>) target(%dma_start3A_310 : memref<7x512xf32, #tpu.memory_space<vmem>>) target_semaphore(%arg8 : memref<!tpu.dma_semaphore, #tpu.memory_space<semaphore_mem>>)
    %add3A_314 = arith.constant 0 : i32
    %add3A_315 = arith.addi %mul3A_2, %add3A_314 : i32
    %dma_start3A_316 = arith.constant 2 : i32
    %dma_start3A_317 = arith.constant 6 : i32
    %dma_start3A_318 = arith.constant 104 : i32
    %dma_start3A_319 = arith.constant 0 : i32
    %dma_start3A_320 = tpu.memref_slice %arg6[%dma_start3A_318, %dma_start3A_319] : memref<224x512xf32, #tpu.memory_space<vmem>> -> memref<7x512xf32, #tpu.memory_space<vmem>>
    %dma_start3A_321 = arith.constant 0 : i32
    %dma_start3A_322 = tpu.memref_slice %arg2[%dma_start3A_316, %dma_start3A_317, %dma_start3A_321, %add3A_315] : memref<6x7x7x16384xf32, #tpu.memory_space<hbm>> -> memref<1x1x7x512xf32, #tpu.memory_space<hbm>>
    %dma_start3A_323 = tpu.memref_squeeze %dma_start3A_322 : memref<1x1x7x512xf32, #tpu.memory_space<hbm>> -> memref<7x512xf32, #tpu.memory_space<hbm>>
    %dma_start3A_324 = arith.constant 104 : i32
    %dma_start3A_325 = arith.constant 0 : i32
    %dma_start3A_326 = tpu.memref_slice %arg6[%dma_start3A_324, %dma_start3A_325] : memref<224x512xf32, #tpu.memory_space<vmem>> -> memref<7x512xf32, #tpu.memory_space<vmem>>
    %dma_start3A_327 = arith.constant 0 : i32
    %dma_start3A_328 = tpu.memref_slice %arg2[%dma_start3A_316, %dma_start3A_317, %dma_start3A_327, %add3A_315] : memref<6x7x7x16384xf32, #tpu.memory_space<hbm>> -> memref<1x1x7x512xf32, #tpu.memory_space<hbm>>
    %dma_start3A_329 = tpu.memref_squeeze %dma_start3A_328 : memref<1x1x7x512xf32, #tpu.memory_space<hbm>> -> memref<7x512xf32, #tpu.memory_space<hbm>>
    tpu.enqueue_dma source(%dma_start3A_329 : memref<7x512xf32, #tpu.memory_space<hbm>>) target(%dma_start3A_326 : memref<7x512xf32, #tpu.memory_space<vmem>>) target_semaphore(%arg8 : memref<!tpu.dma_semaphore, #tpu.memory_space<semaphore_mem>>)
    %add3A_330 = arith.constant 0 : i32
    %add3A_331 = arith.addi %mul3A_2, %add3A_330 : i32
    %dma_start3A_332 = arith.constant 4 : i32
    %dma_start3A_333 = arith.constant 0 : i32
    %dma_start3A_334 = arith.constant 112 : i32
    %dma_start3A_335 = arith.constant 0 : i32
    %dma_start3A_336 = tpu.memref_slice %arg6[%dma_start3A_334, %dma_start3A_335] : memref<224x512xf32, #tpu.memory_space<vmem>> -> memref<7x512xf32, #tpu.memory_space<vmem>>
    %dma_start3A_337 = arith.constant 0 : i32
    %dma_start3A_338 = tpu.memref_slice %arg2[%dma_start3A_332, %dma_start3A_333, %dma_start3A_337, %add3A_331] : memref<6x7x7x16384xf32, #tpu.memory_space<hbm>> -> memref<1x1x7x512xf32, #tpu.memory_space<hbm>>
    %dma_start3A_339 = tpu.memref_squeeze %dma_start3A_338 : memref<1x1x7x512xf32, #tpu.memory_space<hbm>> -> memref<7x512xf32, #tpu.memory_space<hbm>>
    %dma_start3A_340 = arith.constant 112 : i32
    %dma_start3A_341 = arith.constant 0 : i32
    %dma_start3A_342 = tpu.memref_slice %arg6[%dma_start3A_340, %dma_start3A_341] : memref<224x512xf32, #tpu.memory_space<vmem>> -> memref<7x512xf32, #tpu.memory_space<vmem>>
    %dma_start3A_343 = arith.constant 0 : i32
    %dma_start3A_344 = tpu.memref_slice %arg2[%dma_start3A_332, %dma_start3A_333, %dma_start3A_343, %add3A_331] : memref<6x7x7x16384xf32, #tpu.memory_space<hbm>> -> memref<1x1x7x512xf32, #tpu.memory_space<hbm>>
    %dma_start3A_345 = tpu.memref_squeeze %dma_start3A_344 : memref<1x1x7x512xf32, #tpu.memory_space<hbm>> -> memref<7x512xf32, #tpu.memory_space<hbm>>
    tpu.enqueue_dma source(%dma_start3A_345 : memref<7x512xf32, #tpu.memory_space<hbm>>) target(%dma_start3A_342 : memref<7x512xf32, #tpu.memory_space<vmem>>) target_semaphore(%arg8 : memref<!tpu.dma_semaphore, #tpu.memory_space<semaphore_mem>>)
    %add3A_346 = arith.constant 0 : i32
    %add3A_347 = arith.addi %mul3A_2, %add3A_346 : i32
    %dma_start3A_348 = arith.constant 4 : i32
    %dma_start3A_349 = arith.constant 1 : i32
    %dma_start3A_350 = arith.constant 120 : i32
    %dma_start3A_351 = arith.constant 0 : i32
    %dma_start3A_352 = tpu.memref_slice %arg6[%dma_start3A_350, %dma_start3A_351] : memref<224x512xf32, #tpu.memory_space<vmem>> -> memref<7x512xf32, #tpu.memory_space<vmem>>
    %dma_start3A_353 = arith.constant 0 : i32
    %dma_start3A_354 = tpu.memref_slice %arg2[%dma_start3A_348, %dma_start3A_349, %dma_start3A_353, %add3A_347] : memref<6x7x7x16384xf32, #tpu.memory_space<hbm>> -> memref<1x1x7x512xf32, #tpu.memory_space<hbm>>
    %dma_start3A_355 = tpu.memref_squeeze %dma_start3A_354 : memref<1x1x7x512xf32, #tpu.memory_space<hbm>> -> memref<7x512xf32, #tpu.memory_space<hbm>>
    %dma_start3A_356 = arith.constant 120 : i32
    %dma_start3A_357 = arith.constant 0 : i32
    %dma_start3A_358 = tpu.memref_slice %arg6[%dma_start3A_356, %dma_start3A_357] : memref<224x512xf32, #tpu.memory_space<vmem>> -> memref<7x512xf32, #tpu.memory_space<vmem>>
    %dma_start3A_359 = arith.constant 0 : i32
    %dma_start3A_360 = tpu.memref_slice %arg2[%dma_start3A_348, %dma_start3A_349, %dma_start3A_359, %add3A_347] : memref<6x7x7x16384xf32, #tpu.memory_space<hbm>> -> memref<1x1x7x512xf32, #tpu.memory_space<hbm>>
    %dma_start3A_361 = tpu.memref_squeeze %dma_start3A_360 : memref<1x1x7x512xf32, #tpu.memory_space<hbm>> -> memref<7x512xf32, #tpu.memory_space<hbm>>
    tpu.enqueue_dma source(%dma_start3A_361 : memref<7x512xf32, #tpu.memory_space<hbm>>) target(%dma_start3A_358 : memref<7x512xf32, #tpu.memory_space<vmem>>) target_semaphore(%arg8 : memref<!tpu.dma_semaphore, #tpu.memory_space<semaphore_mem>>)
    %add3A_362 = arith.constant 0 : i32
    %add3A_363 = arith.addi %mul3A_2, %add3A_362 : i32
    %dma_start3A_364 = arith.constant 4 : i32
    %dma_start3A_365 = arith.constant 2 : i32
    %dma_start3A_366 = arith.constant 128 : i32
    %dma_start3A_367 = arith.constant 0 : i32
    %dma_start3A_368 = tpu.memref_slice %arg6[%dma_start3A_366, %dma_start3A_367] : memref<224x512xf32, #tpu.memory_space<vmem>> -> memref<7x512xf32, #tpu.memory_space<vmem>>
    %dma_start3A_369 = arith.constant 0 : i32
    %dma_start3A_370 = tpu.memref_slice %arg2[%dma_start3A_364, %dma_start3A_365, %dma_start3A_369, %add3A_363] : memref<6x7x7x16384xf32, #tpu.memory_space<hbm>> -> memref<1x1x7x512xf32, #tpu.memory_space<hbm>>
    %dma_start3A_371 = tpu.memref_squeeze %dma_start3A_370 : memref<1x1x7x512xf32, #tpu.memory_space<hbm>> -> memref<7x512xf32, #tpu.memory_space<hbm>>
    %dma_start3A_372 = arith.constant 128 : i32
    %dma_start3A_373 = arith.constant 0 : i32
    %dma_start3A_374 = tpu.memref_slice %arg6[%dma_start3A_372, %dma_start3A_373] : memref<224x512xf32, #tpu.memory_space<vmem>> -> memref<7x512xf32, #tpu.memory_space<vmem>>
    %dma_start3A_375 = arith.constant 0 : i32
    %dma_start3A_376 = tpu.memref_slice %arg2[%dma_start3A_364, %dma_start3A_365, %dma_start3A_375, %add3A_363] : memref<6x7x7x16384xf32, #tpu.memory_space<hbm>> -> memref<1x1x7x512xf32, #tpu.memory_space<hbm>>
    %dma_start3A_377 = tpu.memref_squeeze %dma_start3A_376 : memref<1x1x7x512xf32, #tpu.memory_space<hbm>> -> memref<7x512xf32, #tpu.memory_space<hbm>>
    tpu.enqueue_dma source(%dma_start3A_377 : memref<7x512xf32, #tpu.memory_space<hbm>>) target(%dma_start3A_374 : memref<7x512xf32, #tpu.memory_space<vmem>>) target_semaphore(%arg8 : memref<!tpu.dma_semaphore, #tpu.memory_space<semaphore_mem>>)
    %add3A_378 = arith.constant 0 : i32
    %add3A_379 = arith.addi %mul3A_2, %add3A_378 : i32
    %dma_start3A_380 = arith.constant 4 : i32
    %dma_start3A_381 = arith.constant 3 : i32
    %dma_start3A_382 = arith.constant 136 : i32
    %dma_start3A_383 = arith.constant 0 : i32
    %dma_start3A_384 = tpu.memref_slice %arg6[%dma_start3A_382, %dma_start3A_383] : memref<224x512xf32, #tpu.memory_space<vmem>> -> memref<7x512xf32, #tpu.memory_space<vmem>>
    %dma_start3A_385 = arith.constant 0 : i32
    %dma_start3A_386 = tpu.memref_slice %arg2[%dma_start3A_380, %dma_start3A_381, %dma_start3A_385, %add3A_379] : memref<6x7x7x16384xf32, #tpu.memory_space<hbm>> -> memref<1x1x7x512xf32, #tpu.memory_space<hbm>>
    %dma_start3A_387 = tpu.memref_squeeze %dma_start3A_386 : memref<1x1x7x512xf32, #tpu.memory_space<hbm>> -> memref<7x512xf32, #tpu.memory_space<hbm>>
    %dma_start3A_388 = arith.constant 136 : i32
    %dma_start3A_389 = arith.constant 0 : i32
    %dma_start3A_390 = tpu.memref_slice %arg6[%dma_start3A_388, %dma_start3A_389] : memref<224x512xf32, #tpu.memory_space<vmem>> -> memref<7x512xf32, #tpu.memory_space<vmem>>
    %dma_start3A_391 = arith.constant 0 : i32
    %dma_start3A_392 = tpu.memref_slice %arg2[%dma_start3A_380, %dma_start3A_381, %dma_start3A_391, %add3A_379] : memref<6x7x7x16384xf32, #tpu.memory_space<hbm>> -> memref<1x1x7x512xf32, #tpu.memory_space<hbm>>
    %dma_start3A_393 = tpu.memref_squeeze %dma_start3A_392 : memref<1x1x7x512xf32, #tpu.memory_space<hbm>> -> memref<7x512xf32, #tpu.memory_space<hbm>>
    tpu.enqueue_dma source(%dma_start3A_393 : memref<7x512xf32, #tpu.memory_space<hbm>>) target(%dma_start3A_390 : memref<7x512xf32, #tpu.memory_space<vmem>>) target_semaphore(%arg8 : memref<!tpu.dma_semaphore, #tpu.memory_space<semaphore_mem>>)
    %add3A_394 = arith.constant 0 : i32
    %add3A_395 = arith.addi %mul3A_2, %add3A_394 : i32
    %dma_start3A_396 = arith.constant 4 : i32
    %dma_start3A_397 = arith.constant 4 : i32
    %dma_start3A_398 = arith.constant 144 : i32
    %dma_start3A_399 = arith.constant 0 : i32
    %dma_start3A_400 = tpu.memref_slice %arg6[%dma_start3A_398, %dma_start3A_399] : memref<224x512xf32, #tpu.memory_space<vmem>> -> memref<7x512xf32, #tpu.memory_space<vmem>>
    %dma_start3A_401 = arith.constant 0 : i32
    %dma_start3A_402 = tpu.memref_slice %arg2[%dma_start3A_396, %dma_start3A_397, %dma_start3A_401, %add3A_395] : memref<6x7x7x16384xf32, #tpu.memory_space<hbm>> -> memref<1x1x7x512xf32, #tpu.memory_space<hbm>>
    %dma_start3A_403 = tpu.memref_squeeze %dma_start3A_402 : memref<1x1x7x512xf32, #tpu.memory_space<hbm>> -> memref<7x512xf32, #tpu.memory_space<hbm>>
    %dma_start3A_404 = arith.constant 144 : i32
    %dma_start3A_405 = arith.constant 0 : i32
    %dma_start3A_406 = tpu.memref_slice %arg6[%dma_start3A_404, %dma_start3A_405] : memref<224x512xf32, #tpu.memory_space<vmem>> -> memref<7x512xf32, #tpu.memory_space<vmem>>
    %dma_start3A_407 = arith.constant 0 : i32
    %dma_start3A_408 = tpu.memref_slice %arg2[%dma_start3A_396, %dma_start3A_397, %dma_start3A_407, %add3A_395] : memref<6x7x7x16384xf32, #tpu.memory_space<hbm>> -> memref<1x1x7x512xf32, #tpu.memory_space<hbm>>
    %dma_start3A_409 = tpu.memref_squeeze %dma_start3A_408 : memref<1x1x7x512xf32, #tpu.memory_space<hbm>> -> memref<7x512xf32, #tpu.memory_space<hbm>>
    tpu.enqueue_dma source(%dma_start3A_409 : memref<7x512xf32, #tpu.memory_space<hbm>>) target(%dma_start3A_406 : memref<7x512xf32, #tpu.memory_space<vmem>>) target_semaphore(%arg8 : memref<!tpu.dma_semaphore, #tpu.memory_space<semaphore_mem>>)
    %add3A_410 = arith.constant 0 : i32
    %add3A_411 = arith.addi %mul3A_2, %add3A_410 : i32
    %dma_start3A_412 = arith.constant 4 : i32
    %dma_start3A_413 = arith.constant 5 : i32
    %dma_start3A_414 = arith.constant 152 : i32
    %dma_start3A_415 = arith.constant 0 : i32
    %dma_start3A_416 = tpu.memref_slice %arg6[%dma_start3A_414, %dma_start3A_415] : memref<224x512xf32, #tpu.memory_space<vmem>> -> memref<7x512xf32, #tpu.memory_space<vmem>>
    %dma_start3A_417 = arith.constant 0 : i32
    %dma_start3A_418 = tpu.memref_slice %arg2[%dma_start3A_412, %dma_start3A_413, %dma_start3A_417, %add3A_411] : memref<6x7x7x16384xf32, #tpu.memory_space<hbm>> -> memref<1x1x7x512xf32, #tpu.memory_space<hbm>>
    %dma_start3A_419 = tpu.memref_squeeze %dma_start3A_418 : memref<1x1x7x512xf32, #tpu.memory_space<hbm>> -> memref<7x512xf32, #tpu.memory_space<hbm>>
    %dma_start3A_420 = arith.constant 152 : i32
    %dma_start3A_421 = arith.constant 0 : i32
    %dma_start3A_422 = tpu.memref_slice %arg6[%dma_start3A_420, %dma_start3A_421] : memref<224x512xf32, #tpu.memory_space<vmem>> -> memref<7x512xf32, #tpu.memory_space<vmem>>
    %dma_start3A_423 = arith.constant 0 : i32
    %dma_start3A_424 = tpu.memref_slice %arg2[%dma_start3A_412, %dma_start3A_413, %dma_start3A_423, %add3A_411] : memref<6x7x7x16384xf32, #tpu.memory_space<hbm>> -> memref<1x1x7x512xf32, #tpu.memory_space<hbm>>
    %dma_start3A_425 = tpu.memref_squeeze %dma_start3A_424 : memref<1x1x7x512xf32, #tpu.memory_space<hbm>> -> memref<7x512xf32, #tpu.memory_space<hbm>>
    tpu.enqueue_dma source(%dma_start3A_425 : memref<7x512xf32, #tpu.memory_space<hbm>>) target(%dma_start3A_422 : memref<7x512xf32, #tpu.memory_space<vmem>>) target_semaphore(%arg8 : memref<!tpu.dma_semaphore, #tpu.memory_space<semaphore_mem>>)
    %add3A_426 = arith.constant 0 : i32
    %add3A_427 = arith.addi %mul3A_2, %add3A_426 : i32
    %dma_start3A_428 = arith.constant 4 : i32
    %dma_start3A_429 = arith.constant 6 : i32
    %dma_start3A_430 = arith.constant 160 : i32
    %dma_start3A_431 = arith.constant 0 : i32
    %dma_start3A_432 = tpu.memref_slice %arg6[%dma_start3A_430, %dma_start3A_431] : memref<224x512xf32, #tpu.memory_space<vmem>> -> memref<7x512xf32, #tpu.memory_space<vmem>>
    %dma_start3A_433 = arith.constant 0 : i32
    %dma_start3A_434 = tpu.memref_slice %arg2[%dma_start3A_428, %dma_start3A_429, %dma_start3A_433, %add3A_427] : memref<6x7x7x16384xf32, #tpu.memory_space<hbm>> -> memref<1x1x7x512xf32, #tpu.memory_space<hbm>>
    %dma_start3A_435 = tpu.memref_squeeze %dma_start3A_434 : memref<1x1x7x512xf32, #tpu.memory_space<hbm>> -> memref<7x512xf32, #tpu.memory_space<hbm>>
    %dma_start3A_436 = arith.constant 160 : i32
    %dma_start3A_437 = arith.constant 0 : i32
    %dma_start3A_438 = tpu.memref_slice %arg6[%dma_start3A_436, %dma_start3A_437] : memref<224x512xf32, #tpu.memory_space<vmem>> -> memref<7x512xf32, #tpu.memory_space<vmem>>
    %dma_start3A_439 = arith.constant 0 : i32
    %dma_start3A_440 = tpu.memref_slice %arg2[%dma_start3A_428, %dma_start3A_429, %dma_start3A_439, %add3A_427] : memref<6x7x7x16384xf32, #tpu.memory_space<hbm>> -> memref<1x1x7x512xf32, #tpu.memory_space<hbm>>
    %dma_start3A_441 = tpu.memref_squeeze %dma_start3A_440 : memref<1x1x7x512xf32, #tpu.memory_space<hbm>> -> memref<7x512xf32, #tpu.memory_space<hbm>>
    tpu.enqueue_dma source(%dma_start3A_441 : memref<7x512xf32, #tpu.memory_space<hbm>>) target(%dma_start3A_438 : memref<7x512xf32, #tpu.memory_space<vmem>>) target_semaphore(%arg8 : memref<!tpu.dma_semaphore, #tpu.memory_space<semaphore_mem>>)
    %add3A_442 = arith.constant 0 : i32
    %add3A_443 = arith.addi %mul3A_2, %add3A_442 : i32
    %dma_start3A_444 = arith.constant 5 : i32
    %dma_start3A_445 = arith.constant 0 : i32
    %dma_start3A_446 = arith.constant 168 : i32
    %dma_start3A_447 = arith.constant 0 : i32
    %dma_start3A_448 = tpu.memref_slice %arg6[%dma_start3A_446, %dma_start3A_447] : memref<224x512xf32, #tpu.memory_space<vmem>> -> memref<7x512xf32, #tpu.memory_space<vmem>>
    %dma_start3A_449 = arith.constant 0 : i32
    %dma_start3A_450 = tpu.memref_slice %arg2[%dma_start3A_444, %dma_start3A_445, %dma_start3A_449, %add3A_443] : memref<6x7x7x16384xf32, #tpu.memory_space<hbm>> -> memref<1x1x7x512xf32, #tpu.memory_space<hbm>>
    %dma_start3A_451 = tpu.memref_squeeze %dma_start3A_450 : memref<1x1x7x512xf32, #tpu.memory_space<hbm>> -> memref<7x512xf32, #tpu.memory_space<hbm>>
    %dma_start3A_452 = arith.constant 168 : i32
    %dma_start3A_453 = arith.constant 0 : i32
    %dma_start3A_454 = tpu.memref_slice %arg6[%dma_start3A_452, %dma_start3A_453] : memref<224x512xf32, #tpu.memory_space<vmem>> -> memref<7x512xf32, #tpu.memory_space<vmem>>
    %dma_start3A_455 = arith.constant 0 : i32
    %dma_start3A_456 = tpu.memref_slice %arg2[%dma_start3A_444, %dma_start3A_445, %dma_start3A_455, %add3A_443] : memref<6x7x7x16384xf32, #tpu.memory_space<hbm>> -> memref<1x1x7x512xf32, #tpu.memory_space<hbm>>
    %dma_start3A_457 = tpu.memref_squeeze %dma_start3A_456 : memref<1x1x7x512xf32, #tpu.memory_space<hbm>> -> memref<7x512xf32, #tpu.memory_space<hbm>>
    tpu.enqueue_dma source(%dma_start3A_457 : memref<7x512xf32, #tpu.memory_space<hbm>>) target(%dma_start3A_454 : memref<7x512xf32, #tpu.memory_space<vmem>>) target_semaphore(%arg8 : memref<!tpu.dma_semaphore, #tpu.memory_space<semaphore_mem>>)
    %add3A_458 = arith.constant 0 : i32
    %add3A_459 = arith.addi %mul3A_2, %add3A_458 : i32
    %dma_start3A_460 = arith.constant 5 : i32
    %dma_start3A_461 = arith.constant 1 : i32
    %dma_start3A_462 = arith.constant 176 : i32
    %dma_start3A_463 = arith.constant 0 : i32
    %dma_start3A_464 = tpu.memref_slice %arg6[%dma_start3A_462, %dma_start3A_463] : memref<224x512xf32, #tpu.memory_space<vmem>> -> memref<7x512xf32, #tpu.memory_space<vmem>>
    %dma_start3A_465 = arith.constant 0 : i32
    %dma_start3A_466 = tpu.memref_slice %arg2[%dma_start3A_460, %dma_start3A_461, %dma_start3A_465, %add3A_459] : memref<6x7x7x16384xf32, #tpu.memory_space<hbm>> -> memref<1x1x7x512xf32, #tpu.memory_space<hbm>>
    %dma_start3A_467 = tpu.memref_squeeze %dma_start3A_466 : memref<1x1x7x512xf32, #tpu.memory_space<hbm>> -> memref<7x512xf32, #tpu.memory_space<hbm>>
    %dma_start3A_468 = arith.constant 176 : i32
    %dma_start3A_469 = arith.constant 0 : i32
    %dma_start3A_470 = tpu.memref_slice %arg6[%dma_start3A_468, %dma_start3A_469] : memref<224x512xf32, #tpu.memory_space<vmem>> -> memref<7x512xf32, #tpu.memory_space<vmem>>
    %dma_start3A_471 = arith.constant 0 : i32
    %dma_start3A_472 = tpu.memref_slice %arg2[%dma_start3A_460, %dma_start3A_461, %dma_start3A_471, %add3A_459] : memref<6x7x7x16384xf32, #tpu.memory_space<hbm>> -> memref<1x1x7x512xf32, #tpu.memory_space<hbm>>
    %dma_start3A_473 = tpu.memref_squeeze %dma_start3A_472 : memref<1x1x7x512xf32, #tpu.memory_space<hbm>> -> memref<7x512xf32, #tpu.memory_space<hbm>>
    tpu.enqueue_dma source(%dma_start3A_473 : memref<7x512xf32, #tpu.memory_space<hbm>>) target(%dma_start3A_470 : memref<7x512xf32, #tpu.memory_space<vmem>>) target_semaphore(%arg8 : memref<!tpu.dma_semaphore, #tpu.memory_space<semaphore_mem>>)
    %add3A_474 = arith.constant 0 : i32
    %add3A_475 = arith.addi %mul3A_2, %add3A_474 : i32
    %dma_start3A_476 = arith.constant 5 : i32
    %dma_start3A_477 = arith.constant 2 : i32
    %dma_start3A_478 = arith.constant 184 : i32
    %dma_start3A_479 = arith.constant 0 : i32
    %dma_start3A_480 = tpu.memref_slice %arg6[%dma_start3A_478, %dma_start3A_479] : memref<224x512xf32, #tpu.memory_space<vmem>> -> memref<7x512xf32, #tpu.memory_space<vmem>>
    %dma_start3A_481 = arith.constant 0 : i32
    %dma_start3A_482 = tpu.memref_slice %arg2[%dma_start3A_476, %dma_start3A_477, %dma_start3A_481, %add3A_475] : memref<6x7x7x16384xf32, #tpu.memory_space<hbm>> -> memref<1x1x7x512xf32, #tpu.memory_space<hbm>>
    %dma_start3A_483 = tpu.memref_squeeze %dma_start3A_482 : memref<1x1x7x512xf32, #tpu.memory_space<hbm>> -> memref<7x512xf32, #tpu.memory_space<hbm>>
    %dma_start3A_484 = arith.constant 184 : i32
    %dma_start3A_485 = arith.constant 0 : i32
    %dma_start3A_486 = tpu.memref_slice %arg6[%dma_start3A_484, %dma_start3A_485] : memref<224x512xf32, #tpu.memory_space<vmem>> -> memref<7x512xf32, #tpu.memory_space<vmem>>
    %dma_start3A_487 = arith.constant 0 : i32
    %dma_start3A_488 = tpu.memref_slice %arg2[%dma_start3A_476, %dma_start3A_477, %dma_start3A_487, %add3A_475] : memref<6x7x7x16384xf32, #tpu.memory_space<hbm>> -> memref<1x1x7x512xf32, #tpu.memory_space<hbm>>
    %dma_start3A_489 = tpu.memref_squeeze %dma_start3A_488 : memref<1x1x7x512xf32, #tpu.memory_space<hbm>> -> memref<7x512xf32, #tpu.memory_space<hbm>>
    tpu.enqueue_dma source(%dma_start3A_489 : memref<7x512xf32, #tpu.memory_space<hbm>>) target(%dma_start3A_486 : memref<7x512xf32, #tpu.memory_space<vmem>>) target_semaphore(%arg8 : memref<!tpu.dma_semaphore, #tpu.memory_space<semaphore_mem>>)
    %add3A_490 = arith.constant 0 : i32
    %add3A_491 = arith.addi %mul3A_2, %add3A_490 : i32
    %dma_start3A_492 = arith.constant 5 : i32
    %dma_start3A_493 = arith.constant 3 : i32
    %dma_start3A_494 = arith.constant 192 : i32
    %dma_start3A_495 = arith.constant 0 : i32
    %dma_start3A_496 = tpu.memref_slice %arg6[%dma_start3A_494, %dma_start3A_495] : memref<224x512xf32, #tpu.memory_space<vmem>> -> memref<7x512xf32, #tpu.memory_space<vmem>>
    %dma_start3A_497 = arith.constant 0 : i32
    %dma_start3A_498 = tpu.memref_slice %arg2[%dma_start3A_492, %dma_start3A_493, %dma_start3A_497, %add3A_491] : memref<6x7x7x16384xf32, #tpu.memory_space<hbm>> -> memref<1x1x7x512xf32, #tpu.memory_space<hbm>>
    %dma_start3A_499 = tpu.memref_squeeze %dma_start3A_498 : memref<1x1x7x512xf32, #tpu.memory_space<hbm>> -> memref<7x512xf32, #tpu.memory_space<hbm>>
    %dma_start3A_500 = arith.constant 192 : i32
    %dma_start3A_501 = arith.constant 0 : i32
    %dma_start3A_502 = tpu.memref_slice %arg6[%dma_start3A_500, %dma_start3A_501] : memref<224x512xf32, #tpu.memory_space<vmem>> -> memref<7x512xf32, #tpu.memory_space<vmem>>
    %dma_start3A_503 = arith.constant 0 : i32
    %dma_start3A_504 = tpu.memref_slice %arg2[%dma_start3A_492, %dma_start3A_493, %dma_start3A_503, %add3A_491] : memref<6x7x7x16384xf32, #tpu.memory_space<hbm>> -> memref<1x1x7x512xf32, #tpu.memory_space<hbm>>
    %dma_start3A_505 = tpu.memref_squeeze %dma_start3A_504 : memref<1x1x7x512xf32, #tpu.memory_space<hbm>> -> memref<7x512xf32, #tpu.memory_space<hbm>>
    tpu.enqueue_dma source(%dma_start3A_505 : memref<7x512xf32, #tpu.memory_space<hbm>>) target(%dma_start3A_502 : memref<7x512xf32, #tpu.memory_space<vmem>>) target_semaphore(%arg8 : memref<!tpu.dma_semaphore, #tpu.memory_space<semaphore_mem>>)
    %add3A_506 = arith.constant 0 : i32
    %add3A_507 = arith.addi %mul3A_2, %add3A_506 : i32
    %dma_start3A_508 = arith.constant 5 : i32
    %dma_start3A_509 = arith.constant 4 : i32
    %dma_start3A_510 = arith.constant 200 : i32
    %dma_start3A_511 = arith.constant 0 : i32
    %dma_start3A_512 = tpu.memref_slice %arg6[%dma_start3A_510, %dma_start3A_511] : memref<224x512xf32, #tpu.memory_space<vmem>> -> memref<7x512xf32, #tpu.memory_space<vmem>>
    %dma_start3A_513 = arith.constant 0 : i32
    %dma_start3A_514 = tpu.memref_slice %arg2[%dma_start3A_508, %dma_start3A_509, %dma_start3A_513, %add3A_507] : memref<6x7x7x16384xf32, #tpu.memory_space<hbm>> -> memref<1x1x7x512xf32, #tpu.memory_space<hbm>>
    %dma_start3A_515 = tpu.memref_squeeze %dma_start3A_514 : memref<1x1x7x512xf32, #tpu.memory_space<hbm>> -> memref<7x512xf32, #tpu.memory_space<hbm>>
    %dma_start3A_516 = arith.constant 200 : i32
    %dma_start3A_517 = arith.constant 0 : i32
    %dma_start3A_518 = tpu.memref_slice %arg6[%dma_start3A_516, %dma_start3A_517] : memref<224x512xf32, #tpu.memory_space<vmem>> -> memref<7x512xf32, #tpu.memory_space<vmem>>
    %dma_start3A_519 = arith.constant 0 : i32
    %dma_start3A_520 = tpu.memref_slice %arg2[%dma_start3A_508, %dma_start3A_509, %dma_start3A_519, %add3A_507] : memref<6x7x7x16384xf32, #tpu.memory_space<hbm>> -> memref<1x1x7x512xf32, #tpu.memory_space<hbm>>
    %dma_start3A_521 = tpu.memref_squeeze %dma_start3A_520 : memref<1x1x7x512xf32, #tpu.memory_space<hbm>> -> memref<7x512xf32, #tpu.memory_space<hbm>>
    tpu.enqueue_dma source(%dma_start3A_521 : memref<7x512xf32, #tpu.memory_space<hbm>>) target(%dma_start3A_518 : memref<7x512xf32, #tpu.memory_space<vmem>>) target_semaphore(%arg8 : memref<!tpu.dma_semaphore, #tpu.memory_space<semaphore_mem>>)
    %add3A_522 = arith.constant 0 : i32
    %add3A_523 = arith.addi %mul3A_2, %add3A_522 : i32
    %dma_start3A_524 = arith.constant 5 : i32
    %dma_start3A_525 = arith.constant 5 : i32
    %dma_start3A_526 = arith.constant 208 : i32
    %dma_start3A_527 = arith.constant 0 : i32
    %dma_start3A_528 = tpu.memref_slice %arg6[%dma_start3A_526, %dma_start3A_527] : memref<224x512xf32, #tpu.memory_space<vmem>> -> memref<7x512xf32, #tpu.memory_space<vmem>>
    %dma_start3A_529 = arith.constant 0 : i32
    %dma_start3A_530 = tpu.memref_slice %arg2[%dma_start3A_524, %dma_start3A_525, %dma_start3A_529, %add3A_523] : memref<6x7x7x16384xf32, #tpu.memory_space<hbm>> -> memref<1x1x7x512xf32, #tpu.memory_space<hbm>>
    %dma_start3A_531 = tpu.memref_squeeze %dma_start3A_530 : memref<1x1x7x512xf32, #tpu.memory_space<hbm>> -> memref<7x512xf32, #tpu.memory_space<hbm>>
    %dma_start3A_532 = arith.constant 208 : i32
    %dma_start3A_533 = arith.constant 0 : i32
    %dma_start3A_534 = tpu.memref_slice %arg6[%dma_start3A_532, %dma_start3A_533] : memref<224x512xf32, #tpu.memory_space<vmem>> -> memref<7x512xf32, #tpu.memory_space<vmem>>
    %dma_start3A_535 = arith.constant 0 : i32
    %dma_start3A_536 = tpu.memref_slice %arg2[%dma_start3A_524, %dma_start3A_525, %dma_start3A_535, %add3A_523] : memref<6x7x7x16384xf32, #tpu.memory_space<hbm>> -> memref<1x1x7x512xf32, #tpu.memory_space<hbm>>
    %dma_start3A_537 = tpu.memref_squeeze %dma_start3A_536 : memref<1x1x7x512xf32, #tpu.memory_space<hbm>> -> memref<7x512xf32, #tpu.memory_space<hbm>>
    tpu.enqueue_dma source(%dma_start3A_537 : memref<7x512xf32, #tpu.memory_space<hbm>>) target(%dma_start3A_534 : memref<7x512xf32, #tpu.memory_space<vmem>>) target_semaphore(%arg8 : memref<!tpu.dma_semaphore, #tpu.memory_space<semaphore_mem>>)
    %add3A_538 = arith.constant 0 : i32
    %add3A_539 = arith.addi %mul3A_2, %add3A_538 : i32
    %dma_start3A_540 = arith.constant 5 : i32
    %dma_start3A_541 = arith.constant 6 : i32
    %dma_start3A_542 = arith.constant 216 : i32
    %dma_start3A_543 = arith.constant 0 : i32
    %dma_start3A_544 = tpu.memref_slice %arg6[%dma_start3A_542, %dma_start3A_543] : memref<224x512xf32, #tpu.memory_space<vmem>> -> memref<7x512xf32, #tpu.memory_space<vmem>>
    %dma_start3A_545 = arith.constant 0 : i32
    %dma_start3A_546 = tpu.memref_slice %arg2[%dma_start3A_540, %dma_start3A_541, %dma_start3A_545, %add3A_539] : memref<6x7x7x16384xf32, #tpu.memory_space<hbm>> -> memref<1x1x7x512xf32, #tpu.memory_space<hbm>>
    %dma_start3A_547 = tpu.memref_squeeze %dma_start3A_546 : memref<1x1x7x512xf32, #tpu.memory_space<hbm>> -> memref<7x512xf32, #tpu.memory_space<hbm>>
    %dma_start3A_548 = arith.constant 216 : i32
    %dma_start3A_549 = arith.constant 0 : i32
    %dma_start3A_550 = tpu.memref_slice %arg6[%dma_start3A_548, %dma_start3A_549] : memref<224x512xf32, #tpu.memory_space<vmem>> -> memref<7x512xf32, #tpu.memory_space<vmem>>
    %dma_start3A_551 = arith.constant 0 : i32
    %dma_start3A_552 = tpu.memref_slice %arg2[%dma_start3A_540, %dma_start3A_541, %dma_start3A_551, %add3A_539] : memref<6x7x7x16384xf32, #tpu.memory_space<hbm>> -> memref<1x1x7x512xf32, #tpu.memory_space<hbm>>
    %dma_start3A_553 = tpu.memref_squeeze %dma_start3A_552 : memref<1x1x7x512xf32, #tpu.memory_space<hbm>> -> memref<7x512xf32, #tpu.memory_space<hbm>>
    tpu.enqueue_dma source(%dma_start3A_553 : memref<7x512xf32, #tpu.memory_space<hbm>>) target(%dma_start3A_550 : memref<7x512xf32, #tpu.memory_space<vmem>>) target_semaphore(%arg8 : memref<!tpu.dma_semaphore, #tpu.memory_space<semaphore_mem>>)
    %dma_wait3A = arith.constant 0 : i32
    %dma_wait3A_554 = arith.constant 0 : i32
    %dma_wait3A_555 = arith.constant 0 : i32
    %dma_wait3A_556 = arith.constant 0 : i32
    %dma_wait3A_557 = tpu.memref_slice %arg5[%dma_wait3A_555, %dma_wait3A_556] : memref<8x512xf32, #tpu.memory_space<vmem>> -> memref<1x512xf32, #tpu.memory_space<vmem>>
    %dma_wait3A_558 = tpu.memref_squeeze %dma_wait3A_557 : memref<1x512xf32, #tpu.memory_space<vmem>> -> memref<512xf32, #tpu.memory_space<vmem>>
    %dma_wait3A_559 = tpu.memref_slice %arg3[%dma_wait3A, %dma_wait3A_554, %mul3A_2] : memref<2x4x16384xf32, #tpu.memory_space<hbm>> -> memref<1x1x512xf32, #tpu.memory_space<hbm>>
    %dma_wait3A_560 = tpu.memref_squeeze %dma_wait3A_559 : memref<1x1x512xf32, #tpu.memory_space<hbm>> -> memref<512xf32, #tpu.memory_space<hbm>>
    %dma_wait3A_561 = arith.constant 0 : i32
    %dma_wait3A_562 = tpu.memref_slice %arg5[%dma_wait3A_555, %dma_wait3A_561] : memref<8x512xf32, #tpu.memory_space<vmem>> -> memref<1x512xf32, #tpu.memory_space<vmem>>
    %dma_wait3A_563 = tpu.memref_squeeze %dma_wait3A_562 : memref<1x512xf32, #tpu.memory_space<vmem>> -> memref<512xf32, #tpu.memory_space<vmem>>
    %dma_wait3A_564 = tpu.memref_slice %arg3[%dma_wait3A, %dma_wait3A_554, %mul3A_2] : memref<2x4x16384xf32, #tpu.memory_space<hbm>> -> memref<1x1x512xf32, #tpu.memory_space<hbm>>
    %dma_wait3A_565 = tpu.memref_squeeze %dma_wait3A_564 : memref<1x1x512xf32, #tpu.memory_space<hbm>> -> memref<512xf32, #tpu.memory_space<hbm>>
    tpu.wait_dma2 semaphore(%arg9 : memref<!tpu.dma_semaphore, #tpu.memory_space<semaphore_mem>>) src(%dma_wait3A_565 : memref<512xf32, #tpu.memory_space<hbm>>) dst(%dma_wait3A_563 : memref<512xf32, #tpu.memory_space<vmem>>)
    %dma_wait3A_566 = arith.constant 0 : i32
    %dma_wait3A_567 = arith.constant 1 : i32
    %dma_wait3A_568 = arith.constant 1 : i32
    %dma_wait3A_569 = arith.constant 0 : i32
    %dma_wait3A_570 = tpu.memref_slice %arg5[%dma_wait3A_568, %dma_wait3A_569] : memref<8x512xf32, #tpu.memory_space<vmem>> -> memref<1x512xf32, #tpu.memory_space<vmem>>
    %dma_wait3A_571 = tpu.memref_squeeze %dma_wait3A_570 : memref<1x512xf32, #tpu.memory_space<vmem>> -> memref<512xf32, #tpu.memory_space<vmem>>
    %dma_wait3A_572 = tpu.memref_slice %arg3[%dma_wait3A_566, %dma_wait3A_567, %mul3A_2] : memref<2x4x16384xf32, #tpu.memory_space<hbm>> -> memref<1x1x512xf32, #tpu.memory_space<hbm>>
    %dma_wait3A_573 = tpu.memref_squeeze %dma_wait3A_572 : memref<1x1x512xf32, #tpu.memory_space<hbm>> -> memref<512xf32, #tpu.memory_space<hbm>>
    %dma_wait3A_574 = arith.constant 0 : i32
    %dma_wait3A_575 = tpu.memref_slice %arg5[%dma_wait3A_568, %dma_wait3A_574] : memref<8x512xf32, #tpu.memory_space<vmem>> -> memref<1x512xf32, #tpu.memory_space<vmem>>
    %dma_wait3A_576 = tpu.memref_squeeze %dma_wait3A_575 : memref<1x512xf32, #tpu.memory_space<vmem>> -> memref<512xf32, #tpu.memory_space<vmem>>
    %dma_wait3A_577 = tpu.memref_slice %arg3[%dma_wait3A_566, %dma_wait3A_567, %mul3A_2] : memref<2x4x16384xf32, #tpu.memory_space<hbm>> -> memref<1x1x512xf32, #tpu.memory_space<hbm>>
    %dma_wait3A_578 = tpu.memref_squeeze %dma_wait3A_577 : memref<1x1x512xf32, #tpu.memory_space<hbm>> -> memref<512xf32, #tpu.memory_space<hbm>>
    tpu.wait_dma2 semaphore(%arg9 : memref<!tpu.dma_semaphore, #tpu.memory_space<semaphore_mem>>) src(%dma_wait3A_578 : memref<512xf32, #tpu.memory_space<hbm>>) dst(%dma_wait3A_576 : memref<512xf32, #tpu.memory_space<vmem>>)
    %dma_wait3A_579 = arith.constant 0 : i32
    %dma_wait3A_580 = arith.constant 2 : i32
    %dma_wait3A_581 = arith.constant 2 : i32
    %dma_wait3A_582 = arith.constant 0 : i32
    %dma_wait3A_583 = tpu.memref_slice %arg5[%dma_wait3A_581, %dma_wait3A_582] : memref<8x512xf32, #tpu.memory_space<vmem>> -> memref<1x512xf32, #tpu.memory_space<vmem>>
    %dma_wait3A_584 = tpu.memref_squeeze %dma_wait3A_583 : memref<1x512xf32, #tpu.memory_space<vmem>> -> memref<512xf32, #tpu.memory_space<vmem>>
    %dma_wait3A_585 = tpu.memref_slice %arg3[%dma_wait3A_579, %dma_wait3A_580, %mul3A_2] : memref<2x4x16384xf32, #tpu.memory_space<hbm>> -> memref<1x1x512xf32, #tpu.memory_space<hbm>>
    %dma_wait3A_586 = tpu.memref_squeeze %dma_wait3A_585 : memref<1x1x512xf32, #tpu.memory_space<hbm>> -> memref<512xf32, #tpu.memory_space<hbm>>
    %dma_wait3A_587 = arith.constant 0 : i32
    %dma_wait3A_588 = tpu.memref_slice %arg5[%dma_wait3A_581, %dma_wait3A_587] : memref<8x512xf32, #tpu.memory_space<vmem>> -> memref<1x512xf32, #tpu.memory_space<vmem>>
    %dma_wait3A_589 = tpu.memref_squeeze %dma_wait3A_588 : memref<1x512xf32, #tpu.memory_space<vmem>> -> memref<512xf32, #tpu.memory_space<vmem>>
    %dma_wait3A_590 = tpu.memref_slice %arg3[%dma_wait3A_579, %dma_wait3A_580, %mul3A_2] : memref<2x4x16384xf32, #tpu.memory_space<hbm>> -> memref<1x1x512xf32, #tpu.memory_space<hbm>>
    %dma_wait3A_591 = tpu.memref_squeeze %dma_wait3A_590 : memref<1x1x512xf32, #tpu.memory_space<hbm>> -> memref<512xf32, #tpu.memory_space<hbm>>
    tpu.wait_dma2 semaphore(%arg9 : memref<!tpu.dma_semaphore, #tpu.memory_space<semaphore_mem>>) src(%dma_wait3A_591 : memref<512xf32, #tpu.memory_space<hbm>>) dst(%dma_wait3A_589 : memref<512xf32, #tpu.memory_space<vmem>>)
    %dma_wait3A_592 = arith.constant 0 : i32
    %dma_wait3A_593 = arith.constant 3 : i32
    %dma_wait3A_594 = arith.constant 3 : i32
    %dma_wait3A_595 = arith.constant 0 : i32
    %dma_wait3A_596 = tpu.memref_slice %arg5[%dma_wait3A_594, %dma_wait3A_595] : memref<8x512xf32, #tpu.memory_space<vmem>> -> memref<1x512xf32, #tpu.memory_space<vmem>>
    %dma_wait3A_597 = tpu.memref_squeeze %dma_wait3A_596 : memref<1x512xf32, #tpu.memory_space<vmem>> -> memref<512xf32, #tpu.memory_space<vmem>>
    %dma_wait3A_598 = tpu.memref_slice %arg3[%dma_wait3A_592, %dma_wait3A_593, %mul3A_2] : memref<2x4x16384xf32, #tpu.memory_space<hbm>> -> memref<1x1x512xf32, #tpu.memory_space<hbm>>
    %dma_wait3A_599 = tpu.memref_squeeze %dma_wait3A_598 : memref<1x1x512xf32, #tpu.memory_space<hbm>> -> memref<512xf32, #tpu.memory_space<hbm>>
    %dma_wait3A_600 = arith.constant 0 : i32
    %dma_wait3A_601 = tpu.memref_slice %arg5[%dma_wait3A_594, %dma_wait3A_600] : memref<8x512xf32, #tpu.memory_space<vmem>> -> memref<1x512xf32, #tpu.memory_space<vmem>>
    %dma_wait3A_602 = tpu.memref_squeeze %dma_wait3A_601 : memref<1x512xf32, #tpu.memory_space<vmem>> -> memref<512xf32, #tpu.memory_space<vmem>>
    %dma_wait3A_603 = tpu.memref_slice %arg3[%dma_wait3A_592, %dma_wait3A_593, %mul3A_2] : memref<2x4x16384xf32, #tpu.memory_space<hbm>> -> memref<1x1x512xf32, #tpu.memory_space<hbm>>
    %dma_wait3A_604 = tpu.memref_squeeze %dma_wait3A_603 : memref<1x1x512xf32, #tpu.memory_space<hbm>> -> memref<512xf32, #tpu.memory_space<hbm>>
    tpu.wait_dma2 semaphore(%arg9 : memref<!tpu.dma_semaphore, #tpu.memory_space<semaphore_mem>>) src(%dma_wait3A_604 : memref<512xf32, #tpu.memory_space<hbm>>) dst(%dma_wait3A_602 : memref<512xf32, #tpu.memory_space<vmem>>)
    %dma_wait3A_605 = arith.constant 1 : i32
    %dma_wait3A_606 = arith.constant 0 : i32
    %dma_wait3A_607 = arith.constant 4 : i32
    %dma_wait3A_608 = arith.constant 0 : i32
    %dma_wait3A_609 = tpu.memref_slice %arg5[%dma_wait3A_607, %dma_wait3A_608] : memref<8x512xf32, #tpu.memory_space<vmem>> -> memref<1x512xf32, #tpu.memory_space<vmem>>
    %dma_wait3A_610 = tpu.memref_squeeze %dma_wait3A_609 : memref<1x512xf32, #tpu.memory_space<vmem>> -> memref<512xf32, #tpu.memory_space<vmem>>
    %dma_wait3A_611 = tpu.memref_slice %arg3[%dma_wait3A_605, %dma_wait3A_606, %mul3A_2] : memref<2x4x16384xf32, #tpu.memory_space<hbm>> -> memref<1x1x512xf32, #tpu.memory_space<hbm>>
    %dma_wait3A_612 = tpu.memref_squeeze %dma_wait3A_611 : memref<1x1x512xf32, #tpu.memory_space<hbm>> -> memref<512xf32, #tpu.memory_space<hbm>>
    %dma_wait3A_613 = arith.constant 0 : i32
    %dma_wait3A_614 = tpu.memref_slice %arg5[%dma_wait3A_607, %dma_wait3A_613] : memref<8x512xf32, #tpu.memory_space<vmem>> -> memref<1x512xf32, #tpu.memory_space<vmem>>
    %dma_wait3A_615 = tpu.memref_squeeze %dma_wait3A_614 : memref<1x512xf32, #tpu.memory_space<vmem>> -> memref<512xf32, #tpu.memory_space<vmem>>
    %dma_wait3A_616 = tpu.memref_slice %arg3[%dma_wait3A_605, %dma_wait3A_606, %mul3A_2] : memref<2x4x16384xf32, #tpu.memory_space<hbm>> -> memref<1x1x512xf32, #tpu.memory_space<hbm>>
    %dma_wait3A_617 = tpu.memref_squeeze %dma_wait3A_616 : memref<1x1x512xf32, #tpu.memory_space<hbm>> -> memref<512xf32, #tpu.memory_space<hbm>>
    tpu.wait_dma2 semaphore(%arg9 : memref<!tpu.dma_semaphore, #tpu.memory_space<semaphore_mem>>) src(%dma_wait3A_617 : memref<512xf32, #tpu.memory_space<hbm>>) dst(%dma_wait3A_615 : memref<512xf32, #tpu.memory_space<vmem>>)
    %dma_wait3A_618 = arith.constant 1 : i32
    %dma_wait3A_619 = arith.constant 1 : i32
    %dma_wait3A_620 = arith.constant 5 : i32
    %dma_wait3A_621 = arith.constant 0 : i32
    %dma_wait3A_622 = tpu.memref_slice %arg5[%dma_wait3A_620, %dma_wait3A_621] : memref<8x512xf32, #tpu.memory_space<vmem>> -> memref<1x512xf32, #tpu.memory_space<vmem>>
    %dma_wait3A_623 = tpu.memref_squeeze %dma_wait3A_622 : memref<1x512xf32, #tpu.memory_space<vmem>> -> memref<512xf32, #tpu.memory_space<vmem>>
    %dma_wait3A_624 = tpu.memref_slice %arg3[%dma_wait3A_618, %dma_wait3A_619, %mul3A_2] : memref<2x4x16384xf32, #tpu.memory_space<hbm>> -> memref<1x1x512xf32, #tpu.memory_space<hbm>>
    %dma_wait3A_625 = tpu.memref_squeeze %dma_wait3A_624 : memref<1x1x512xf32, #tpu.memory_space<hbm>> -> memref<512xf32, #tpu.memory_space<hbm>>
    %dma_wait3A_626 = arith.constant 0 : i32
    %dma_wait3A_627 = tpu.memref_slice %arg5[%dma_wait3A_620, %dma_wait3A_626] : memref<8x512xf32, #tpu.memory_space<vmem>> -> memref<1x512xf32, #tpu.memory_space<vmem>>
    %dma_wait3A_628 = tpu.memref_squeeze %dma_wait3A_627 : memref<1x512xf32, #tpu.memory_space<vmem>> -> memref<512xf32, #tpu.memory_space<vmem>>
    %dma_wait3A_629 = tpu.memref_slice %arg3[%dma_wait3A_618, %dma_wait3A_619, %mul3A_2] : memref<2x4x16384xf32, #tpu.memory_space<hbm>> -> memref<1x1x512xf32, #tpu.memory_space<hbm>>
    %dma_wait3A_630 = tpu.memref_squeeze %dma_wait3A_629 : memref<1x1x512xf32, #tpu.memory_space<hbm>> -> memref<512xf32, #tpu.memory_space<hbm>>
    tpu.wait_dma2 semaphore(%arg9 : memref<!tpu.dma_semaphore, #tpu.memory_space<semaphore_mem>>) src(%dma_wait3A_630 : memref<512xf32, #tpu.memory_space<hbm>>) dst(%dma_wait3A_628 : memref<512xf32, #tpu.memory_space<vmem>>)
    %dma_wait3A_631 = arith.constant 1 : i32
    %dma_wait3A_632 = arith.constant 2 : i32
    %dma_wait3A_633 = arith.constant 6 : i32
    %dma_wait3A_634 = arith.constant 0 : i32
    %dma_wait3A_635 = tpu.memref_slice %arg5[%dma_wait3A_633, %dma_wait3A_634] : memref<8x512xf32, #tpu.memory_space<vmem>> -> memref<1x512xf32, #tpu.memory_space<vmem>>
    %dma_wait3A_636 = tpu.memref_squeeze %dma_wait3A_635 : memref<1x512xf32, #tpu.memory_space<vmem>> -> memref<512xf32, #tpu.memory_space<vmem>>
    %dma_wait3A_637 = tpu.memref_slice %arg3[%dma_wait3A_631, %dma_wait3A_632, %mul3A_2] : memref<2x4x16384xf32, #tpu.memory_space<hbm>> -> memref<1x1x512xf32, #tpu.memory_space<hbm>>
    %dma_wait3A_638 = tpu.memref_squeeze %dma_wait3A_637 : memref<1x1x512xf32, #tpu.memory_space<hbm>> -> memref<512xf32, #tpu.memory_space<hbm>>
    %dma_wait3A_639 = arith.constant 0 : i32
    %dma_wait3A_640 = tpu.memref_slice %arg5[%dma_wait3A_633, %dma_wait3A_639] : memref<8x512xf32, #tpu.memory_space<vmem>> -> memref<1x512xf32, #tpu.memory_space<vmem>>
    %dma_wait3A_641 = tpu.memref_squeeze %dma_wait3A_640 : memref<1x512xf32, #tpu.memory_space<vmem>> -> memref<512xf32, #tpu.memory_space<vmem>>
    %dma_wait3A_642 = tpu.memref_slice %arg3[%dma_wait3A_631, %dma_wait3A_632, %mul3A_2] : memref<2x4x16384xf32, #tpu.memory_space<hbm>> -> memref<1x1x512xf32, #tpu.memory_space<hbm>>
    %dma_wait3A_643 = tpu.memref_squeeze %dma_wait3A_642 : memref<1x1x512xf32, #tpu.memory_space<hbm>> -> memref<512xf32, #tpu.memory_space<hbm>>
    tpu.wait_dma2 semaphore(%arg9 : memref<!tpu.dma_semaphore, #tpu.memory_space<semaphore_mem>>) src(%dma_wait3A_643 : memref<512xf32, #tpu.memory_space<hbm>>) dst(%dma_wait3A_641 : memref<512xf32, #tpu.memory_space<vmem>>)
    %dma_wait3A_644 = arith.constant 1 : i32
    %dma_wait3A_645 = arith.constant 3 : i32
    %dma_wait3A_646 = arith.constant 7 : i32
    %dma_wait3A_647 = arith.constant 0 : i32
    %dma_wait3A_648 = tpu.memref_slice %arg5[%dma_wait3A_646, %dma_wait3A_647] : memref<8x512xf32, #tpu.memory_space<vmem>> -> memref<1x512xf32, #tpu.memory_space<vmem>>
    %dma_wait3A_649 = tpu.memref_squeeze %dma_wait3A_648 : memref<1x512xf32, #tpu.memory_space<vmem>> -> memref<512xf32, #tpu.memory_space<vmem>>
    %dma_wait3A_650 = tpu.memref_slice %arg3[%dma_wait3A_644, %dma_wait3A_645, %mul3A_2] : memref<2x4x16384xf32, #tpu.memory_space<hbm>> -> memref<1x1x512xf32, #tpu.memory_space<hbm>>
    %dma_wait3A_651 = tpu.memref_squeeze %dma_wait3A_650 : memref<1x1x512xf32, #tpu.memory_space<hbm>> -> memref<512xf32, #tpu.memory_space<hbm>>
    %dma_wait3A_652 = arith.constant 0 : i32
    %dma_wait3A_653 = tpu.memref_slice %arg5[%dma_wait3A_646, %dma_wait3A_652] : memref<8x512xf32, #tpu.memory_space<vmem>> -> memref<1x512xf32, #tpu.memory_space<vmem>>
    %dma_wait3A_654 = tpu.memref_squeeze %dma_wait3A_653 : memref<1x512xf32, #tpu.memory_space<vmem>> -> memref<512xf32, #tpu.memory_space<vmem>>
    %dma_wait3A_655 = tpu.memref_slice %arg3[%dma_wait3A_644, %dma_wait3A_645, %mul3A_2] : memref<2x4x16384xf32, #tpu.memory_space<hbm>> -> memref<1x1x512xf32, #tpu.memory_space<hbm>>
    %dma_wait3A_656 = tpu.memref_squeeze %dma_wait3A_655 : memref<1x1x512xf32, #tpu.memory_space<hbm>> -> memref<512xf32, #tpu.memory_space<hbm>>
    tpu.wait_dma2 semaphore(%arg9 : memref<!tpu.dma_semaphore, #tpu.memory_space<semaphore_mem>>) src(%dma_wait3A_656 : memref<512xf32, #tpu.memory_space<hbm>>) dst(%dma_wait3A_654 : memref<512xf32, #tpu.memory_space<vmem>>)
    %broadcast_in_dim3A = arith.constant 0.000000e+00 : f32
    %broadcast_in_dim3A_657 = vector.broadcast %broadcast_in_dim3A : f32 to vector<16xf32>
    %dma_wait3A_658 = arith.constant 1 : i32
    %dma_wait3A_659 = arith.constant 0 : i32
    %dma_wait3A_660 = arith.constant 0 : i32
    %dma_wait3A_661 = arith.constant 0 : i32
    %dma_wait3A_662 = tpu.memref_slice %arg6[%dma_wait3A_660, %dma_wait3A_661] : memref<224x512xf32, #tpu.memory_space<vmem>> -> memref<7x512xf32, #tpu.memory_space<vmem>>
    %dma_wait3A_663 = arith.constant 0 : i32
    %dma_wait3A_664 = tpu.memref_slice %arg2[%dma_wait3A_658, %dma_wait3A_659, %dma_wait3A_663, %add3A_107] : memref<6x7x7x16384xf32, #tpu.memory_space<hbm>> -> memref<1x1x7x512xf32, #tpu.memory_space<hbm>>
    %dma_wait3A_665 = tpu.memref_squeeze %dma_wait3A_664 : memref<1x1x7x512xf32, #tpu.memory_space<hbm>> -> memref<7x512xf32, #tpu.memory_space<hbm>>
    %dma_wait3A_666 = arith.constant 0 : i32
    %dma_wait3A_667 = arith.constant 0 : i32
    %dma_wait3A_668 = tpu.memref_slice %arg6[%dma_wait3A_666, %dma_wait3A_667] : memref<224x512xf32, #tpu.memory_space<vmem>> -> memref<7x512xf32, #tpu.memory_space<vmem>>
    %dma_wait3A_669 = arith.constant 0 : i32
    %dma_wait3A_670 = tpu.memref_slice %arg2[%dma_wait3A_658, %dma_wait3A_659, %dma_wait3A_669, %add3A_107] : memref<6x7x7x16384xf32, #tpu.memory_space<hbm>> -> memref<1x1x7x512xf32, #tpu.memory_space<hbm>>
    %dma_wait3A_671 = tpu.memref_squeeze %dma_wait3A_670 : memref<1x1x7x512xf32, #tpu.memory_space<hbm>> -> memref<7x512xf32, #tpu.memory_space<hbm>>
    tpu.wait_dma2 semaphore(%arg8 : memref<!tpu.dma_semaphore, #tpu.memory_space<semaphore_mem>>) src(%dma_wait3A_671 : memref<7x512xf32, #tpu.memory_space<hbm>>) dst(%dma_wait3A_668 : memref<7x512xf32, #tpu.memory_space<vmem>>)
    %dma_wait3A_672 = arith.constant 1 : i32
    %dma_wait3A_673 = arith.constant 1 : i32
    %dma_wait3A_674 = arith.constant 8 : i32
    %dma_wait3A_675 = arith.constant 0 : i32
    %dma_wait3A_676 = tpu.memref_slice %arg6[%dma_wait3A_674, %dma_wait3A_675] : memref<224x512xf32, #tpu.memory_space<vmem>> -> memref<7x512xf32, #tpu.memory_space<vmem>>
    %dma_wait3A_677 = arith.constant 0 : i32
    %dma_wait3A_678 = tpu.memref_slice %arg2[%dma_wait3A_672, %dma_wait3A_673, %dma_wait3A_677, %add3A_123] : memref<6x7x7x16384xf32, #tpu.memory_space<hbm>> -> memref<1x1x7x512xf32, #tpu.memory_space<hbm>>
    %dma_wait3A_679 = tpu.memref_squeeze %dma_wait3A_678 : memref<1x1x7x512xf32, #tpu.memory_space<hbm>> -> memref<7x512xf32, #tpu.memory_space<hbm>>
    %dma_wait3A_680 = arith.constant 8 : i32
    %dma_wait3A_681 = arith.constant 0 : i32
    %dma_wait3A_682 = tpu.memref_slice %arg6[%dma_wait3A_680, %dma_wait3A_681] : memref<224x512xf32, #tpu.memory_space<vmem>> -> memref<7x512xf32, #tpu.memory_space<vmem>>
    %dma_wait3A_683 = arith.constant 0 : i32
    %dma_wait3A_684 = tpu.memref_slice %arg2[%dma_wait3A_672, %dma_wait3A_673, %dma_wait3A_683, %add3A_123] : memref<6x7x7x16384xf32, #tpu.memory_space<hbm>> -> memref<1x1x7x512xf32, #tpu.memory_space<hbm>>
    %dma_wait3A_685 = tpu.memref_squeeze %dma_wait3A_684 : memref<1x1x7x512xf32, #tpu.memory_space<hbm>> -> memref<7x512xf32, #tpu.memory_space<hbm>>
    tpu.wait_dma2 semaphore(%arg8 : memref<!tpu.dma_semaphore, #tpu.memory_space<semaphore_mem>>) src(%dma_wait3A_685 : memref<7x512xf32, #tpu.memory_space<hbm>>) dst(%dma_wait3A_682 : memref<7x512xf32, #tpu.memory_space<vmem>>)
    %dma_wait3A_686 = arith.constant 1 : i32
    %dma_wait3A_687 = arith.constant 2 : i32
    %dma_wait3A_688 = arith.constant 16 : i32
    %dma_wait3A_689 = arith.constant 0 : i32
    %dma_wait3A_690 = tpu.memref_slice %arg6[%dma_wait3A_688, %dma_wait3A_689] : memref<224x512xf32, #tpu.memory_space<vmem>> -> memref<7x512xf32, #tpu.memory_space<vmem>>
    %dma_wait3A_691 = arith.constant 0 : i32
    %dma_wait3A_692 = tpu.memref_slice %arg2[%dma_wait3A_686, %dma_wait3A_687, %dma_wait3A_691, %add3A_139] : memref<6x7x7x16384xf32, #tpu.memory_space<hbm>> -> memref<1x1x7x512xf32, #tpu.memory_space<hbm>>
    %dma_wait3A_693 = tpu.memref_squeeze %dma_wait3A_692 : memref<1x1x7x512xf32, #tpu.memory_space<hbm>> -> memref<7x512xf32, #tpu.memory_space<hbm>>
    %dma_wait3A_694 = arith.constant 16 : i32
    %dma_wait3A_695 = arith.constant 0 : i32
    %dma_wait3A_696 = tpu.memref_slice %arg6[%dma_wait3A_694, %dma_wait3A_695] : memref<224x512xf32, #tpu.memory_space<vmem>> -> memref<7x512xf32, #tpu.memory_space<vmem>>
    %dma_wait3A_697 = arith.constant 0 : i32
    %dma_wait3A_698 = tpu.memref_slice %arg2[%dma_wait3A_686, %dma_wait3A_687, %dma_wait3A_697, %add3A_139] : memref<6x7x7x16384xf32, #tpu.memory_space<hbm>> -> memref<1x1x7x512xf32, #tpu.memory_space<hbm>>
    %dma_wait3A_699 = tpu.memref_squeeze %dma_wait3A_698 : memref<1x1x7x512xf32, #tpu.memory_space<hbm>> -> memref<7x512xf32, #tpu.memory_space<hbm>>
    tpu.wait_dma2 semaphore(%arg8 : memref<!tpu.dma_semaphore, #tpu.memory_space<semaphore_mem>>) src(%dma_wait3A_699 : memref<7x512xf32, #tpu.memory_space<hbm>>) dst(%dma_wait3A_696 : memref<7x512xf32, #tpu.memory_space<vmem>>)
    %dma_wait3A_700 = arith.constant 1 : i32
    %dma_wait3A_701 = arith.constant 3 : i32
    %dma_wait3A_702 = arith.constant 24 : i32
    %dma_wait3A_703 = arith.constant 0 : i32
    %dma_wait3A_704 = tpu.memref_slice %arg6[%dma_wait3A_702, %dma_wait3A_703] : memref<224x512xf32, #tpu.memory_space<vmem>> -> memref<7x512xf32, #tpu.memory_space<vmem>>
    %dma_wait3A_705 = arith.constant 0 : i32
    %dma_wait3A_706 = tpu.memref_slice %arg2[%dma_wait3A_700, %dma_wait3A_701, %dma_wait3A_705, %add3A_155] : memref<6x7x7x16384xf32, #tpu.memory_space<hbm>> -> memref<1x1x7x512xf32, #tpu.memory_space<hbm>>
    %dma_wait3A_707 = tpu.memref_squeeze %dma_wait3A_706 : memref<1x1x7x512xf32, #tpu.memory_space<hbm>> -> memref<7x512xf32, #tpu.memory_space<hbm>>
    %dma_wait3A_708 = arith.constant 24 : i32
    %dma_wait3A_709 = arith.constant 0 : i32
    %dma_wait3A_710 = tpu.memref_slice %arg6[%dma_wait3A_708, %dma_wait3A_709] : memref<224x512xf32, #tpu.memory_space<vmem>> -> memref<7x512xf32, #tpu.memory_space<vmem>>
    %dma_wait3A_711 = arith.constant 0 : i32
    %dma_wait3A_712 = tpu.memref_slice %arg2[%dma_wait3A_700, %dma_wait3A_701, %dma_wait3A_711, %add3A_155] : memref<6x7x7x16384xf32, #tpu.memory_space<hbm>> -> memref<1x1x7x512xf32, #tpu.memory_space<hbm>>
    %dma_wait3A_713 = tpu.memref_squeeze %dma_wait3A_712 : memref<1x1x7x512xf32, #tpu.memory_space<hbm>> -> memref<7x512xf32, #tpu.memory_space<hbm>>
    tpu.wait_dma2 semaphore(%arg8 : memref<!tpu.dma_semaphore, #tpu.memory_space<semaphore_mem>>) src(%dma_wait3A_713 : memref<7x512xf32, #tpu.memory_space<hbm>>) dst(%dma_wait3A_710 : memref<7x512xf32, #tpu.memory_space<vmem>>)
    %dma_wait3A_714 = arith.constant 1 : i32
    %dma_wait3A_715 = arith.constant 4 : i32
    %dma_wait3A_716 = arith.constant 32 : i32
    %dma_wait3A_717 = arith.constant 0 : i32
    %dma_wait3A_718 = tpu.memref_slice %arg6[%dma_wait3A_716, %dma_wait3A_717] : memref<224x512xf32, #tpu.memory_space<vmem>> -> memref<7x512xf32, #tpu.memory_space<vmem>>
    %dma_wait3A_719 = arith.constant 0 : i32
    %dma_wait3A_720 = tpu.memref_slice %arg2[%dma_wait3A_714, %dma_wait3A_715, %dma_wait3A_719, %add3A_171] : memref<6x7x7x16384xf32, #tpu.memory_space<hbm>> -> memref<1x1x7x512xf32, #tpu.memory_space<hbm>>
    %dma_wait3A_721 = tpu.memref_squeeze %dma_wait3A_720 : memref<1x1x7x512xf32, #tpu.memory_space<hbm>> -> memref<7x512xf32, #tpu.memory_space<hbm>>
    %dma_wait3A_722 = arith.constant 32 : i32
    %dma_wait3A_723 = arith.constant 0 : i32
    %dma_wait3A_724 = tpu.memref_slice %arg6[%dma_wait3A_722, %dma_wait3A_723] : memref<224x512xf32, #tpu.memory_space<vmem>> -> memref<7x512xf32, #tpu.memory_space<vmem>>
    %dma_wait3A_725 = arith.constant 0 : i32
    %dma_wait3A_726 = tpu.memref_slice %arg2[%dma_wait3A_714, %dma_wait3A_715, %dma_wait3A_725, %add3A_171] : memref<6x7x7x16384xf32, #tpu.memory_space<hbm>> -> memref<1x1x7x512xf32, #tpu.memory_space<hbm>>
    %dma_wait3A_727 = tpu.memref_squeeze %dma_wait3A_726 : memref<1x1x7x512xf32, #tpu.memory_space<hbm>> -> memref<7x512xf32, #tpu.memory_space<hbm>>
    tpu.wait_dma2 semaphore(%arg8 : memref<!tpu.dma_semaphore, #tpu.memory_space<semaphore_mem>>) src(%dma_wait3A_727 : memref<7x512xf32, #tpu.memory_space<hbm>>) dst(%dma_wait3A_724 : memref<7x512xf32, #tpu.memory_space<vmem>>)
    %dma_wait3A_728 = arith.constant 1 : i32
    %dma_wait3A_729 = arith.constant 5 : i32
    %dma_wait3A_730 = arith.constant 40 : i32
    %dma_wait3A_731 = arith.constant 0 : i32
    %dma_wait3A_732 = tpu.memref_slice %arg6[%dma_wait3A_730, %dma_wait3A_731] : memref<224x512xf32, #tpu.memory_space<vmem>> -> memref<7x512xf32, #tpu.memory_space<vmem>>
    %dma_wait3A_733 = arith.constant 0 : i32
    %dma_wait3A_734 = tpu.memref_slice %arg2[%dma_wait3A_728, %dma_wait3A_729, %dma_wait3A_733, %add3A_187] : memref<6x7x7x16384xf32, #tpu.memory_space<hbm>> -> memref<1x1x7x512xf32, #tpu.memory_space<hbm>>
    %dma_wait3A_735 = tpu.memref_squeeze %dma_wait3A_734 : memref<1x1x7x512xf32, #tpu.memory_space<hbm>> -> memref<7x512xf32, #tpu.memory_space<hbm>>
    %dma_wait3A_736 = arith.constant 40 : i32
    %dma_wait3A_737 = arith.constant 0 : i32
    %dma_wait3A_738 = tpu.memref_slice %arg6[%dma_wait3A_736, %dma_wait3A_737] : memref<224x512xf32, #tpu.memory_space<vmem>> -> memref<7x512xf32, #tpu.memory_space<vmem>>
    %dma_wait3A_739 = arith.constant 0 : i32
    %dma_wait3A_740 = tpu.memref_slice %arg2[%dma_wait3A_728, %dma_wait3A_729, %dma_wait3A_739, %add3A_187] : memref<6x7x7x16384xf32, #tpu.memory_space<hbm>> -> memref<1x1x7x512xf32, #tpu.memory_space<hbm>>
    %dma_wait3A_741 = tpu.memref_squeeze %dma_wait3A_740 : memref<1x1x7x512xf32, #tpu.memory_space<hbm>> -> memref<7x512xf32, #tpu.memory_space<hbm>>
    tpu.wait_dma2 semaphore(%arg8 : memref<!tpu.dma_semaphore, #tpu.memory_space<semaphore_mem>>) src(%dma_wait3A_741 : memref<7x512xf32, #tpu.memory_space<hbm>>) dst(%dma_wait3A_738 : memref<7x512xf32, #tpu.memory_space<vmem>>)
    %dma_wait3A_742 = arith.constant 1 : i32
    %dma_wait3A_743 = arith.constant 6 : i32
    %dma_wait3A_744 = arith.constant 48 : i32
    %dma_wait3A_745 = arith.constant 0 : i32
    %dma_wait3A_746 = tpu.memref_slice %arg6[%dma_wait3A_744, %dma_wait3A_745] : memref<224x512xf32, #tpu.memory_space<vmem>> -> memref<7x512xf32, #tpu.memory_space<vmem>>
    %dma_wait3A_747 = arith.constant 0 : i32
    %dma_wait3A_748 = tpu.memref_slice %arg2[%dma_wait3A_742, %dma_wait3A_743, %dma_wait3A_747, %add3A_203] : memref<6x7x7x16384xf32, #tpu.memory_space<hbm>> -> memref<1x1x7x512xf32, #tpu.memory_space<hbm>>
    %dma_wait3A_749 = tpu.memref_squeeze %dma_wait3A_748 : memref<1x1x7x512xf32, #tpu.memory_space<hbm>> -> memref<7x512xf32, #tpu.memory_space<hbm>>
    %dma_wait3A_750 = arith.constant 48 : i32
    %dma_wait3A_751 = arith.constant 0 : i32
    %dma_wait3A_752 = tpu.memref_slice %arg6[%dma_wait3A_750, %dma_wait3A_751] : memref<224x512xf32, #tpu.memory_space<vmem>> -> memref<7x512xf32, #tpu.memory_space<vmem>>
    %dma_wait3A_753 = arith.constant 0 : i32
    %dma_wait3A_754 = tpu.memref_slice %arg2[%dma_wait3A_742, %dma_wait3A_743, %dma_wait3A_753, %add3A_203] : memref<6x7x7x16384xf32, #tpu.memory_space<hbm>> -> memref<1x1x7x512xf32, #tpu.memory_space<hbm>>
    %dma_wait3A_755 = tpu.memref_squeeze %dma_wait3A_754 : memref<1x1x7x512xf32, #tpu.memory_space<hbm>> -> memref<7x512xf32, #tpu.memory_space<hbm>>
    tpu.wait_dma2 semaphore(%arg8 : memref<!tpu.dma_semaphore, #tpu.memory_space<semaphore_mem>>) src(%dma_wait3A_755 : memref<7x512xf32, #tpu.memory_space<hbm>>) dst(%dma_wait3A_752 : memref<7x512xf32, #tpu.memory_space<vmem>>)
    %dma_wait3A_756 = arith.constant 2 : i32
    %dma_wait3A_757 = arith.constant 0 : i32
    %dma_wait3A_758 = arith.constant 56 : i32
    %dma_wait3A_759 = arith.constant 0 : i32
    %dma_wait3A_760 = tpu.memref_slice %arg6[%dma_wait3A_758, %dma_wait3A_759] : memref<224x512xf32, #tpu.memory_space<vmem>> -> memref<7x512xf32, #tpu.memory_space<vmem>>
    %dma_wait3A_761 = arith.constant 0 : i32
    %dma_wait3A_762 = tpu.memref_slice %arg2[%dma_wait3A_756, %dma_wait3A_757, %dma_wait3A_761, %add3A_219] : memref<6x7x7x16384xf32, #tpu.memory_space<hbm>> -> memref<1x1x7x512xf32, #tpu.memory_space<hbm>>
    %dma_wait3A_763 = tpu.memref_squeeze %dma_wait3A_762 : memref<1x1x7x512xf32, #tpu.memory_space<hbm>> -> memref<7x512xf32, #tpu.memory_space<hbm>>
    %dma_wait3A_764 = arith.constant 56 : i32
    %dma_wait3A_765 = arith.constant 0 : i32
    %dma_wait3A_766 = tpu.memref_slice %arg6[%dma_wait3A_764, %dma_wait3A_765] : memref<224x512xf32, #tpu.memory_space<vmem>> -> memref<7x512xf32, #tpu.memory_space<vmem>>
    %dma_wait3A_767 = arith.constant 0 : i32
    %dma_wait3A_768 = tpu.memref_slice %arg2[%dma_wait3A_756, %dma_wait3A_757, %dma_wait3A_767, %add3A_219] : memref<6x7x7x16384xf32, #tpu.memory_space<hbm>> -> memref<1x1x7x512xf32, #tpu.memory_space<hbm>>
    %dma_wait3A_769 = tpu.memref_squeeze %dma_wait3A_768 : memref<1x1x7x512xf32, #tpu.memory_space<hbm>> -> memref<7x512xf32, #tpu.memory_space<hbm>>
    tpu.wait_dma2 semaphore(%arg8 : memref<!tpu.dma_semaphore, #tpu.memory_space<semaphore_mem>>) src(%dma_wait3A_769 : memref<7x512xf32, #tpu.memory_space<hbm>>) dst(%dma_wait3A_766 : memref<7x512xf32, #tpu.memory_space<vmem>>)
    %dma_wait3A_770 = arith.constant 2 : i32
    %dma_wait3A_771 = arith.constant 1 : i32
    %dma_wait3A_772 = arith.constant 64 : i32
    %dma_wait3A_773 = arith.constant 0 : i32
    %dma_wait3A_774 = tpu.memref_slice %arg6[%dma_wait3A_772, %dma_wait3A_773] : memref<224x512xf32, #tpu.memory_space<vmem>> -> memref<7x512xf32, #tpu.memory_space<vmem>>
    %dma_wait3A_775 = arith.constant 0 : i32
    %dma_wait3A_776 = tpu.memref_slice %arg2[%dma_wait3A_770, %dma_wait3A_771, %dma_wait3A_775, %add3A_235] : memref<6x7x7x16384xf32, #tpu.memory_space<hbm>> -> memref<1x1x7x512xf32, #tpu.memory_space<hbm>>
    %dma_wait3A_777 = tpu.memref_squeeze %dma_wait3A_776 : memref<1x1x7x512xf32, #tpu.memory_space<hbm>> -> memref<7x512xf32, #tpu.memory_space<hbm>>
    %dma_wait3A_778 = arith.constant 64 : i32
    %dma_wait3A_779 = arith.constant 0 : i32
    %dma_wait3A_780 = tpu.memref_slice %arg6[%dma_wait3A_778, %dma_wait3A_779] : memref<224x512xf32, #tpu.memory_space<vmem>> -> memref<7x512xf32, #tpu.memory_space<vmem>>
    %dma_wait3A_781 = arith.constant 0 : i32
    %dma_wait3A_782 = tpu.memref_slice %arg2[%dma_wait3A_770, %dma_wait3A_771, %dma_wait3A_781, %add3A_235] : memref<6x7x7x16384xf32, #tpu.memory_space<hbm>> -> memref<1x1x7x512xf32, #tpu.memory_space<hbm>>
    %dma_wait3A_783 = tpu.memref_squeeze %dma_wait3A_782 : memref<1x1x7x512xf32, #tpu.memory_space<hbm>> -> memref<7x512xf32, #tpu.memory_space<hbm>>
    tpu.wait_dma2 semaphore(%arg8 : memref<!tpu.dma_semaphore, #tpu.memory_space<semaphore_mem>>) src(%dma_wait3A_783 : memref<7x512xf32, #tpu.memory_space<hbm>>) dst(%dma_wait3A_780 : memref<7x512xf32, #tpu.memory_space<vmem>>)
    %dma_wait3A_784 = arith.constant 2 : i32
    %dma_wait3A_785 = arith.constant 2 : i32
    %dma_wait3A_786 = arith.constant 72 : i32
    %dma_wait3A_787 = arith.constant 0 : i32
    %dma_wait3A_788 = tpu.memref_slice %arg6[%dma_wait3A_786, %dma_wait3A_787] : memref<224x512xf32, #tpu.memory_space<vmem>> -> memref<7x512xf32, #tpu.memory_space<vmem>>
    %dma_wait3A_789 = arith.constant 0 : i32
    %dma_wait3A_790 = tpu.memref_slice %arg2[%dma_wait3A_784, %dma_wait3A_785, %dma_wait3A_789, %add3A_251] : memref<6x7x7x16384xf32, #tpu.memory_space<hbm>> -> memref<1x1x7x512xf32, #tpu.memory_space<hbm>>
    %dma_wait3A_791 = tpu.memref_squeeze %dma_wait3A_790 : memref<1x1x7x512xf32, #tpu.memory_space<hbm>> -> memref<7x512xf32, #tpu.memory_space<hbm>>
    %dma_wait3A_792 = arith.constant 72 : i32
    %dma_wait3A_793 = arith.constant 0 : i32
    %dma_wait3A_794 = tpu.memref_slice %arg6[%dma_wait3A_792, %dma_wait3A_793] : memref<224x512xf32, #tpu.memory_space<vmem>> -> memref<7x512xf32, #tpu.memory_space<vmem>>
    %dma_wait3A_795 = arith.constant 0 : i32
    %dma_wait3A_796 = tpu.memref_slice %arg2[%dma_wait3A_784, %dma_wait3A_785, %dma_wait3A_795, %add3A_251] : memref<6x7x7x16384xf32, #tpu.memory_space<hbm>> -> memref<1x1x7x512xf32, #tpu.memory_space<hbm>>
    %dma_wait3A_797 = tpu.memref_squeeze %dma_wait3A_796 : memref<1x1x7x512xf32, #tpu.memory_space<hbm>> -> memref<7x512xf32, #tpu.memory_space<hbm>>
    tpu.wait_dma2 semaphore(%arg8 : memref<!tpu.dma_semaphore, #tpu.memory_space<semaphore_mem>>) src(%dma_wait3A_797 : memref<7x512xf32, #tpu.memory_space<hbm>>) dst(%dma_wait3A_794 : memref<7x512xf32, #tpu.memory_space<vmem>>)
    %dma_wait3A_798 = arith.constant 2 : i32
    %dma_wait3A_799 = arith.constant 3 : i32
    %dma_wait3A_800 = arith.constant 80 : i32
    %dma_wait3A_801 = arith.constant 0 : i32
    %dma_wait3A_802 = tpu.memref_slice %arg6[%dma_wait3A_800, %dma_wait3A_801] : memref<224x512xf32, #tpu.memory_space<vmem>> -> memref<7x512xf32, #tpu.memory_space<vmem>>
    %dma_wait3A_803 = arith.constant 0 : i32
    %dma_wait3A_804 = tpu.memref_slice %arg2[%dma_wait3A_798, %dma_wait3A_799, %dma_wait3A_803, %add3A_267] : memref<6x7x7x16384xf32, #tpu.memory_space<hbm>> -> memref<1x1x7x512xf32, #tpu.memory_space<hbm>>
    %dma_wait3A_805 = tpu.memref_squeeze %dma_wait3A_804 : memref<1x1x7x512xf32, #tpu.memory_space<hbm>> -> memref<7x512xf32, #tpu.memory_space<hbm>>
    %dma_wait3A_806 = arith.constant 80 : i32
    %dma_wait3A_807 = arith.constant 0 : i32
    %dma_wait3A_808 = tpu.memref_slice %arg6[%dma_wait3A_806, %dma_wait3A_807] : memref<224x512xf32, #tpu.memory_space<vmem>> -> memref<7x512xf32, #tpu.memory_space<vmem>>
    %dma_wait3A_809 = arith.constant 0 : i32
    %dma_wait3A_810 = tpu.memref_slice %arg2[%dma_wait3A_798, %dma_wait3A_799, %dma_wait3A_809, %add3A_267] : memref<6x7x7x16384xf32, #tpu.memory_space<hbm>> -> memref<1x1x7x512xf32, #tpu.memory_space<hbm>>
    %dma_wait3A_811 = tpu.memref_squeeze %dma_wait3A_810 : memref<1x1x7x512xf32, #tpu.memory_space<hbm>> -> memref<7x512xf32, #tpu.memory_space<hbm>>
    tpu.wait_dma2 semaphore(%arg8 : memref<!tpu.dma_semaphore, #tpu.memory_space<semaphore_mem>>) src(%dma_wait3A_811 : memref<7x512xf32, #tpu.memory_space<hbm>>) dst(%dma_wait3A_808 : memref<7x512xf32, #tpu.memory_space<vmem>>)
    %dma_wait3A_812 = arith.constant 2 : i32
    %dma_wait3A_813 = arith.constant 4 : i32
    %dma_wait3A_814 = arith.constant 88 : i32
    %dma_wait3A_815 = arith.constant 0 : i32
    %dma_wait3A_816 = tpu.memref_slice %arg6[%dma_wait3A_814, %dma_wait3A_815] : memref<224x512xf32, #tpu.memory_space<vmem>> -> memref<7x512xf32, #tpu.memory_space<vmem>>
    %dma_wait3A_817 = arith.constant 0 : i32
    %dma_wait3A_818 = tpu.memref_slice %arg2[%dma_wait3A_812, %dma_wait3A_813, %dma_wait3A_817, %add3A_283] : memref<6x7x7x16384xf32, #tpu.memory_space<hbm>> -> memref<1x1x7x512xf32, #tpu.memory_space<hbm>>
    %dma_wait3A_819 = tpu.memref_squeeze %dma_wait3A_818 : memref<1x1x7x512xf32, #tpu.memory_space<hbm>> -> memref<7x512xf32, #tpu.memory_space<hbm>>
    %dma_wait3A_820 = arith.constant 88 : i32
    %dma_wait3A_821 = arith.constant 0 : i32
    %dma_wait3A_822 = tpu.memref_slice %arg6[%dma_wait3A_820, %dma_wait3A_821] : memref<224x512xf32, #tpu.memory_space<vmem>> -> memref<7x512xf32, #tpu.memory_space<vmem>>
    %dma_wait3A_823 = arith.constant 0 : i32
    %dma_wait3A_824 = tpu.memref_slice %arg2[%dma_wait3A_812, %dma_wait3A_813, %dma_wait3A_823, %add3A_283] : memref<6x7x7x16384xf32, #tpu.memory_space<hbm>> -> memref<1x1x7x512xf32, #tpu.memory_space<hbm>>
    %dma_wait3A_825 = tpu.memref_squeeze %dma_wait3A_824 : memref<1x1x7x512xf32, #tpu.memory_space<hbm>> -> memref<7x512xf32, #tpu.memory_space<hbm>>
    tpu.wait_dma2 semaphore(%arg8 : memref<!tpu.dma_semaphore, #tpu.memory_space<semaphore_mem>>) src(%dma_wait3A_825 : memref<7x512xf32, #tpu.memory_space<hbm>>) dst(%dma_wait3A_822 : memref<7x512xf32, #tpu.memory_space<vmem>>)
    %dma_wait3A_826 = arith.constant 2 : i32
    %dma_wait3A_827 = arith.constant 5 : i32
    %dma_wait3A_828 = arith.constant 96 : i32
    %dma_wait3A_829 = arith.constant 0 : i32
    %dma_wait3A_830 = tpu.memref_slice %arg6[%dma_wait3A_828, %dma_wait3A_829] : memref<224x512xf32, #tpu.memory_space<vmem>> -> memref<7x512xf32, #tpu.memory_space<vmem>>
    %dma_wait3A_831 = arith.constant 0 : i32
    %dma_wait3A_832 = tpu.memref_slice %arg2[%dma_wait3A_826, %dma_wait3A_827, %dma_wait3A_831, %add3A_299] : memref<6x7x7x16384xf32, #tpu.memory_space<hbm>> -> memref<1x1x7x512xf32, #tpu.memory_space<hbm>>
    %dma_wait3A_833 = tpu.memref_squeeze %dma_wait3A_832 : memref<1x1x7x512xf32, #tpu.memory_space<hbm>> -> memref<7x512xf32, #tpu.memory_space<hbm>>
    %dma_wait3A_834 = arith.constant 96 : i32
    %dma_wait3A_835 = arith.constant 0 : i32
    %dma_wait3A_836 = tpu.memref_slice %arg6[%dma_wait3A_834, %dma_wait3A_835] : memref<224x512xf32, #tpu.memory_space<vmem>> -> memref<7x512xf32, #tpu.memory_space<vmem>>
    %dma_wait3A_837 = arith.constant 0 : i32
    %dma_wait3A_838 = tpu.memref_slice %arg2[%dma_wait3A_826, %dma_wait3A_827, %dma_wait3A_837, %add3A_299] : memref<6x7x7x16384xf32, #tpu.memory_space<hbm>> -> memref<1x1x7x512xf32, #tpu.memory_space<hbm>>
    %dma_wait3A_839 = tpu.memref_squeeze %dma_wait3A_838 : memref<1x1x7x512xf32, #tpu.memory_space<hbm>> -> memref<7x512xf32, #tpu.memory_space<hbm>>
    tpu.wait_dma2 semaphore(%arg8 : memref<!tpu.dma_semaphore, #tpu.memory_space<semaphore_mem>>) src(%dma_wait3A_839 : memref<7x512xf32, #tpu.memory_space<hbm>>) dst(%dma_wait3A_836 : memref<7x512xf32, #tpu.memory_space<vmem>>)
    %dma_wait3A_840 = arith.constant 2 : i32
    %dma_wait3A_841 = arith.constant 6 : i32
    %dma_wait3A_842 = arith.constant 104 : i32
    %dma_wait3A_843 = arith.constant 0 : i32
    %dma_wait3A_844 = tpu.memref_slice %arg6[%dma_wait3A_842, %dma_wait3A_843] : memref<224x512xf32, #tpu.memory_space<vmem>> -> memref<7x512xf32, #tpu.memory_space<vmem>>
    %dma_wait3A_845 = arith.constant 0 : i32
    %dma_wait3A_846 = tpu.memref_slice %arg2[%dma_wait3A_840, %dma_wait3A_841, %dma_wait3A_845, %add3A_315] : memref<6x7x7x16384xf32, #tpu.memory_space<hbm>> -> memref<1x1x7x512xf32, #tpu.memory_space<hbm>>
    %dma_wait3A_847 = tpu.memref_squeeze %dma_wait3A_846 : memref<1x1x7x512xf32, #tpu.memory_space<hbm>> -> memref<7x512xf32, #tpu.memory_space<hbm>>
    %dma_wait3A_848 = arith.constant 104 : i32
    %dma_wait3A_849 = arith.constant 0 : i32
    %dma_wait3A_850 = tpu.memref_slice %arg6[%dma_wait3A_848, %dma_wait3A_849] : memref<224x512xf32, #tpu.memory_space<vmem>> -> memref<7x512xf32, #tpu.memory_space<vmem>>
    %dma_wait3A_851 = arith.constant 0 : i32
    %dma_wait3A_852 = tpu.memref_slice %arg2[%dma_wait3A_840, %dma_wait3A_841, %dma_wait3A_851, %add3A_315] : memref<6x7x7x16384xf32, #tpu.memory_space<hbm>> -> memref<1x1x7x512xf32, #tpu.memory_space<hbm>>
    %dma_wait3A_853 = tpu.memref_squeeze %dma_wait3A_852 : memref<1x1x7x512xf32, #tpu.memory_space<hbm>> -> memref<7x512xf32, #tpu.memory_space<hbm>>
    tpu.wait_dma2 semaphore(%arg8 : memref<!tpu.dma_semaphore, #tpu.memory_space<semaphore_mem>>) src(%dma_wait3A_853 : memref<7x512xf32, #tpu.memory_space<hbm>>) dst(%dma_wait3A_850 : memref<7x512xf32, #tpu.memory_space<vmem>>)
    %dma_wait3A_854 = arith.constant 4 : i32
    %dma_wait3A_855 = arith.constant 0 : i32
    %dma_wait3A_856 = arith.constant 112 : i32
    %dma_wait3A_857 = arith.constant 0 : i32
    %dma_wait3A_858 = tpu.memref_slice %arg6[%dma_wait3A_856, %dma_wait3A_857] : memref<224x512xf32, #tpu.memory_space<vmem>> -> memref<7x512xf32, #tpu.memory_space<vmem>>
    %dma_wait3A_859 = arith.constant 0 : i32
    %dma_wait3A_860 = tpu.memref_slice %arg2[%dma_wait3A_854, %dma_wait3A_855, %dma_wait3A_859, %add3A_331] : memref<6x7x7x16384xf32, #tpu.memory_space<hbm>> -> memref<1x1x7x512xf32, #tpu.memory_space<hbm>>
    %dma_wait3A_861 = tpu.memref_squeeze %dma_wait3A_860 : memref<1x1x7x512xf32, #tpu.memory_space<hbm>> -> memref<7x512xf32, #tpu.memory_space<hbm>>
    %dma_wait3A_862 = arith.constant 112 : i32
    %dma_wait3A_863 = arith.constant 0 : i32
    %dma_wait3A_864 = tpu.memref_slice %arg6[%dma_wait3A_862, %dma_wait3A_863] : memref<224x512xf32, #tpu.memory_space<vmem>> -> memref<7x512xf32, #tpu.memory_space<vmem>>
    %dma_wait3A_865 = arith.constant 0 : i32
    %dma_wait3A_866 = tpu.memref_slice %arg2[%dma_wait3A_854, %dma_wait3A_855, %dma_wait3A_865, %add3A_331] : memref<6x7x7x16384xf32, #tpu.memory_space<hbm>> -> memref<1x1x7x512xf32, #tpu.memory_space<hbm>>
    %dma_wait3A_867 = tpu.memref_squeeze %dma_wait3A_866 : memref<1x1x7x512xf32, #tpu.memory_space<hbm>> -> memref<7x512xf32, #tpu.memory_space<hbm>>
    tpu.wait_dma2 semaphore(%arg8 : memref<!tpu.dma_semaphore, #tpu.memory_space<semaphore_mem>>) src(%dma_wait3A_867 : memref<7x512xf32, #tpu.memory_space<hbm>>) dst(%dma_wait3A_864 : memref<7x512xf32, #tpu.memory_space<vmem>>)
    %dma_wait3A_868 = arith.constant 4 : i32
    %dma_wait3A_869 = arith.constant 1 : i32
    %dma_wait3A_870 = arith.constant 120 : i32
    %dma_wait3A_871 = arith.constant 0 : i32
    %dma_wait3A_872 = tpu.memref_slice %arg6[%dma_wait3A_870, %dma_wait3A_871] : memref<224x512xf32, #tpu.memory_space<vmem>> -> memref<7x512xf32, #tpu.memory_space<vmem>>
    %dma_wait3A_873 = arith.constant 0 : i32
    %dma_wait3A_874 = tpu.memref_slice %arg2[%dma_wait3A_868, %dma_wait3A_869, %dma_wait3A_873, %add3A_347] : memref<6x7x7x16384xf32, #tpu.memory_space<hbm>> -> memref<1x1x7x512xf32, #tpu.memory_space<hbm>>
    %dma_wait3A_875 = tpu.memref_squeeze %dma_wait3A_874 : memref<1x1x7x512xf32, #tpu.memory_space<hbm>> -> memref<7x512xf32, #tpu.memory_space<hbm>>
    %dma_wait3A_876 = arith.constant 120 : i32
    %dma_wait3A_877 = arith.constant 0 : i32
    %dma_wait3A_878 = tpu.memref_slice %arg6[%dma_wait3A_876, %dma_wait3A_877] : memref<224x512xf32, #tpu.memory_space<vmem>> -> memref<7x512xf32, #tpu.memory_space<vmem>>
    %dma_wait3A_879 = arith.constant 0 : i32
    %dma_wait3A_880 = tpu.memref_slice %arg2[%dma_wait3A_868, %dma_wait3A_869, %dma_wait3A_879, %add3A_347] : memref<6x7x7x16384xf32, #tpu.memory_space<hbm>> -> memref<1x1x7x512xf32, #tpu.memory_space<hbm>>
    %dma_wait3A_881 = tpu.memref_squeeze %dma_wait3A_880 : memref<1x1x7x512xf32, #tpu.memory_space<hbm>> -> memref<7x512xf32, #tpu.memory_space<hbm>>
    tpu.wait_dma2 semaphore(%arg8 : memref<!tpu.dma_semaphore, #tpu.memory_space<semaphore_mem>>) src(%dma_wait3A_881 : memref<7x512xf32, #tpu.memory_space<hbm>>) dst(%dma_wait3A_878 : memref<7x512xf32, #tpu.memory_space<vmem>>)
    %dma_wait3A_882 = arith.constant 4 : i32
    %dma_wait3A_883 = arith.constant 2 : i32
    %dma_wait3A_884 = arith.constant 128 : i32
    %dma_wait3A_885 = arith.constant 0 : i32
    %dma_wait3A_886 = tpu.memref_slice %arg6[%dma_wait3A_884, %dma_wait3A_885] : memref<224x512xf32, #tpu.memory_space<vmem>> -> memref<7x512xf32, #tpu.memory_space<vmem>>
    %dma_wait3A_887 = arith.constant 0 : i32
    %dma_wait3A_888 = tpu.memref_slice %arg2[%dma_wait3A_882, %dma_wait3A_883, %dma_wait3A_887, %add3A_363] : memref<6x7x7x16384xf32, #tpu.memory_space<hbm>> -> memref<1x1x7x512xf32, #tpu.memory_space<hbm>>
    %dma_wait3A_889 = tpu.memref_squeeze %dma_wait3A_888 : memref<1x1x7x512xf32, #tpu.memory_space<hbm>> -> memref<7x512xf32, #tpu.memory_space<hbm>>
    %dma_wait3A_890 = arith.constant 128 : i32
    %dma_wait3A_891 = arith.constant 0 : i32
    %dma_wait3A_892 = tpu.memref_slice %arg6[%dma_wait3A_890, %dma_wait3A_891] : memref<224x512xf32, #tpu.memory_space<vmem>> -> memref<7x512xf32, #tpu.memory_space<vmem>>
    %dma_wait3A_893 = arith.constant 0 : i32
    %dma_wait3A_894 = tpu.memref_slice %arg2[%dma_wait3A_882, %dma_wait3A_883, %dma_wait3A_893, %add3A_363] : memref<6x7x7x16384xf32, #tpu.memory_space<hbm>> -> memref<1x1x7x512xf32, #tpu.memory_space<hbm>>
    %dma_wait3A_895 = tpu.memref_squeeze %dma_wait3A_894 : memref<1x1x7x512xf32, #tpu.memory_space<hbm>> -> memref<7x512xf32, #tpu.memory_space<hbm>>
    tpu.wait_dma2 semaphore(%arg8 : memref<!tpu.dma_semaphore, #tpu.memory_space<semaphore_mem>>) src(%dma_wait3A_895 : memref<7x512xf32, #tpu.memory_space<hbm>>) dst(%dma_wait3A_892 : memref<7x512xf32, #tpu.memory_space<vmem>>)
    %dma_wait3A_896 = arith.constant 4 : i32
    %dma_wait3A_897 = arith.constant 3 : i32
    %dma_wait3A_898 = arith.constant 136 : i32
    %dma_wait3A_899 = arith.constant 0 : i32
    %dma_wait3A_900 = tpu.memref_slice %arg6[%dma_wait3A_898, %dma_wait3A_899] : memref<224x512xf32, #tpu.memory_space<vmem>> -> memref<7x512xf32, #tpu.memory_space<vmem>>
    %dma_wait3A_901 = arith.constant 0 : i32
    %dma_wait3A_902 = tpu.memref_slice %arg2[%dma_wait3A_896, %dma_wait3A_897, %dma_wait3A_901, %add3A_379] : memref<6x7x7x16384xf32, #tpu.memory_space<hbm>> -> memref<1x1x7x512xf32, #tpu.memory_space<hbm>>
    %dma_wait3A_903 = tpu.memref_squeeze %dma_wait3A_902 : memref<1x1x7x512xf32, #tpu.memory_space<hbm>> -> memref<7x512xf32, #tpu.memory_space<hbm>>
    %dma_wait3A_904 = arith.constant 136 : i32
    %dma_wait3A_905 = arith.constant 0 : i32
    %dma_wait3A_906 = tpu.memref_slice %arg6[%dma_wait3A_904, %dma_wait3A_905] : memref<224x512xf32, #tpu.memory_space<vmem>> -> memref<7x512xf32, #tpu.memory_space<vmem>>
    %dma_wait3A_907 = arith.constant 0 : i32
    %dma_wait3A_908 = tpu.memref_slice %arg2[%dma_wait3A_896, %dma_wait3A_897, %dma_wait3A_907, %add3A_379] : memref<6x7x7x16384xf32, #tpu.memory_space<hbm>> -> memref<1x1x7x512xf32, #tpu.memory_space<hbm>>
    %dma_wait3A_909 = tpu.memref_squeeze %dma_wait3A_908 : memref<1x1x7x512xf32, #tpu.memory_space<hbm>> -> memref<7x512xf32, #tpu.memory_space<hbm>>
    tpu.wait_dma2 semaphore(%arg8 : memref<!tpu.dma_semaphore, #tpu.memory_space<semaphore_mem>>) src(%dma_wait3A_909 : memref<7x512xf32, #tpu.memory_space<hbm>>) dst(%dma_wait3A_906 : memref<7x512xf32, #tpu.memory_space<vmem>>)
    %dma_wait3A_910 = arith.constant 4 : i32
    %dma_wait3A_911 = arith.constant 4 : i32
    %dma_wait3A_912 = arith.constant 144 : i32
    %dma_wait3A_913 = arith.constant 0 : i32
    %dma_wait3A_914 = tpu.memref_slice %arg6[%dma_wait3A_912, %dma_wait3A_913] : memref<224x512xf32, #tpu.memory_space<vmem>> -> memref<7x512xf32, #tpu.memory_space<vmem>>
    %dma_wait3A_915 = arith.constant 0 : i32
    %dma_wait3A_916 = tpu.memref_slice %arg2[%dma_wait3A_910, %dma_wait3A_911, %dma_wait3A_915, %add3A_395] : memref<6x7x7x16384xf32, #tpu.memory_space<hbm>> -> memref<1x1x7x512xf32, #tpu.memory_space<hbm>>
    %dma_wait3A_917 = tpu.memref_squeeze %dma_wait3A_916 : memref<1x1x7x512xf32, #tpu.memory_space<hbm>> -> memref<7x512xf32, #tpu.memory_space<hbm>>
    %dma_wait3A_918 = arith.constant 144 : i32
    %dma_wait3A_919 = arith.constant 0 : i32
    %dma_wait3A_920 = tpu.memref_slice %arg6[%dma_wait3A_918, %dma_wait3A_919] : memref<224x512xf32, #tpu.memory_space<vmem>> -> memref<7x512xf32, #tpu.memory_space<vmem>>
    %dma_wait3A_921 = arith.constant 0 : i32
    %dma_wait3A_922 = tpu.memref_slice %arg2[%dma_wait3A_910, %dma_wait3A_911, %dma_wait3A_921, %add3A_395] : memref<6x7x7x16384xf32, #tpu.memory_space<hbm>> -> memref<1x1x7x512xf32, #tpu.memory_space<hbm>>
    %dma_wait3A_923 = tpu.memref_squeeze %dma_wait3A_922 : memref<1x1x7x512xf32, #tpu.memory_space<hbm>> -> memref<7x512xf32, #tpu.memory_space<hbm>>
    tpu.wait_dma2 semaphore(%arg8 : memref<!tpu.dma_semaphore, #tpu.memory_space<semaphore_mem>>) src(%dma_wait3A_923 : memref<7x512xf32, #tpu.memory_space<hbm>>) dst(%dma_wait3A_920 : memref<7x512xf32, #tpu.memory_space<vmem>>)
    %dma_wait3A_924 = arith.constant 4 : i32
    %dma_wait3A_925 = arith.constant 5 : i32
    %dma_wait3A_926 = arith.constant 152 : i32
    %dma_wait3A_927 = arith.constant 0 : i32
    %dma_wait3A_928 = tpu.memref_slice %arg6[%dma_wait3A_926, %dma_wait3A_927] : memref<224x512xf32, #tpu.memory_space<vmem>> -> memref<7x512xf32, #tpu.memory_space<vmem>>
    %dma_wait3A_929 = arith.constant 0 : i32
    %dma_wait3A_930 = tpu.memref_slice %arg2[%dma_wait3A_924, %dma_wait3A_925, %dma_wait3A_929, %add3A_411] : memref<6x7x7x16384xf32, #tpu.memory_space<hbm>> -> memref<1x1x7x512xf32, #tpu.memory_space<hbm>>
    %dma_wait3A_931 = tpu.memref_squeeze %dma_wait3A_930 : memref<1x1x7x512xf32, #tpu.memory_space<hbm>> -> memref<7x512xf32, #tpu.memory_space<hbm>>
    %dma_wait3A_932 = arith.constant 152 : i32
    %dma_wait3A_933 = arith.constant 0 : i32
    %dma_wait3A_934 = tpu.memref_slice %arg6[%dma_wait3A_932, %dma_wait3A_933] : memref<224x512xf32, #tpu.memory_space<vmem>> -> memref<7x512xf32, #tpu.memory_space<vmem>>
    %dma_wait3A_935 = arith.constant 0 : i32
    %dma_wait3A_936 = tpu.memref_slice %arg2[%dma_wait3A_924, %dma_wait3A_925, %dma_wait3A_935, %add3A_411] : memref<6x7x7x16384xf32, #tpu.memory_space<hbm>> -> memref<1x1x7x512xf32, #tpu.memory_space<hbm>>
    %dma_wait3A_937 = tpu.memref_squeeze %dma_wait3A_936 : memref<1x1x7x512xf32, #tpu.memory_space<hbm>> -> memref<7x512xf32, #tpu.memory_space<hbm>>
    tpu.wait_dma2 semaphore(%arg8 : memref<!tpu.dma_semaphore, #tpu.memory_space<semaphore_mem>>) src(%dma_wait3A_937 : memref<7x512xf32, #tpu.memory_space<hbm>>) dst(%dma_wait3A_934 : memref<7x512xf32, #tpu.memory_space<vmem>>)
    %dma_wait3A_938 = arith.constant 4 : i32
    %dma_wait3A_939 = arith.constant 6 : i32
    %dma_wait3A_940 = arith.constant 160 : i32
    %dma_wait3A_941 = arith.constant 0 : i32
    %dma_wait3A_942 = tpu.memref_slice %arg6[%dma_wait3A_940, %dma_wait3A_941] : memref<224x512xf32, #tpu.memory_space<vmem>> -> memref<7x512xf32, #tpu.memory_space<vmem>>
    %dma_wait3A_943 = arith.constant 0 : i32
    %dma_wait3A_944 = tpu.memref_slice %arg2[%dma_wait3A_938, %dma_wait3A_939, %dma_wait3A_943, %add3A_427] : memref<6x7x7x16384xf32, #tpu.memory_space<hbm>> -> memref<1x1x7x512xf32, #tpu.memory_space<hbm>>
    %dma_wait3A_945 = tpu.memref_squeeze %dma_wait3A_944 : memref<1x1x7x512xf32, #tpu.memory_space<hbm>> -> memref<7x512xf32, #tpu.memory_space<hbm>>
    %dma_wait3A_946 = arith.constant 160 : i32
    %dma_wait3A_947 = arith.constant 0 : i32
    %dma_wait3A_948 = tpu.memref_slice %arg6[%dma_wait3A_946, %dma_wait3A_947] : memref<224x512xf32, #tpu.memory_space<vmem>> -> memref<7x512xf32, #tpu.memory_space<vmem>>
    %dma_wait3A_949 = arith.constant 0 : i32
    %dma_wait3A_950 = tpu.memref_slice %arg2[%dma_wait3A_938, %dma_wait3A_939, %dma_wait3A_949, %add3A_427] : memref<6x7x7x16384xf32, #tpu.memory_space<hbm>> -> memref<1x1x7x512xf32, #tpu.memory_space<hbm>>
    %dma_wait3A_951 = tpu.memref_squeeze %dma_wait3A_950 : memref<1x1x7x512xf32, #tpu.memory_space<hbm>> -> memref<7x512xf32, #tpu.memory_space<hbm>>
    tpu.wait_dma2 semaphore(%arg8 : memref<!tpu.dma_semaphore, #tpu.memory_space<semaphore_mem>>) src(%dma_wait3A_951 : memref<7x512xf32, #tpu.memory_space<hbm>>) dst(%dma_wait3A_948 : memref<7x512xf32, #tpu.memory_space<vmem>>)
    %dma_wait3A_952 = arith.constant 5 : i32
    %dma_wait3A_953 = arith.constant 0 : i32
    %dma_wait3A_954 = arith.constant 168 : i32
    %dma_wait3A_955 = arith.constant 0 : i32
    %dma_wait3A_956 = tpu.memref_slice %arg6[%dma_wait3A_954, %dma_wait3A_955] : memref<224x512xf32, #tpu.memory_space<vmem>> -> memref<7x512xf32, #tpu.memory_space<vmem>>
    %dma_wait3A_957 = arith.constant 0 : i32
    %dma_wait3A_958 = tpu.memref_slice %arg2[%dma_wait3A_952, %dma_wait3A_953, %dma_wait3A_957, %add3A_443] : memref<6x7x7x16384xf32, #tpu.memory_space<hbm>> -> memref<1x1x7x512xf32, #tpu.memory_space<hbm>>
    %dma_wait3A_959 = tpu.memref_squeeze %dma_wait3A_958 : memref<1x1x7x512xf32, #tpu.memory_space<hbm>> -> memref<7x512xf32, #tpu.memory_space<hbm>>
    %dma_wait3A_960 = arith.constant 168 : i32
    %dma_wait3A_961 = arith.constant 0 : i32
    %dma_wait3A_962 = tpu.memref_slice %arg6[%dma_wait3A_960, %dma_wait3A_961] : memref<224x512xf32, #tpu.memory_space<vmem>> -> memref<7x512xf32, #tpu.memory_space<vmem>>
    %dma_wait3A_963 = arith.constant 0 : i32
    %dma_wait3A_964 = tpu.memref_slice %arg2[%dma_wait3A_952, %dma_wait3A_953, %dma_wait3A_963, %add3A_443] : memref<6x7x7x16384xf32, #tpu.memory_space<hbm>> -> memref<1x1x7x512xf32, #tpu.memory_space<hbm>>
    %dma_wait3A_965 = tpu.memref_squeeze %dma_wait3A_964 : memref<1x1x7x512xf32, #tpu.memory_space<hbm>> -> memref<7x512xf32, #tpu.memory_space<hbm>>
    tpu.wait_dma2 semaphore(%arg8 : memref<!tpu.dma_semaphore, #tpu.memory_space<semaphore_mem>>) src(%dma_wait3A_965 : memref<7x512xf32, #tpu.memory_space<hbm>>) dst(%dma_wait3A_962 : memref<7x512xf32, #tpu.memory_space<vmem>>)
    %dma_wait3A_966 = arith.constant 5 : i32
    %dma_wait3A_967 = arith.constant 1 : i32
    %dma_wait3A_968 = arith.constant 176 : i32
    %dma_wait3A_969 = arith.constant 0 : i32
    %dma_wait3A_970 = tpu.memref_slice %arg6[%dma_wait3A_968, %dma_wait3A_969] : memref<224x512xf32, #tpu.memory_space<vmem>> -> memref<7x512xf32, #tpu.memory_space<vmem>>
    %dma_wait3A_971 = arith.constant 0 : i32
    %dma_wait3A_972 = tpu.memref_slice %arg2[%dma_wait3A_966, %dma_wait3A_967, %dma_wait3A_971, %add3A_459] : memref<6x7x7x16384xf32, #tpu.memory_space<hbm>> -> memref<1x1x7x512xf32, #tpu.memory_space<hbm>>
    %dma_wait3A_973 = tpu.memref_squeeze %dma_wait3A_972 : memref<1x1x7x512xf32, #tpu.memory_space<hbm>> -> memref<7x512xf32, #tpu.memory_space<hbm>>
    %dma_wait3A_974 = arith.constant 176 : i32
    %dma_wait3A_975 = arith.constant 0 : i32
    %dma_wait3A_976 = tpu.memref_slice %arg6[%dma_wait3A_974, %dma_wait3A_975] : memref<224x512xf32, #tpu.memory_space<vmem>> -> memref<7x512xf32, #tpu.memory_space<vmem>>
    %dma_wait3A_977 = arith.constant 0 : i32
    %dma_wait3A_978 = tpu.memref_slice %arg2[%dma_wait3A_966, %dma_wait3A_967, %dma_wait3A_977, %add3A_459] : memref<6x7x7x16384xf32, #tpu.memory_space<hbm>> -> memref<1x1x7x512xf32, #tpu.memory_space<hbm>>
    %dma_wait3A_979 = tpu.memref_squeeze %dma_wait3A_978 : memref<1x1x7x512xf32, #tpu.memory_space<hbm>> -> memref<7x512xf32, #tpu.memory_space<hbm>>
    tpu.wait_dma2 semaphore(%arg8 : memref<!tpu.dma_semaphore, #tpu.memory_space<semaphore_mem>>) src(%dma_wait3A_979 : memref<7x512xf32, #tpu.memory_space<hbm>>) dst(%dma_wait3A_976 : memref<7x512xf32, #tpu.memory_space<vmem>>)
    %dma_wait3A_980 = arith.constant 5 : i32
    %dma_wait3A_981 = arith.constant 2 : i32
    %dma_wait3A_982 = arith.constant 184 : i32
    %dma_wait3A_983 = arith.constant 0 : i32
    %dma_wait3A_984 = tpu.memref_slice %arg6[%dma_wait3A_982, %dma_wait3A_983] : memref<224x512xf32, #tpu.memory_space<vmem>> -> memref<7x512xf32, #tpu.memory_space<vmem>>
    %dma_wait3A_985 = arith.constant 0 : i32
    %dma_wait3A_986 = tpu.memref_slice %arg2[%dma_wait3A_980, %dma_wait3A_981, %dma_wait3A_985, %add3A_475] : memref<6x7x7x16384xf32, #tpu.memory_space<hbm>> -> memref<1x1x7x512xf32, #tpu.memory_space<hbm>>
    %dma_wait3A_987 = tpu.memref_squeeze %dma_wait3A_986 : memref<1x1x7x512xf32, #tpu.memory_space<hbm>> -> memref<7x512xf32, #tpu.memory_space<hbm>>
    %dma_wait3A_988 = arith.constant 184 : i32
    %dma_wait3A_989 = arith.constant 0 : i32
    %dma_wait3A_990 = tpu.memref_slice %arg6[%dma_wait3A_988, %dma_wait3A_989] : memref<224x512xf32, #tpu.memory_space<vmem>> -> memref<7x512xf32, #tpu.memory_space<vmem>>
    %dma_wait3A_991 = arith.constant 0 : i32
    %dma_wait3A_992 = tpu.memref_slice %arg2[%dma_wait3A_980, %dma_wait3A_981, %dma_wait3A_991, %add3A_475] : memref<6x7x7x16384xf32, #tpu.memory_space<hbm>> -> memref<1x1x7x512xf32, #tpu.memory_space<hbm>>
    %dma_wait3A_993 = tpu.memref_squeeze %dma_wait3A_992 : memref<1x1x7x512xf32, #tpu.memory_space<hbm>> -> memref<7x512xf32, #tpu.memory_space<hbm>>
    tpu.wait_dma2 semaphore(%arg8 : memref<!tpu.dma_semaphore, #tpu.memory_space<semaphore_mem>>) src(%dma_wait3A_993 : memref<7x512xf32, #tpu.memory_space<hbm>>) dst(%dma_wait3A_990 : memref<7x512xf32, #tpu.memory_space<vmem>>)
    %dma_wait3A_994 = arith.constant 5 : i32
    %dma_wait3A_995 = arith.constant 3 : i32
    %dma_wait3A_996 = arith.constant 192 : i32
    %dma_wait3A_997 = arith.constant 0 : i32
    %dma_wait3A_998 = tpu.memref_slice %arg6[%dma_wait3A_996, %dma_wait3A_997] : memref<224x512xf32, #tpu.memory_space<vmem>> -> memref<7x512xf32, #tpu.memory_space<vmem>>
    %dma_wait3A_999 = arith.constant 0 : i32
    %dma_wait3A_1000 = tpu.memref_slice %arg2[%dma_wait3A_994, %dma_wait3A_995, %dma_wait3A_999, %add3A_491] : memref<6x7x7x16384xf32, #tpu.memory_space<hbm>> -> memref<1x1x7x512xf32, #tpu.memory_space<hbm>>
    %dma_wait3A_1001 = tpu.memref_squeeze %dma_wait3A_1000 : memref<1x1x7x512xf32, #tpu.memory_space<hbm>> -> memref<7x512xf32, #tpu.memory_space<hbm>>
    %dma_wait3A_1002 = arith.constant 192 : i32
    %dma_wait3A_1003 = arith.constant 0 : i32
    %dma_wait3A_1004 = tpu.memref_slice %arg6[%dma_wait3A_1002, %dma_wait3A_1003] : memref<224x512xf32, #tpu.memory_space<vmem>> -> memref<7x512xf32, #tpu.memory_space<vmem>>
    %dma_wait3A_1005 = arith.constant 0 : i32
    %dma_wait3A_1006 = tpu.memref_slice %arg2[%dma_wait3A_994, %dma_wait3A_995, %dma_wait3A_1005, %add3A_491] : memref<6x7x7x16384xf32, #tpu.memory_space<hbm>> -> memref<1x1x7x512xf32, #tpu.memory_space<hbm>>
    %dma_wait3A_1007 = tpu.memref_squeeze %dma_wait3A_1006 : memref<1x1x7x512xf32, #tpu.memory_space<hbm>> -> memref<7x512xf32, #tpu.memory_space<hbm>>
    tpu.wait_dma2 semaphore(%arg8 : memref<!tpu.dma_semaphore, #tpu.memory_space<semaphore_mem>>) src(%dma_wait3A_1007 : memref<7x512xf32, #tpu.memory_space<hbm>>) dst(%dma_wait3A_1004 : memref<7x512xf32, #tpu.memory_space<vmem>>)
    %dma_wait3A_1008 = arith.constant 5 : i32
    %dma_wait3A_1009 = arith.constant 4 : i32
    %dma_wait3A_1010 = arith.constant 200 : i32
    %dma_wait3A_1011 = arith.constant 0 : i32
    %dma_wait3A_1012 = tpu.memref_slice %arg6[%dma_wait3A_1010, %dma_wait3A_1011] : memref<224x512xf32, #tpu.memory_space<vmem>> -> memref<7x512xf32, #tpu.memory_space<vmem>>
    %dma_wait3A_1013 = arith.constant 0 : i32
    %dma_wait3A_1014 = tpu.memref_slice %arg2[%dma_wait3A_1008, %dma_wait3A_1009, %dma_wait3A_1013, %add3A_507] : memref<6x7x7x16384xf32, #tpu.memory_space<hbm>> -> memref<1x1x7x512xf32, #tpu.memory_space<hbm>>
    %dma_wait3A_1015 = tpu.memref_squeeze %dma_wait3A_1014 : memref<1x1x7x512xf32, #tpu.memory_space<hbm>> -> memref<7x512xf32, #tpu.memory_space<hbm>>
    %dma_wait3A_1016 = arith.constant 200 : i32
    %dma_wait3A_1017 = arith.constant 0 : i32
    %dma_wait3A_1018 = tpu.memref_slice %arg6[%dma_wait3A_1016, %dma_wait3A_1017] : memref<224x512xf32, #tpu.memory_space<vmem>> -> memref<7x512xf32, #tpu.memory_space<vmem>>
    %dma_wait3A_1019 = arith.constant 0 : i32
    %dma_wait3A_1020 = tpu.memref_slice %arg2[%dma_wait3A_1008, %dma_wait3A_1009, %dma_wait3A_1019, %add3A_507] : memref<6x7x7x16384xf32, #tpu.memory_space<hbm>> -> memref<1x1x7x512xf32, #tpu.memory_space<hbm>>
    %dma_wait3A_1021 = tpu.memref_squeeze %dma_wait3A_1020 : memref<1x1x7x512xf32, #tpu.memory_space<hbm>> -> memref<7x512xf32, #tpu.memory_space<hbm>>
    tpu.wait_dma2 semaphore(%arg8 : memref<!tpu.dma_semaphore, #tpu.memory_space<semaphore_mem>>) src(%dma_wait3A_1021 : memref<7x512xf32, #tpu.memory_space<hbm>>) dst(%dma_wait3A_1018 : memref<7x512xf32, #tpu.memory_space<vmem>>)
    %dma_wait3A_1022 = arith.constant 5 : i32
    %dma_wait3A_1023 = arith.constant 5 : i32
    %dma_wait3A_1024 = arith.constant 208 : i32
    %dma_wait3A_1025 = arith.constant 0 : i32
    %dma_wait3A_1026 = tpu.memref_slice %arg6[%dma_wait3A_1024, %dma_wait3A_1025] : memref<224x512xf32, #tpu.memory_space<vmem>> -> memref<7x512xf32, #tpu.memory_space<vmem>>
    %dma_wait3A_1027 = arith.constant 0 : i32
    %dma_wait3A_1028 = tpu.memref_slice %arg2[%dma_wait3A_1022, %dma_wait3A_1023, %dma_wait3A_1027, %add3A_523] : memref<6x7x7x16384xf32, #tpu.memory_space<hbm>> -> memref<1x1x7x512xf32, #tpu.memory_space<hbm>>
    %dma_wait3A_1029 = tpu.memref_squeeze %dma_wait3A_1028 : memref<1x1x7x512xf32, #tpu.memory_space<hbm>> -> memref<7x512xf32, #tpu.memory_space<hbm>>
    %dma_wait3A_1030 = arith.constant 208 : i32
    %dma_wait3A_1031 = arith.constant 0 : i32
    %dma_wait3A_1032 = tpu.memref_slice %arg6[%dma_wait3A_1030, %dma_wait3A_1031] : memref<224x512xf32, #tpu.memory_space<vmem>> -> memref<7x512xf32, #tpu.memory_space<vmem>>
    %dma_wait3A_1033 = arith.constant 0 : i32
    %dma_wait3A_1034 = tpu.memref_slice %arg2[%dma_wait3A_1022, %dma_wait3A_1023, %dma_wait3A_1033, %add3A_523] : memref<6x7x7x16384xf32, #tpu.memory_space<hbm>> -> memref<1x1x7x512xf32, #tpu.memory_space<hbm>>
    %dma_wait3A_1035 = tpu.memref_squeeze %dma_wait3A_1034 : memref<1x1x7x512xf32, #tpu.memory_space<hbm>> -> memref<7x512xf32, #tpu.memory_space<hbm>>
    tpu.wait_dma2 semaphore(%arg8 : memref<!tpu.dma_semaphore, #tpu.memory_space<semaphore_mem>>) src(%dma_wait3A_1035 : memref<7x512xf32, #tpu.memory_space<hbm>>) dst(%dma_wait3A_1032 : memref<7x512xf32, #tpu.memory_space<vmem>>)
    %dma_wait3A_1036 = arith.constant 5 : i32
    %dma_wait3A_1037 = arith.constant 6 : i32
    %dma_wait3A_1038 = arith.constant 216 : i32
    %dma_wait3A_1039 = arith.constant 0 : i32
    %dma_wait3A_1040 = tpu.memref_slice %arg6[%dma_wait3A_1038, %dma_wait3A_1039] : memref<224x512xf32, #tpu.memory_space<vmem>> -> memref<7x512xf32, #tpu.memory_space<vmem>>
    %dma_wait3A_1041 = arith.constant 0 : i32
    %dma_wait3A_1042 = tpu.memref_slice %arg2[%dma_wait3A_1036, %dma_wait3A_1037, %dma_wait3A_1041, %add3A_539] : memref<6x7x7x16384xf32, #tpu.memory_space<hbm>> -> memref<1x1x7x512xf32, #tpu.memory_space<hbm>>
    %dma_wait3A_1043 = tpu.memref_squeeze %dma_wait3A_1042 : memref<1x1x7x512xf32, #tpu.memory_space<hbm>> -> memref<7x512xf32, #tpu.memory_space<hbm>>
    %dma_wait3A_1044 = arith.constant 216 : i32
    %dma_wait3A_1045 = arith.constant 0 : i32
    %dma_wait3A_1046 = tpu.memref_slice %arg6[%dma_wait3A_1044, %dma_wait3A_1045] : memref<224x512xf32, #tpu.memory_space<vmem>> -> memref<7x512xf32, #tpu.memory_space<vmem>>
    %dma_wait3A_1047 = arith.constant 0 : i32
    %dma_wait3A_1048 = tpu.memref_slice %arg2[%dma_wait3A_1036, %dma_wait3A_1037, %dma_wait3A_1047, %add3A_539] : memref<6x7x7x16384xf32, #tpu.memory_space<hbm>> -> memref<1x1x7x512xf32, #tpu.memory_space<hbm>>
    %dma_wait3A_1049 = tpu.memref_squeeze %dma_wait3A_1048 : memref<1x1x7x512xf32, #tpu.memory_space<hbm>> -> memref<7x512xf32, #tpu.memory_space<hbm>>
    tpu.wait_dma2 semaphore(%arg8 : memref<!tpu.dma_semaphore, #tpu.memory_space<semaphore_mem>>) src(%dma_wait3A_1049 : memref<7x512xf32, #tpu.memory_space<hbm>>) dst(%dma_wait3A_1046 : memref<7x512xf32, #tpu.memory_space<vmem>>)
    %scan3A = arith.constant 0 : i32
    %scan3A_1050 = arith.constant 32 : i32
    %scan3A_1051 = arith.addi %scan3A, %scan3A_1050 : i32
    %scan3A_1052 = arith.constant 1 : i32
    %scan3A_1053 = scf.for %scan3A_1056 = %scan3A to %scan3A_1051 step %scan3A_1052 iter_args(%scan3A_1057 = %broadcast_in_dim3A_657) -> (vector<16xf32>)  : i32 {
      %mul3A_1058 = arith.constant 16 : i32
      %mul3A_1059 = arith.muli %scan3A_1056, %mul3A_1058 : i32
      %add3A_1060 = vector.broadcast %mul3A_1059 : i32 to vector<16xi32>
      %add3A_1061 = arith.addi %add3A_1060, %iota3A : vector<16xi32>
      %mul3A_1062 = arith.constant 16 : i32
      %mul3A_1063 = arith.muli %scan3A_1056, %mul3A_1062 : i32
      %add3A_1064 = arith.constant 0 : i32
      %add3A_1065 = arith.addi %add3A_1064, %mul3A_1063 : i32
      %get3A = arith.constant 0 : i32
      %get3A_1066 = arith.index_cast %get3A : i32 to index
      %get3A_1067 = arith.index_cast %add3A_1065 : i32 to index
      %get3A_1068 = tpu.vector_load %arg5[%get3A_1066, %get3A_1067] {strides = array<i32>} : memref<8x512xf32, #tpu.memory_space<vmem>>, vector<16xf32>,
      %get3A_1069 = arith.constant 1 : i32
      %get3A_1070 = arith.index_cast %get3A_1069 : i32 to index
      %get3A_1071 = arith.index_cast %add3A_1065 : i32 to index
      %get3A_1072 = tpu.vector_load %arg5[%get3A_1070, %get3A_1071] {strides = array<i32>} : memref<8x512xf32, #tpu.memory_space<vmem>>, vector<16xf32>,
      %get3A_1073 = arith.constant 2 : i32
      %get3A_1074 = arith.index_cast %get3A_1073 : i32 to index
      %get3A_1075 = arith.index_cast %add3A_1065 : i32 to index
      %get3A_1076 = tpu.vector_load %arg5[%get3A_1074, %get3A_1075] {strides = array<i32>} : memref<8x512xf32, #tpu.memory_space<vmem>>, vector<16xf32>,
      %get3A_1077 = arith.constant 3 : i32
      %get3A_1078 = arith.index_cast %get3A_1077 : i32 to index
      %get3A_1079 = arith.index_cast %add3A_1065 : i32 to index
      %get3A_1080 = tpu.vector_load %arg5[%get3A_1078, %get3A_1079] {strides = array<i32>} : memref<8x512xf32, #tpu.memory_space<vmem>>, vector<16xf32>,
      %get3A_1081 = arith.constant 4 : i32
      %get3A_1082 = arith.index_cast %get3A_1081 : i32 to index
      %get3A_1083 = arith.index_cast %add3A_1065 : i32 to index
      %get3A_1084 = tpu.vector_load %arg5[%get3A_1082, %get3A_1083] {strides = array<i32>} : memref<8x512xf32, #tpu.memory_space<vmem>>, vector<16xf32>,
      %get3A_1085 = arith.constant 5 : i32
      %get3A_1086 = arith.index_cast %get3A_1085 : i32 to index
      %get3A_1087 = arith.index_cast %add3A_1065 : i32 to index
      %get3A_1088 = tpu.vector_load %arg5[%get3A_1086, %get3A_1087] {strides = array<i32>} : memref<8x512xf32, #tpu.memory_space<vmem>>, vector<16xf32>,
      %get3A_1089 = arith.constant 6 : i32
      %get3A_1090 = arith.index_cast %get3A_1089 : i32 to index
      %get3A_1091 = arith.index_cast %add3A_1065 : i32 to index
      %get3A_1092 = tpu.vector_load %arg5[%get3A_1090, %get3A_1091] {strides = array<i32>} : memref<8x512xf32, #tpu.memory_space<vmem>>, vector<16xf32>,
      %get3A_1093 = arith.constant 7 : i32
      %get3A_1094 = arith.index_cast %get3A_1093 : i32 to index
      %get3A_1095 = arith.index_cast %add3A_1065 : i32 to index
      %get3A_1096 = tpu.vector_load %arg5[%get3A_1094, %get3A_1095] {strides = array<i32>} : memref<8x512xf32, #tpu.memory_space<vmem>>, vector<16xf32>,
      %convert_element_type3A = arith.fptosi %get3A_1068 : vector<16xf32> to vector<16xi32>
      %mul3A_1097 = arith.constant 8 : i32
      %mul3A_1098 = vector.broadcast %mul3A_1097 : i32 to vector<16xi32>
      %mul3A_1099 = arith.muli %convert_element_type3A, %mul3A_1098 : vector<16xi32>
      %convert_element_type3A_1100 = arith.fptosi %get3A_1072 : vector<16xf32> to vector<16xi32>
      %add3A_1101 = arith.addi %mul3A_1099, %convert_element_type3A_1100 : vector<16xi32>
      %convert_element_type3A_1102 = arith.fptosi %get3A_1084 : vector<16xf32> to vector<16xi32>
      %mul3A_1103 = arith.constant 8 : i32
      %mul3A_1104 = vector.broadcast %mul3A_1103 : i32 to vector<16xi32>
      %mul3A_1105 = arith.muli %convert_element_type3A_1102, %mul3A_1104 : vector<16xi32>
      %convert_element_type3A_1106 = arith.fptosi %get3A_1088 : vector<16xf32> to vector<16xi32>
      %add3A_1107 = arith.addi %mul3A_1105, %convert_element_type3A_1106 : vector<16xi32>
      %gather3A = tpu.vector_load_idx %arg6[%add3A_1101, %add3A_1061] : memref<224x512xf32, #tpu.memory_space<vmem>>[vector<16xi32>, vector<16xi32>], vector<16xf32>,
      %add3A_1108 = arith.constant 56 : i32
      %add3A_1109 = vector.broadcast %add3A_1108 : i32 to vector<16xi32>
      %add3A_1110 = arith.addi %add3A_1101, %add3A_1109 : vector<16xi32>
      %gather3A_1111 = tpu.vector_load_idx %arg6[%add3A_1110, %add3A_1061] : memref<224x512xf32, #tpu.memory_space<vmem>>[vector<16xi32>, vector<16xi32>], vector<16xf32>,
      %add3A_1112 = arith.constant 112 : i32
      %add3A_1113 = vector.broadcast %add3A_1112 : i32 to vector<16xi32>
      %add3A_1114 = arith.addi %add3A_1107, %add3A_1113 : vector<16xi32>
      %gather3A_1115 = tpu.vector_load_idx %arg6[%add3A_1114, %add3A_1061] : memref<224x512xf32, #tpu.memory_space<vmem>>[vector<16xi32>, vector<16xi32>], vector<16xf32>,
      %add3A_1116 = arith.constant 168 : i32
      %add3A_1117 = vector.broadcast %add3A_1116 : i32 to vector<16xi32>
      %add3A_1118 = arith.addi %add3A_1107, %add3A_1117 : vector<16xi32>
      %gather3A_1119 = tpu.vector_load_idx %arg6[%add3A_1118, %add3A_1061] : memref<224x512xf32, #tpu.memory_space<vmem>>[vector<16xi32>, vector<16xi32>], vector<16xf32>,
      %sub3A = arith.subf %gather3A, %get3A_1076 : vector<16xf32>
      %sub3A_1120 = arith.subf %gather3A_1111, %get3A_1080 : vector<16xf32>
      %sub3A_1121 = arith.subf %gather3A_1115, %get3A_1092 : vector<16xf32>
      %sub3A_1122 = arith.subf %gather3A_1119, %get3A_1096 : vector<16xf32>
      %mul3A_1123 = arith.mulf %sub3A, %sub3A : vector<16xf32>
      %mul3A_1124 = arith.mulf %sub3A_1120, %sub3A_1120 : vector<16xf32>
      %add3A_1125 = arith.addf %mul3A_1123, %mul3A_1124 : vector<16xf32>
      %mul3A_1126 = arith.mulf %sub3A_1121, %sub3A_1121 : vector<16xf32>
      %add3A_1127 = arith.addf %add3A_1125, %mul3A_1126 : vector<16xf32>
      %mul3A_1128 = arith.mulf %sub3A_1122, %sub3A_1122 : vector<16xf32>
      %add3A_1129 = arith.addf %add3A_1127, %mul3A_1128 : vector<16xf32>
      %mul3A_1130 = arith.constant 5.000000e+00 : f32
      %mul3A_1131 = vector.broadcast %mul3A_1130 : f32 to vector<16xf32>
      %mul3A_1132 = arith.mulf %mul3A_1131, %add3A_1129 : vector<16xf32>
      %add3A_1133 = arith.addf %scan3A_1057, %mul3A_1132 : vector<16xf32>
      scf.yield %add3A_1133 : vector<16xf32>
    }
    %scan3A_1054 = arith.constant 32 : i32
    %swap3A = arith.constant 0 : index
    %swap3A_1055 = tpu.vector_load %arg7[%swap3A] {strides = array<i32>} : memref<16xf32, #tpu.memory_space<vmem>>, vector<16xf32>,
    tpu.vector_store %arg7[%swap3A], %scan3A_1053 {strides = array<i32>} : memref<16xf32, #tpu.memory_space<vmem>>, vector<16xf32>,
    "tpu.region"() ({
      %run_scoped3A = tpu.sem_alloc : memref<!tpu.dma_semaphore, #tpu.memory_space<semaphore_mem>>
      %dma_start3A_1056 = arith.constant 0 : i32
      %dma_start3A_1057 = tpu.memref_slice %arg4[%add3A, %dma_start3A_1056] : memref<32x16xf32, #tpu.memory_space<hbm>> -> memref<1x16xf32, #tpu.memory_space<hbm>>
      %dma_start3A_1058 = tpu.memref_squeeze %dma_start3A_1057 : memref<1x16xf32, #tpu.memory_space<hbm>> -> memref<16xf32, #tpu.memory_space<hbm>>
      %dma_start3A_1059 = arith.constant 0 : i32
      %dma_start3A_1060 = tpu.memref_slice %arg4[%add3A, %dma_start3A_1059] : memref<32x16xf32, #tpu.memory_space<hbm>> -> memref<1x16xf32, #tpu.memory_space<hbm>>
      %dma_start3A_1061 = tpu.memref_squeeze %dma_start3A_1060 : memref<1x16xf32, #tpu.memory_space<hbm>> -> memref<16xf32, #tpu.memory_space<hbm>>
      tpu.enqueue_dma source(%arg7 : memref<16xf32, #tpu.memory_space<vmem>>) target(%dma_start3A_1061 : memref<16xf32, #tpu.memory_space<hbm>>) target_semaphore(%run_scoped3A : memref<!tpu.dma_semaphore, #tpu.memory_space<semaphore_mem>>)
      %dma_wait3A_1062 = arith.constant 0 : i32
      %dma_wait3A_1063 = tpu.memref_slice %arg4[%add3A, %dma_wait3A_1062] : memref<32x16xf32, #tpu.memory_space<hbm>> -> memref<1x16xf32, #tpu.memory_space<hbm>>
      %dma_wait3A_1064 = tpu.memref_squeeze %dma_wait3A_1063 : memref<1x16xf32, #tpu.memory_space<hbm>> -> memref<16xf32, #tpu.memory_space<hbm>>
      %dma_wait3A_1065 = arith.constant 0 : i32
      %dma_wait3A_1066 = tpu.memref_slice %arg4[%add3A, %dma_wait3A_1065] : memref<32x16xf32, #tpu.memory_space<hbm>> -> memref<1x16xf32, #tpu.memory_space<hbm>>
      %dma_wait3A_1067 = tpu.memref_squeeze %dma_wait3A_1066 : memref<1x16xf32, #tpu.memory_space<hbm>> -> memref<16xf32, #tpu.memory_space<hbm>>
      tpu.wait_dma2 semaphore(%run_scoped3A : memref<!tpu.dma_semaphore, #tpu.memory_space<semaphore_mem>>) src(%arg7 : memref<16xf32, #tpu.memory_space<vmem>>) dst(%dma_wait3A_1067 : memref<16xf32, #tpu.memory_space<hbm>>)
      tpu.yield
    }) : () -> ()
    return
  }
}

module attributes {stable_mosaic.version = 14 : i64} {
  func.func @_tc_dense(%arg0: i32, %arg1: memref<1x7x7x2048xf32, #tpu.memory_space<vmem>>, %arg2: memref<1x7x7x2048xf32, #tpu.memory_space<vmem>>, %arg3: memref<2x4x2048xf32, #tpu.memory_space<vmem>>, %arg4: memref<1x1xf32, #tpu.memory_space<vmem>>) attributes {dimension_semantics = [#tpu.dimension_semantics<arbitrary>], iteration_bounds = array<i64: 8>, scalar_prefetch = 0 : i64, scratch_operands = 0 : i64, tpu.core_type = #tpu.core_type<tc>, window_params = [{transform_indices = @transform_0, window_bounds = array<i64: 1, 7, 7, 2048>}, {transform_indices = @transform_1, window_bounds = array<i64: 1, 7, 7, 2048>}, {transform_indices = @transform_2, window_bounds = array<i64: 2, 4, 2048>}, {pipeline_mode = #tpu.pipeline_mode<synchronous>, transform_indices = @transform_3, window_bounds = array<i64: 1, 1>}]} {
    %eq3A = arith.constant 0 : i32
    %eq3A_0 = arith.cmpi eq, %arg0, %eq3A : i32
    %convert_element_type3A = arith.extui %eq3A_0 : i1 to i32
    %cond3A = arith.constant 0 : i32
    %cond3A_1 = arith.cmpi ne, %convert_element_type3A, %cond3A : i32
    scf.if %cond3A_1 {
      %broadcast_in_dim3A_93 = arith.constant 0.000000e+00 : f32
      %broadcast_in_dim3A_94 = vector.broadcast %broadcast_in_dim3A_93 : f32 to vector<1x1xf32>
      %swap3A_95 = arith.constant 0 : index
      %swap3A_96 = arith.constant 0 : index
      %swap3A_97 = vector.load %arg4[%swap3A_95, %swap3A_96] : memref<1x1xf32, #tpu.memory_space<vmem>>, vector<1x1xf32>
      tpu.vector_store %arg4[%swap3A_95, %swap3A_96], %broadcast_in_dim3A_94 {strides = array<i32>} : memref<1x1xf32, #tpu.memory_space<vmem>>, vector<1x1xf32>,
    } else {
    }
    %get3A = arith.constant 0 : index
    %get3A_2 = arith.constant 0 : index
    %get3A_3 = arith.constant 0 : index
    %get3A_4 = arith.constant 0 : index
    %get3A_5 = vector.load %arg1[%get3A, %get3A_2, %get3A_3, %get3A_4] : memref<1x7x7x2048xf32, #tpu.memory_space<vmem>>, vector<1x7x7x2048xf32>
    %get3A_6 = vector.shape_cast %get3A_5 : vector<1x7x7x2048xf32> to vector<7x7x2048xf32>
    %get3A_7 = arith.constant 0 : index
    %get3A_8 = arith.constant 0 : index
    %get3A_9 = arith.constant 0 : index
    %get3A_10 = arith.constant 0 : index
    %get3A_11 = vector.load %arg2[%get3A_7, %get3A_8, %get3A_9, %get3A_10] : memref<1x7x7x2048xf32, #tpu.memory_space<vmem>>, vector<1x7x7x2048xf32>
    %get3A_12 = vector.shape_cast %get3A_11 : vector<1x7x7x2048xf32> to vector<7x7x2048xf32>
    %iota3A = tpu.iota {dimensions = array<i32: 0>} : vector<7x7x2048xi32>
    %iota3A_13 = tpu.iota {dimensions = array<i32: 1>} : vector<7x7x2048xi32>
    %get3A_14 = arith.constant 0 : index
    %get3A_15 = arith.constant 0 : index
    %get3A_16 = arith.constant 0 : index
    %get3A_17 = vector.load %arg3[%get3A_14, %get3A_15, %get3A_16] : memref<2x4x2048xf32, #tpu.memory_space<vmem>>, vector<1x1x2048xf32>
    %get3A_18 = vector.shape_cast %get3A_17 : vector<1x1x2048xf32> to vector<1x2048xf32>
    %convert_element_type3A_19 = arith.fptosi %get3A_18 : vector<1x2048xf32> to vector<1x2048xi32>
    %reshape3A = vector.shape_cast %convert_element_type3A_19 : vector<1x2048xi32> to vector<1x1x2048xi32>
    %get3A_20 = arith.constant 0 : index
    %get3A_21 = arith.constant 1 : index
    %get3A_22 = arith.constant 0 : index
    %get3A_23 = vector.load %arg3[%get3A_20, %get3A_21, %get3A_22] : memref<2x4x2048xf32, #tpu.memory_space<vmem>>, vector<1x1x2048xf32>
    %get3A_24 = vector.shape_cast %get3A_23 : vector<1x1x2048xf32> to vector<1x2048xf32>
    %convert_element_type3A_25 = arith.fptosi %get3A_24 : vector<1x2048xf32> to vector<1x2048xi32>
    %reshape3A_26 = vector.shape_cast %convert_element_type3A_25 : vector<1x2048xi32> to vector<1x1x2048xi32>
    %get3A_27 = arith.constant 1 : index
    %get3A_28 = arith.constant 0 : index
    %get3A_29 = arith.constant 0 : index
    %get3A_30 = vector.load %arg3[%get3A_27, %get3A_28, %get3A_29] : memref<2x4x2048xf32, #tpu.memory_space<vmem>>, vector<1x1x2048xf32>
    %get3A_31 = vector.shape_cast %get3A_30 : vector<1x1x2048xf32> to vector<1x2048xf32>
    %convert_element_type3A_32 = arith.fptosi %get3A_31 : vector<1x2048xf32> to vector<1x2048xi32>
    %reshape3A_33 = vector.shape_cast %convert_element_type3A_32 : vector<1x2048xi32> to vector<1x1x2048xi32>
    %get3A_34 = arith.constant 1 : index
    %get3A_35 = arith.constant 1 : index
    %get3A_36 = arith.constant 0 : index
    %get3A_37 = vector.load %arg3[%get3A_34, %get3A_35, %get3A_36] : memref<2x4x2048xf32, #tpu.memory_space<vmem>>, vector<1x1x2048xf32>
    %get3A_38 = vector.shape_cast %get3A_37 : vector<1x1x2048xf32> to vector<1x2048xf32>
    %convert_element_type3A_39 = arith.fptosi %get3A_38 : vector<1x2048xf32> to vector<1x2048xi32>
    %reshape3A_40 = vector.shape_cast %convert_element_type3A_39 : vector<1x2048xi32> to vector<1x1x2048xi32>
    %eq3A_41 = vector.broadcast %reshape3A : vector<1x1x2048xi32> to vector<7x7x2048xi32>
    %eq3A_42 = arith.cmpi eq, %iota3A, %eq3A_41 : vector<7x7x2048xi32>
    %eq3A_43 = vector.broadcast %reshape3A_26 : vector<1x1x2048xi32> to vector<7x7x2048xi32>
    %eq3A_44 = arith.cmpi eq, %iota3A_13, %eq3A_43 : vector<7x7x2048xi32>
    %and3A = arith.andi %eq3A_42, %eq3A_44 : vector<7x7x2048xi1>
    %eq3A_45 = vector.broadcast %reshape3A_33 : vector<1x1x2048xi32> to vector<7x7x2048xi32>
    %eq3A_46 = arith.cmpi eq, %iota3A, %eq3A_45 : vector<7x7x2048xi32>
    %eq3A_47 = vector.broadcast %reshape3A_40 : vector<1x1x2048xi32> to vector<7x7x2048xi32>
    %eq3A_48 = arith.cmpi eq, %iota3A_13, %eq3A_47 : vector<7x7x2048xi32>
    %and3A_49 = arith.andi %eq3A_46, %eq3A_48 : vector<7x7x2048xi1>
    %mul3A = arith.mulf %get3A_6, %get3A_6 : vector<7x7x2048xf32>
    %mul3A_50 = arith.mulf %get3A_12, %get3A_12 : vector<7x7x2048xf32>
    %add3A = arith.addf %mul3A, %mul3A_50 : vector<7x7x2048xf32>
    %mul3A_51 = arith.constant 5.000000e-01 : f32
    %mul3A_52 = vector.broadcast %mul3A_51 : f32 to vector<7x7x2048xf32>
    %mul3A_53 = arith.mulf %mul3A_52, %add3A : vector<7x7x2048xf32>
    %sub3A = arith.constant 1.000000e+00 : f32
    %sub3A_54 = vector.broadcast %sub3A : f32 to vector<7x7x2048xf32>
    %sub3A_55 = arith.subf %sub3A_54, %get3A_6 : vector<7x7x2048xf32>
    %sub3A_56 = arith.constant 1.000000e+00 : f32
    %sub3A_57 = vector.broadcast %sub3A_56 : f32 to vector<7x7x2048xf32>
    %sub3A_58 = arith.subf %sub3A_57, %get3A_6 : vector<7x7x2048xf32>
    %mul3A_59 = arith.mulf %sub3A_55, %sub3A_58 : vector<7x7x2048xf32>
    %mul3A_60 = arith.constant 5.000000e-01 : f32
    %mul3A_61 = vector.broadcast %mul3A_60 : f32 to vector<7x7x2048xf32>
    %mul3A_62 = arith.mulf %mul3A_61, %get3A_6 : vector<7x7x2048xf32>
    %mul3A_63 = arith.mulf %mul3A_62, %get3A_6 : vector<7x7x2048xf32>
    %sub3A_64 = arith.subf %mul3A_59, %mul3A_63 : vector<7x7x2048xf32>
    %jit3A = arith.constant 0.000000e+00 : f32
    %broadcast_in_dim3A = vector.broadcast %jit3A : f32 to vector<7x7x2048xf32>
    %select_n3A = arith.select %and3A, %sub3A_64, %broadcast_in_dim3A : vector<7x7x2048xi1>, vector<7x7x2048xf32>
    %add3A_65 = arith.addf %mul3A_53, %select_n3A : vector<7x7x2048xf32>
    %sub3A_66 = arith.constant 1.000000e+00 : f32
    %sub3A_67 = vector.broadcast %sub3A_66 : f32 to vector<7x7x2048xf32>
    %sub3A_68 = arith.subf %sub3A_67, %get3A_12 : vector<7x7x2048xf32>
    %sub3A_69 = arith.constant 1.000000e+00 : f32
    %sub3A_70 = vector.broadcast %sub3A_69 : f32 to vector<7x7x2048xf32>
    %sub3A_71 = arith.subf %sub3A_70, %get3A_12 : vector<7x7x2048xf32>
    %mul3A_72 = arith.mulf %sub3A_68, %sub3A_71 : vector<7x7x2048xf32>
    %mul3A_73 = arith.constant 5.000000e-01 : f32
    %mul3A_74 = vector.broadcast %mul3A_73 : f32 to vector<7x7x2048xf32>
    %mul3A_75 = arith.mulf %mul3A_74, %get3A_12 : vector<7x7x2048xf32>
    %mul3A_76 = arith.mulf %mul3A_75, %get3A_12 : vector<7x7x2048xf32>
    %sub3A_77 = arith.subf %mul3A_72, %mul3A_76 : vector<7x7x2048xf32>
    %jit3A_78 = arith.constant 0.000000e+00 : f32
    %broadcast_in_dim3A_79 = vector.broadcast %jit3A_78 : f32 to vector<7x7x2048xf32>
    %select_n3A_80 = arith.select %and3A_49, %sub3A_77, %broadcast_in_dim3A_79 : vector<7x7x2048xi1>, vector<7x7x2048xf32>
    %add3A_81 = arith.addf %add3A_65, %select_n3A_80 : vector<7x7x2048xf32>
    %get3A_82 = arith.constant 0 : index
    %get3A_83 = arith.constant 0 : index
    %get3A_84 = vector.load %arg4[%get3A_82, %get3A_83] : memref<1x1xf32, #tpu.memory_space<vmem>>, vector<1x1xf32>
    %reduce_sum3A = vector.shape_cast %add3A_81 : vector<7x7x2048xf32> to vector<1x7x7x2048xf32>
    %reduce_sum3A_85 = arith.constant dense<0.000000e+00> : vector<1xf32>
    %reduce_sum3A_86 = vector.multi_reduction <add>, %reduce_sum3A, %reduce_sum3A_85 [1, 2, 3] : vector<1x7x7x2048xf32> to vector<1xf32>
    %reduce_sum3A_87 = vector.shape_cast %reduce_sum3A_86 : vector<1xf32> to vector<1x1x1x1xf32>
    %reduce_sum3A_88 = vector.extract %reduce_sum3A_87[0, 0, 0, 0] : f32 from vector<1x1x1x1xf32>
    %reshape3A_89 = vector.broadcast %reduce_sum3A_88 : f32 to vector<1x1xf32>
    %add3A_90 = arith.addf %get3A_84, %reshape3A_89 : vector<1x1xf32>
    %swap3A = arith.constant 0 : index
    %swap3A_91 = arith.constant 0 : index
    %swap3A_92 = vector.load %arg4[%swap3A, %swap3A_91] : memref<1x1xf32, #tpu.memory_space<vmem>>, vector<1x1xf32>
    tpu.vector_store %arg4[%swap3A, %swap3A_91], %add3A_90 {strides = array<i32>} : memref<1x1xf32, #tpu.memory_space<vmem>>, vector<1x1xf32>,
    return
  }
  func.func @transform_0(%arg0: i32) -> (i32, i32, i32, i32) {
    %c0_i32 = arith.constant 0 : i32
    %c0_i32_0 = arith.constant 0 : i32
    %c0_i32_1 = arith.constant 0 : i32
    %c0_i32_2 = arith.constant 0 : i32
    return %c0_i32, %c0_i32_0, %c0_i32_1, %arg0 : i32, i32, i32, i32
  }
  func.func @transform_1(%arg0: i32) -> (i32, i32, i32, i32) {
    %c3_i32 = arith.constant 3 : i32
    %c0_i32 = arith.constant 0 : i32
    %c0_i32_0 = arith.constant 0 : i32
    %c0_i32_1 = arith.constant 0 : i32
    return %c3_i32, %c0_i32, %c0_i32_0, %arg0 : i32, i32, i32, i32
  }
  func.func @transform_2(%arg0: i32) -> (i32, i32, i32) {
    %c0_i32 = arith.constant 0 : i32
    %c0_i32_0 = arith.constant 0 : i32
    %c0_i32_1 = arith.constant 0 : i32
    return %c0_i32, %c0_i32_0, %arg0 : i32, i32, i32
  }
  func.func @transform_3(%arg0: i32) -> (i32, i32) {
    %c0_i32 = arith.constant 0 : i32
    %c0_i32_0 = arith.constant 0 : i32
    %c0_i32_1 = arith.constant 0 : i32
    return %c0_i32, %c0_i32_0 : i32, i32
  }
}

</mosaic_0001>

<sc_bundles>
// kernel: kernel.4.cloned.1.call-start
scs
__scs_entry_jumppad:
0x0: {  	(pc) =	sbr.rel $0x88, $3  }
0x1: {  	(tag) =	ssettag $0x0;
	lr =	simm.s32 $0x1  }
0x2: {  	[smem:$0x3F9F] =	sst lr;
	_ =	strace $0xD0000000  }
0x3: {  	_ = 	snop  }
0x4: {  	_ = 	snop  }
0x5: {  	_ = 	snop  }
0x6: {  	_ = 	snop  }
0x7: {  	_ = 	snop  }
__scs_overlays_trampoline_lowered:
0x8: {  	[smem:$0x3FAE] =	sst s0  }
0x9: {  	[smem:$0x3FAF] =	sst s1  }
0xa: {  	[smem:$0x3FB0] =	sst s2  }
0xb: {  	[smem:$0x3FB1] =	sst s3  }
0xc: {  	[smem:$0x3FB2] =	sst s4  }
0xd: {  	[smem:$0x3FB3] =	sst s5  }
0xe: {  	[smem:$0x3FB4] =	sst s6  }
0xf: {  	[smem:$0x3FB5] =	sst s7  }
0x10: {  	[smem:$0x3FB6] =	sst s8  }
0x11: {  	[smem:$0x3FB7] =	sst s9;
	s0 =	simm.s32 @!p0 $0x0  }
0x12: {  	s1 =	sld [smem:$0x3F9D];
	s0 =	simm.s32 @p0 $0x1  }
0x13: {  	[smem:$0x3FB8] =	sst s0;
	s0 =	simm.s32 @!p1 $0x0  }
0x14: {  	s2 =	sld [smem:$0x3F9C];
	s0 =	simm.s32 @p1 $0x1  }
0x15: {  	[smem:$0x3FB9] =	sst s0;
	s0 =	simm.s32 @!p2 $0x0  }
0x16: {  	s3 =	sld [smem:$0x3FDB];
	s0 =	simm.s32 @p2 $0x1  }
0x17: {  	s4 =	simm.s32 $0x1BF5;
	[smem:$0x3FBB] =	sst s0  }
0x18: {  	s0 =	sld [smem:$0x3F9E];
	_ =	swait.ge [sflag:s4], $0x0  }
0x19: {  	s7 =	sld [smem:$0x3F9F]  }
0x1a: {  	s8 =	sadd.s32 $0xFFFFE003, lr  }
0x1b: {  	s9 =	sadd.s32 $0xFFFFFEF7, lr;
	s5 =	simm.s32 $0xFFFFFFFF;
	p2 =	slt.u32 s8, $0xFFFFF086  }
0x1c: {  	p1 =	slt.u32 s9, $0xF7A;
	s5 =	simm.s32 @!p2 $0x0  }
0x1d: {  	s5 =	simm.s32 @p1 $0x1;
	p0 =	seq.s32 s7, s2  }
0x1e: {  	s7 =	smul.u32 @!p0 $0xF7A, s2;
	p2 =	seq.s32 @!p0 s5, $0x0  }
0x1f: {  	s9 =	smul.u32 $0xF7A, s1;
	s8 =	simm.s32 @!p0 $0x1BF5;
	p2 =	por !p2, p0  }
0x20: {  	[sflag:s8] =	ssyncset.s32 @!p0 $0xFFFFF086;
	s6 =	sadd.s32 @!p0 s3, s7;
	s7 =	simm.s32 @!p0 $0x108  }
0x21: {  	s3 =	sadd.s32 s3, s9;
	s6 =	sadd.s32 @!p0 $0x88, s6;
	s7 =	simm.s32 @p2 $0x1082  }
0x22: {  	[simem:s7], [sflag:s8] =	dma.local @!p0 [hbm:s6], $0xF7A  }
0x23: {  	s9 =	sor.u32 $0xD0000000, s2;
	s6 =	simm.s32 $0x108;
	_ =	swait.ge @!p0 [sflag:s8], $0x0  }
0x24: {  	s3 =	sadd.s32 $0x88, s3;
	s6 =	simm.s32 @!p1 $0x1082;
	[sflag:s4] =	ssyncset.s32 $0xFFFFF086  }
0x25: {  	[simem:s6], [sflag:s4] =	dma.local [hbm:s3], $0xF7A  }
0x26: {  	[smem:$0x3F9F] =	sst s1;
	(tag) =	ssettag s2;
	_ =	strace s9  }
0x27: {  	s1 =	sld [smem:$0x3FAF]  }
0x28: {  	s2 =	sld [smem:$0x3FB0]  }
0x29: {  	s4 =	sld [smem:$0x3FB2]  }
0x2a: {  	p0 =	seq.s32 s5, $0x0;
	s5 =	sld [smem:$0x3FB3]  }
0x2b: {  	s6 =	sld [smem:$0x3FB4]  }
0x2c: {  	s7 =	sld [smem:$0x3FB5]  }
0x2d: {  	s3 =	simm.s32 $0x108;
	s8 =	sld [smem:$0x3FB6]  }
0x2e: {  	s3 =	simm.s32 @!p0 $0x1082;
	s9 =	sld [smem:$0x3FB7]  }
0x2f: {  	lr =	sadd.s32 s0, s3;
	s0 =	sld [smem:$0x3FAE]  }
0x30: {  	s3 =	sld [smem:$0x3FB1]  }
0x31: {  	[smem:$0x3FBA] =	sst s10  }
0x32: {  	s10 =	sld [smem:$0x3FB8];
	_ =	sdelay $0x3  }
0x33: {  	p0 =	seq.s32 s10, $0x1;
	s10 =	sld [smem:$0x3FBA];
	_ =	sdelay $0x3  }
0x34: {  	[smem:$0x3FBA] =	sst s10  }
0x35: {  	s10 =	sld [smem:$0x3FB9];
	_ =	sdelay $0x3  }
0x36: {  	p1 =	seq.s32 s10, $0x1;
	s10 =	sld [smem:$0x3FBA];
	_ =	sdelay $0x3  }
0x37: {  	[smem:$0x3FBA] =	sst s10  }
0x38: {  	s10 =	sld [smem:$0x3FBB]  }
0x39: {  	_ = 	snop;
	(pc) =	sbr.ind lr, $3  }
0x3a: {  	_ = 	snop  }
0x3b: {  	_ = 	snop  }
0x3c: {  	p2 =	seq.s32 s10, $0x1;
	s10 =	sld [smem:$0x3FBA]  }
0x3d: {  	_ =	shalt  }
0x3e: {  	_ =	shalt  }
0x3f: {  	_ =	shalt  }
0x40: {  	_ =	shalt  }
0x41: {  	_ =	shalt  }
0x42: {  	_ =	shalt  }
0x43: {  	_ =	shalt  }
0x44: {  	_ =	shalt  }
0x45: {  	_ =	shalt  }
0x46: {  	_ =	shalt  }
0x47: {  	_ =	shalt  }
0x48: {  	_ =	shalt  }
0x49: {  	_ =	shalt  }
0x4a: {  	_ =	shalt  }
0x4b: {  	_ =	shalt  }
0x4c: {  	_ =	shalt  }
0x4d: {  	_ =	shalt  }
0x4e: {  	_ =	shalt  }
0x4f: {  	_ =	shalt  }
0x50: {  	_ =	shalt  }
0x51: {  	_ =	shalt  }
0x52: {  	_ =	shalt  }
0x53: {  	_ =	shalt  }
0x54: {  	_ =	shalt  }
0x55: {  	_ =	shalt  }
0x56: {  	_ =	shalt  }
0x57: {  	_ =	shalt  }
0x58: {  	_ =	shalt  }
0x59: {  	_ =	shalt  }
0x5a: {  	_ =	shalt  }
0x5b: {  	_ =	shalt  }
0x5c: {  	_ =	shalt  }
0x5d: {  	_ =	shalt  }
0x5e: {  	_ =	shalt  }
0x5f: {  	_ =	shalt  }
0x60: {  	_ =	shalt  }
0x61: {  	_ =	shalt  }
0x62: {  	_ =	shalt  }
0x63: {  	_ =	shalt  }
0x64: {  	_ =	shalt  }
0x65: {  	_ =	shalt  }
0x66: {  	_ =	shalt  }
0x67: {  	_ =	shalt  }
0x68: {  	_ =	shalt  }
0x69: {  	_ =	shalt  }
0x6a: {  	_ =	shalt  }
0x6b: {  	_ =	shalt  }
0x6c: {  	_ =	shalt  }
0x6d: {  	_ =	shalt  }
0x6e: {  	_ =	shalt  }
0x6f: {  	_ =	shalt  }
0x70: {  	_ =	shalt  }
0x71: {  	_ =	shalt  }
0x72: {  	_ =	shalt  }
0x73: {  	_ =	shalt  }
0x74: {  	_ =	shalt  }
0x75: {  	_ =	shalt  }
0x76: {  	_ =	shalt  }
0x77: {  	_ =	shalt  }
0x78: {  	_ =	shalt  }
0x79: {  	_ =	shalt  }
0x7a: {  	_ =	shalt  }
0x7b: {  	_ =	shalt  }
0x7c: {  	_ =	shalt  }
0x7d: {  	_ =	shalt  }
0x7e: {  	_ =	shalt  }
0x7f: {  	_ =	shalt  }
0x80: {  	_ =	shalt  }
0x81: {  	_ =	shalt  }
0x82: {  	_ =	shalt  }
0x83: {  	_ =	shalt  }
0x84: {  	_ =	shalt  }
0x85: {  	_ =	shalt  }
0x86: {  	_ =	shalt  }
0x87: {  	_ =	shalt  }
.Lfunc_end0:
.L_simem_size_0:
called_computation_lowered:
.L_overlay_start_0:
0x88: {  	s2 =	sld [smem:$0x3FD9]  }
0x89: {  	s3 =	sld [smem:$0x3FFE];
	_ =	sdelay $0x1  }
0x8a: {  	s1 =	srdreg.scid  }
0x8b: {  	s0 =	sand.u32 $0x1, s1  }
0x8c: {  	s17 =	sshll.u32 s0, $0xA;
	s2 =	sadd.s32 s3, s2  }
0x8d: {  	s2 =	sadd.s32 s2, s17  }
0x8e: {  	[smem:$0x3FC6] =	sst s2  }
0x8f: {  	_ = 	snop  }
0x90: {  	s2 =	sld [smem:$0x3FC9]  }
0x91: {  	s18 =	sld [smem:$0x3FC8];
	(tm) =	ssettm $0x1  }
0x92: {  	s4 =	sld [smem:$0x3FFB];
	_ =	sdelay $0x3  }
0x93: {  	_ =	strace s4  }
0x94: {  	s4 =	sld [smem:$0x3FFC];
	_ =	sdelay $0x3  }
0x95: {  	_ =	strace s4  }
0x96: {  	s4 =	sld [smem:$0x3FFD];
	_ =	sdelay $0x3  }
0x97: {  	_ =	strace s4  }
0x98: {  	_ =	strace $0x8FFFFFFF  }
0x99: {  	s19 =	sld [smem:$0x3FDB];
	_ =	sdelay $0x1  }
0x9a: {  	s5 =	simm.s32 $_scs_section_size  }
0x9b: {  	s6 =	simm.s32 $_size__tile_overlayer_lowered;
	s7 =	simm.s32 $_tile_overlayer_lowered  }
0x9c: {  	s22 =	simm.s32 $0x1BFF;
	s21 =	sshll.u32 s7, $0x1;
	s4 =	sadd.s32 s5, s19  }
0x9d: {  	s8 =	simm.s32 $0x0;
	s20 =	sshll.u32 s6, $0x1;
	s6 =	sadd.s32 s21, s4  }
0x9e: {  	[timem:s8], [sflag:s22] =	dma.local [hbm:s6], s20  }
0x9f: {  	_ =	swait.ge [sflag:s22], s20  }
0xa0: {  	s5 =	ssub.s32 $0x0, s20;
	[sflag:s22] =	ssyncset.done $0x0  }
0xa1: {  	[sflag:s22] =	ssyncadd.s32 s5;
	_ =	sdelay $0x1  }
0xa2: {  	s23 =	simm.s32 $0x1B8B  }
0xa3: {  	_ =	swait.ge [sflag:s23], $0x1  }
0xa4: {  	[sflag:s23] =	ssyncset.done $0x0  }
0xa5: {  	s25 =	simm.s32 $0x1B8E;
	s24 =	sld [smem:$0x3FFE];
	[sflag:s23] =	ssyncadd.s32 $0xFFFFFFFF  }
0xa6: {  	s26 =	simm.s32 $execute0_lowered;
	[smem:$0x3FD2] =	sst s25  }
0xa7: {  	s6 =	sshll.u32 s26, $0x1;
	_ =	strace $0x80000046;
	[dreg:$0x1] =	wrdreg $0xFFFFFFFF  }
0xa8: {  	s28 =	simm.s32 $_size_execute0_lowered;
	s4 =	sadd.s32 s4, s6;
	[dreg:$0x0] =	wrdreg $0x0  }
0xa9: {  	s6 =	sshll.u32 s28, $0x1;
	[dreg:$0x2] =	wrdreg s4  }
0xaa: {  	[dreg:$0x3] =	wrdreg s6  }
0xab: {  	[dreg:$0x4] =	wrdreg $0xC0  }
0xac: {  	_ =	task [dreg:s8], $0x5FFFF  }
0xad: {  	[dreg:$0x1] =	wrdreg $0xFFFFFFFF  }
0xae: {  	[dreg:$0x0] =	wrdreg $0x60  }
0xaf: {  	[dreg:$0x2] =	wrdreg s2  }
0xb0: {  	[dreg:$0x3] =	wrdreg s18  }
0xb1: {  	[dreg:$0x4] =	wrdreg s24  }
0xb2: {  	[dreg:$0x5] =	wrdreg $0x9  }
0xb3: {  	_ =	task.clear_ibuf [dreg:s8], $0x6FFFF;
	_ =	strace $0x90000046  }
0xb4: {  	s29 =	simm.s32 $0x9;
	_ =	strace $0x80000048  }
0xb5: {  	_ =	swait.ge [sflag:s29], $0x1  }
0xb6: {  	[sflag:s29] =	ssyncadd.s32 $0xFFFFFFFF  }
0xb7: {  	_ =	strace $0x90000048  }
0xb8: {  	_ =	sfence  }
0xb9: {  	s30 =	sld [smem:$0x0];
	_ =	sdelay $0x2  }
0xba: {  	s31 =	sshll.u32 s1, $0xD;
	s1 =	sshrl.u32 s1, $0x2  }
0xbb: {  	s3 =	sand.u32 $0x4000, s31;
	s1 =	sadd.s32 s1, s30  }
0xbc: {  	s0 =	sor.u32 s3, s0;
	s1 =	sshll.u32 s1, $0x11  }
0xbd: {  	s0 =	sor.u32 s1, s0  }
0xbe: {  	s0 =	sadd.s32 $0x8F2B, s0  }
0xbf: {  	[sflag:s0] =	ssyncadd.remote.s32 $0x1  }
0xc0: {  	_ =	sfence.sel $0xFFFF  }
0xc1: {  	[dreg:$0x0] =	wrdreg $0xFFFFFFFF;
	(pc) =	sbr.abs _section_cstart, $3  }
0xc2: {  	[dreg:$0x1] =	wrdreg $0xFFFFFFFF  }
0xc3: {  	_ =	task.clear_ibuf [dreg:s8], $0x2FFFF;
	_ =	strace $0x9FFFFFFF  }
0xc4: {  	(tm) =	ssettm $0x7FFFFFFF  }
0xc5: {  	_ =	shalt  }
tec
execute0_lowered:
.L_overlay_start_1:
0x0: {  	(tag) =	ssettag $0x1  }
0x1: {  	s4 =	srdreg.scid;
	s5 =	stileid.u32  }
0x2: {  	s4 =	sand.u32 $0x1, s4;
	s5 =	sshll.u32 s5, $0x1  }
0x3: {  	s0 =	rddreg [dreg:$0x0];
	s5 =	sor.u32 s4, s5  }
0x4: {  	s1 =	rddreg [dreg:$0x1];
	s7 =	sshll.u32 s5, $0x9  }
0x5: {  	s3 =	rddreg [dreg:$0x2];
	s2 =	simm.s32 $0x0;
	s0 =	sadd.s32 s7, s0  }
0x6: {  	[smem:$0x7FF] =	sst s2;
	s12 =	sadd.s32 $0x1C000, s0  }
0x7: {  	_ =	strace $0x80000047;
	s13 =	sadd.s32 $0x20000, s0;
	[dreg:$0x4] =	wrdreg s12  }
0x8: {  	s14 =	sadd.s32 $0x24000, s0;
	[dreg:$0x5] =	wrdreg s13  }
0x9: {  	s15 =	sadd.s32 $0x28000, s0;
	[dreg:$0x6] =	wrdreg s14  }
0xa: {  	s16 =	sadd.s32 $0x2C000, s0;
	[dreg:$0x7] =	wrdreg s15  }
0xb: {  	s17 =	sadd.s32 $0x30000, s0;
	[dreg:$0x8] =	wrdreg s16  }
0xc: {  	s18 =	sadd.s32 $0x34000, s0;
	[dreg:$0x9] =	wrdreg s17  }
0xd: {  	s19 =	sadd.s32 $0x38000, s0;
	[dreg:$0xa] =	wrdreg s18  }
0xe: {  	s20 =	sadd.s32 $0x3C000, s0;
	[dreg:$0xb] =	wrdreg s19  }
0xf: {  	s21 =	sadd.s32 $0x40000, s0;
	[dreg:$0xc] =	wrdreg s20  }
0x10: {  	s22 =	sadd.s32 $0x44000, s0;
	[dreg:$0xd] =	wrdreg s21  }
0x11: {  	s23 =	sadd.s32 $0x48000, s0;
	[dreg:$0xe] =	wrdreg s22  }
0x12: {  	s24 =	sadd.s32 $0x4C000, s0;
	[dreg:$0xf] =	wrdreg s23  }
0x13: {  	s25 =	sadd.s32 $0x50000, s0;
	[dreg:$0x10] =	wrdreg s24  }
0x14: {  	s6 =	sshll.u32 s5, $0x4;
	s26 =	sadd.s32 $0x70000, s0;
	[dreg:$0x11] =	wrdreg s25  }
0x15: {  	s11 =	sshll.u32 s5, $0x8;
	s5 =	sadd.s32 $0x74000, s0;
	[dreg:$0x12] =	wrdreg s26  }
0x16: {  	s4 =	ssub.s32 $0x2, s4;
	s7 =	sadd.s32 $0x78000, s0;
	[dreg:$0x13] =	wrdreg s5  }
0x17: {  	s10 =	sshrl.u32 s4, $0x1;
	s8 =	sadd.s32 $0x7C000, s0;
	[dreg:$0x14] =	wrdreg s7  }
0x18: {  	s6 =	sadd.s32 s6, s3;
	s9 =	sadd.s32 $0x80000, s0;
	[dreg:$0x15] =	wrdreg s8  }
0x19: {  	s4 =	ssub.s32 s4, s10;
	s10 =	sadd.s32 $0x400, s6;
	[dreg:$0x16] =	wrdreg s9  }
0x1a: {  	s3 =	sadd.s32 s1, s11;
	s11 =	smax.u32 s4, $0x1;
	[dreg:$0x17] =	wrdreg s10  }
0x1b: {  	s4 =	sadd.s32 $0x24080, s0;
	[dreg:$0x18] =	wrdreg s11  }
0x1c: {  	s6 =	sadd.s32 $0x24180, s0;
	[smem:$0x7A1] =	sst s4  }
0x1d: {  	s12 =	sadd.s32 $0x84000, s0;
	[smem:$0x7A3] =	sst s6  }
0x1e: {  	s13 =	sadd.s32 $0x88000, s0;
	[dreg:$0x19] =	wrdreg s12  }
0x1f: {  	s14 =	sadd.s32 $0x8C000, s0;
	[dreg:$0x1a] =	wrdreg s13  }
0x20: {  	s15 =	sadd.s32 $0x90000, s0;
	[dreg:$0x1b] =	wrdreg s14  }
0x21: {  	s16 =	sadd.s32 $0x94000, s0;
	[dreg:$0x1c] =	wrdreg s15  }
0x22: {  	s17 =	sadd.s32 $0x98000, s0;
	[dreg:$0x1d] =	wrdreg s16  }
0x23: {  	s18 =	sadd.s32 $0x9C000, s0;
	[dreg:$0x1e] =	wrdreg s17  }
0x24: {  	s19 =	sadd.s32 $0xA0000, s0;
	[dreg:$0x1f] =	wrdreg s18  }
0x25: {  	s20 =	sadd.s32 $0xA4000, s0;
	[smem:$0x799] =	sst s19  }
0x26: {  	s21 =	sadd.s32 $0x1C080, s0;
	[smem:$0x79A] =	sst s20  }
0x27: {  	s22 =	sadd.s32 $0x1C100, s0;
	[smem:$0x79B] =	sst s21  }
0x28: {  	s23 =	sadd.s32 $0x1C180, s0;
	[smem:$0x79C] =	sst s22  }
0x29: {  	s24 =	sadd.s32 $0x20080, s0;
	[smem:$0x79D] =	sst s23  }
0x2a: {  	s25 =	sadd.s32 $0x20100, s0;
	[smem:$0x79E] =	sst s24  }
0x2b: {  	s26 =	sadd.s32 $0x20180, s0;
	[smem:$0x79F] =	sst s25  }
0x2c: {  	s5 =	sadd.s32 $0x24100, s0;
	[smem:$0x7A0] =	sst s26  }
0x2d: {  	s7 =	sadd.s32 $0x28080, s0;
	[smem:$0x7A2] =	sst s5  }
0x2e: {  	s8 =	sadd.s32 $0x28100, s0;
	[smem:$0x7A4] =	sst s7  }
0x2f: {  	s9 =	sadd.s32 $0x28180, s0;
	[smem:$0x7A5] =	sst s8  }
0x30: {  	s10 =	sadd.s32 $0x2C080, s0;
	[smem:$0x7A6] =	sst s9  }
0x31: {  	s11 =	sadd.s32 $0x2C100, s0;
	[smem:$0x7A7] =	sst s10  }
0x32: {  	s4 =	sadd.s32 $0x40180, s0;
	[smem:$0x7A8] =	sst s11  }
0x33: {  	s6 =	sadd.s32 $0x44100, s0;
	[smem:$0x7B8] =	sst s4  }
0x34: {  	s12 =	sadd.s32 $0x2C180, s0;
	[smem:$0x7BA] =	sst s6  }
0x35: {  	s13 =	sadd.s32 $0x30080, s0;
	[smem:$0x7A9] =	sst s12  }
0x36: {  	s14 =	sadd.s32 $0x30100, s0;
	[smem:$0x7AA] =	sst s13  }
0x37: {  	s15 =	sadd.s32 $0x30180, s0;
	[smem:$0x7AB] =	sst s14  }
0x38: {  	s16 =	sadd.s32 $0x34080, s0;
	[smem:$0x7AC] =	sst s15  }
0x39: {  	s17 =	sadd.s32 $0x34100, s0;
	[smem:$0x7AD] =	sst s16  }
0x3a: {  	s18 =	sadd.s32 $0x34180, s0;
	[smem:$0x7AE] =	sst s17  }
0x3b: {  	s19 =	sadd.s32 $0x38080, s0;
	[smem:$0x7AF] =	sst s18  }
0x3c: {  	s20 =	sadd.s32 $0x38100, s0;
	[smem:$0x7B0] =	sst s19  }
0x3d: {  	s21 =	sadd.s32 $0x38180, s0;
	[smem:$0x7B1] =	sst s20  }
0x3e: {  	s22 =	sadd.s32 $0x3C080, s0;
	[smem:$0x7B2] =	sst s21  }
0x3f: {  	s23 =	sadd.s32 $0x3C100, s0;
	[smem:$0x7B3] =	sst s22  }
0x40: {  	s24 =	sadd.s32 $0x3C180, s0;
	[smem:$0x7B4] =	sst s23  }
0x41: {  	s25 =	sadd.s32 $0x40080, s0;
	[smem:$0x7B5] =	sst s24  }
0x42: {  	s26 =	sadd.s32 $0x40100, s0;
	[smem:$0x7B6] =	sst s25  }
0x43: {  	s5 =	sadd.s32 $0x44080, s0;
	[smem:$0x7B7] =	sst s26  }
0x44: {  	s7 =	sadd.s32 $0x44180, s0;
	[smem:$0x7B9] =	sst s5  }
0x45: {  	s8 =	sadd.s32 $0x48080, s0;
	[smem:$0x7BB] =	sst s7  }
0x46: {  	s9 =	sadd.s32 $0x48100, s0;
	[smem:$0x7BC] =	sst s8  }
0x47: {  	s10 =	sadd.s32 $0x48180, s0;
	[smem:$0x7BD] =	sst s9  }
0x48: {  	s11 =	sadd.s32 $0x4C080, s0;
	[smem:$0x7BE] =	sst s10  }
0x49: {  	s4 =	sadd.s32 $0x7C100, s0;
	[smem:$0x7BF] =	sst s11  }
0x4a: {  	s6 =	sadd.s32 $0x80080, s0;
	[smem:$0x7CF] =	sst s4  }
0x4b: {  	s12 =	sadd.s32 $0x4C100, s0;
	[smem:$0x7D1] =	sst s6  }
0x4c: {  	s13 =	sadd.s32 $0x4C180, s0;
	[smem:$0x7C0] =	sst s12  }
0x4d: {  	s14 =	sadd.s32 $0x50080, s0;
	[smem:$0x7C1] =	sst s13  }
0x4e: {  	s15 =	sadd.s32 $0x50100, s0;
	[smem:$0x7C2] =	sst s14  }
0x4f: {  	s16 =	sadd.s32 $0x50180, s0;
	[smem:$0x7C3] =	sst s15  }
0x50: {  	s17 =	sadd.s32 $0x70080, s0;
	[smem:$0x7C4] =	sst s16  }
0x51: {  	s18 =	sadd.s32 $0x70100, s0;
	[smem:$0x7C5] =	sst s17  }
0x52: {  	s19 =	sadd.s32 $0x70180, s0;
	[smem:$0x7C6] =	sst s18  }
0x53: {  	s20 =	sadd.s32 $0x74080, s0;
	[smem:$0x7C7] =	sst s19  }
0x54: {  	s21 =	sadd.s32 $0x74100, s0;
	[smem:$0x7C8] =	sst s20  }
0x55: {  	s22 =	sadd.s32 $0x74180, s0;
	[smem:$0x7C9] =	sst s21  }
0x56: {  	s23 =	sadd.s32 $0x78080, s0;
	[smem:$0x7CA] =	sst s22  }
0x57: {  	s24 =	sadd.s32 $0x78100, s0;
	[smem:$0x7CB] =	sst s23  }
0x58: {  	s25 =	sadd.s32 $0x78180, s0;
	[smem:$0x7CC] =	sst s24  }
0x59: {  	s26 =	sadd.s32 $0x7C080, s0;
	[smem:$0x7CD] =	sst s25  }
0x5a: {  	s5 =	sadd.s32 $0x7C180, s0;
	[smem:$0x7CE] =	sst s26  }
0x5b: {  	s7 =	sadd.s32 $0x80100, s0;
	[smem:$0x7D0] =	sst s5  }
0x5c: {  	s8 =	sadd.s32 $0x80180, s0;
	[smem:$0x7D2] =	sst s7  }
0x5d: {  	s9 =	sadd.s32 $0x84080, s0;
	[smem:$0x7D3] =	sst s8  }
0x5e: {  	s10 =	sadd.s32 $0x84100, s0;
	[smem:$0x7D4] =	sst s9  }
0x5f: {  	s11 =	sadd.s32 $0x84180, s0;
	[smem:$0x7D5] =	sst s10  }
0x60: {  	s4 =	sadd.s32 $0x9C080, s0;
	[smem:$0x7D6] =	sst s11  }
0x61: {  	s6 =	sadd.s32 $0x9C180, s0;
	[smem:$0x7E6] =	sst s4  }
0x62: {  	s12 =	sadd.s32 $0x88080, s0;
	[smem:$0x7E8] =	sst s6  }
0x63: {  	s13 =	sadd.s32 $0x88100, s0;
	[smem:$0x7D7] =	sst s12  }
0x64: {  	s14 =	sadd.s32 $0x88180, s0;
	[smem:$0x7D8] =	sst s13  }
0x65: {  	s15 =	sadd.s32 $0x8C080, s0;
	[smem:$0x7D9] =	sst s14  }
0x66: {  	s16 =	sadd.s32 $0x8C100, s0;
	[smem:$0x7DA] =	sst s15  }
0x67: {  	s17 =	sadd.s32 $0x8C180, s0;
	[smem:$0x7DB] =	sst s16  }
0x68: {  	s18 =	sadd.s32 $0x90080, s0;
	[smem:$0x7DC] =	sst s17  }
0x69: {  	s19 =	sadd.s32 $0x90100, s0;
	[smem:$0x7DD] =	sst s18  }
0x6a: {  	s20 =	sadd.s32 $0x90180, s0;
	[smem:$0x7DE] =	sst s19  }
0x6b: {  	s21 =	sadd.s32 $0x94080, s0;
	[smem:$0x7DF] =	sst s20  }
0x6c: {  	s22 =	sadd.s32 $0x94100, s0;
	[smem:$0x7E0] =	sst s21  }
0x6d: {  	s23 =	sadd.s32 $0x94180, s0;
	[smem:$0x7E1] =	sst s22  }
0x6e: {  	s24 =	sadd.s32 $0x98080, s0;
	[smem:$0x7E2] =	sst s23  }
0x6f: {  	s25 =	sadd.s32 $0x98100, s0;
	[smem:$0x7E3] =	sst s24  }
0x70: {  	s26 =	sadd.s32 $0x98180, s0;
	[smem:$0x7E4] =	sst s25  }
0x71: {  	s5 =	sadd.s32 $0x9C100, s0;
	[smem:$0x7E5] =	sst s26  }
0x72: {  	s7 =	sadd.s32 $0xA0080, s0;
	[smem:$0x7E7] =	sst s5  }
0x73: {  	s8 =	sadd.s32 $0xA0100, s0;
	[smem:$0x7E9] =	sst s7  }
0x74: {  	s9 =	sadd.s32 $0xA0180, s0;
	[smem:$0x7EA] =	sst s8  }
0x75: {  	s10 =	sadd.s32 $0xA4080, s0;
	[smem:$0x7EB] =	sst s9  }
0x76: {  	s11 =	sadd.s32 $0xA4100, s0;
	[smem:$0x7EC] =	sst s10  }
0x77: {  	s0 =	sadd.s32 $0xA4180, s0;
	[smem:$0x7ED] =	sst s11  }
0x78: {  	[smem:$0x7EE] =	sst s0;
	s12 =	sadd.s32 $0x10, s3  }
0x79: {  	s13 =	sadd.s32 $0x20, s3;
	[smem:$0x7EF] =	sst s12  }
0x7a: {  	s14 =	sadd.s32 $0x30, s3;
	[smem:$0x7F0] =	sst s13  }
0x7b: {  	s15 =	sadd.s32 $0x2000, s3;
	[smem:$0x7F1] =	sst s14  }
0x7c: {  	s16 =	sadd.s32 $0x2010, s3;
	[smem:$0x7F2] =	sst s15  }
0x7d: {  	s28 =	sadd.s32 $0x2060, s3;
	s17 =	sadd.s32 $0x2020, s3;
	[smem:$0x7F3] =	sst s16  }
0x7e: {  	s29 =	sadd.s32 $0x20A0, s3;
	s18 =	sadd.s32 $0x2030, s3;
	[smem:$0x7F4] =	sst s17  }
0x7f: {  	s30 =	sadd.s32 $0x20E0, s3;
	s19 =	sadd.s32 $0x40, s3;
	[smem:$0x7F5] =	sst s18  }
0x80: {  	s31 =	sadd.s32 $0x2070, s3;
	s20 =	sadd.s32 $0x80, s3;
	[smem:$0x7F6] =	sst s19  }
0x81: {  	s1 =	sadd.s32 $0x20F0, s3;
	s21 =	sadd.s32 $0xC0, s3;
	[smem:$0x7F7] =	sst s20  }
0x82: {  	s4 =	simm.s32 $0x1000;
	s22 =	sadd.s32 $0x50, s3;
	[smem:$0x7F8] =	sst s21  }
0x83: {  	s6 =	simm.s32 $0x1;
	s23 =	sadd.s32 $0x90, s3;
	[smem:$0x7F9] =	sst s22  }
0x84: {  	s24 =	sadd.s32 $0xD0, s3;
	s25 =	sadd.s32 $0x60, s3;
	[smem:$0x7FA] =	sst s23  }
0x85: {  	s26 =	sadd.s32 $0xA0, s3;
	s0 =	sadd.s32 $0x20B0, s3;
	[smem:$0x7FB] =	sst s24  }
0x86: {  	s5 =	simm.s32 $0x2;
	s7 =	simm.s32 $0x3;
	[smem:$0x7FC] =	sst s25  }
0x87: {  	s8 =	simm.s32 $0x0;
	[smem:$0x7FD] =	sst s26;
	s17 =	sadd.s32 $0xE0, s3  }
0x88: {  	s18 =	sadd.s32 $0x70, s3;
	s19 =	sadd.s32 $0xB0, s3;
	s20 =	sadd.s32 $0xF0, s3  }
0x89: {  	s21 =	sadd.s32 $0x2040, s3;
	s22 =	sadd.s32 $0x2080, s3;
	s23 =	sadd.s32 $0x20C0, s3  }
0x8a: {  	v0 =	vlaneseq.u32;
	s24 =	sadd.s32 $0x2050, s3;
	s25 =	sadd.s32 $0x2090, s3;
	s26 =	sadd.s32 $0x20D0, s3  }
.LBB2_1:
0x8b: {  	s9 =	sld [smem:$0x7F6]  }
0x8c: {  	[tilespmem:s2], [sflag:$0x2] =	stream.linear.gather [hbm4b:s3+s2], $0x80, $0x38;
	[tilespmem:$0x1D080] =	vst v63  }
0x8d: {  	s10 =	simm.s32 $0x400;
	s15 =	sld [smem:$0x7F7]  }
0x8e: {  	[tilespmem:s10], [sflag:$0x2] =	stream.linear.gather [hbm4b:s9+s2], $0x80, $0x38;
	[tilespmem:$0x1D080] =	vst v63  }
0x8f: {  	s16 =	simm.s32 $0x800;
	s11 =	sld [smem:$0x7F8]  }
0x90: {  	[tilespmem:s16], [sflag:$0x2] =	stream.linear.gather [hbm4b:s15+s2], $0x80, $0x38;
	[tilespmem:$0x1D080] =	vst v63  }
0x91: {  	s12 =	simm.s32 $0xC00;
	s13 =	sld [smem:$0x7EF]  }
0x92: {  	[tilespmem:s12], [sflag:$0x2] =	stream.linear.gather [hbm4b:s11+s2], $0x80, $0x38;
	[tilespmem:$0x1D080] =	vst v63  }
0x93: {  	s14 =	simm.s32 $0x80;
	s15 =	sld [smem:$0x7F9]  }
0x94: {  	[tilespmem:s14], [sflag:$0x2] =	stream.linear.gather [hbm4b:s13+s2], $0x80, $0x38;
	[tilespmem:$0x1D080] =	vst v63  }
0x95: {  	s16 =	simm.s32 $0x480;
	s11 =	sld [smem:$0x7FA]  }
0x96: {  	[tilespmem:s16], [sflag:$0x2] =	stream.linear.gather [hbm4b:s15+s2], $0x80, $0x38;
	[tilespmem:$0x1D080] =	vst v63  }
0x97: {  	s12 =	simm.s32 $0x880;
	s13 =	sld [smem:$0x7FB]  }
0x98: {  	[tilespmem:s12], [sflag:$0x2] =	stream.linear.gather [hbm4b:s11+s2], $0x80, $0x38;
	[tilespmem:$0x1D080] =	vst v63  }
0x99: {  	s14 =	simm.s32 $0xC80;
	s15 =	sld [smem:$0x7F0]  }
0x9a: {  	[tilespmem:s14], [sflag:$0x2] =	stream.linear.gather [hbm4b:s13+s2], $0x80, $0x38;
	[tilespmem:$0x1D080] =	vst v63  }
0x9b: {  	s10 =	sld [smem:$0x7FC];
	s16 =	simm.s32 $0x100  }
0x9c: {  	[tilespmem:s16], [sflag:$0x2] =	stream.linear.gather [hbm4b:s15+s2], $0x80, $0x38;
	[tilespmem:$0x1D080] =	vst v63  }
0x9d: {  	s11 =	simm.s32 $0x500;
	s12 =	sld [smem:$0x7FD]  }
0x9e: {  	[tilespmem:s11], [sflag:$0x2] =	stream.linear.gather [hbm4b:s10+s2], $0x80, $0x38;
	[tilespmem:$0x1D080] =	vst v63  }
0x9f: {  	s13 =	simm.s32 $0x900  }
0xa0: {  	[tilespmem:s13], [sflag:$0x2] =	stream.linear.gather [hbm4b:s12+s2], $0x80, $0x38;
	[tilespmem:$0x1D080] =	vst v63  }
0xa1: {  	s14 =	simm.s32 $0xD00;
	s15 =	sld [smem:$0x7F1]  }
0xa2: {  	[tilespmem:s14], [sflag:$0x2] =	stream.linear.gather [hbm4b:s17+s2], $0x80, $0x38;
	[tilespmem:$0x1D080] =	vst v63  }
0xa3: {  	s16 =	simm.s32 $0x180  }
0xa4: {  	[tilespmem:s16], [sflag:$0x2] =	stream.linear.gather [hbm4b:s15+s2], $0x80, $0x38;
	[tilespmem:$0x1D080] =	vst v63  }
0xa5: {  	s11 =	simm.s32 $0x580  }
0xa6: {  	[tilespmem:s11], [sflag:$0x2] =	stream.linear.gather [hbm4b:s18+s2], $0x80, $0x38;
	[tilespmem:$0x1D080] =	vst v63  }
0xa7: {  	s12 =	simm.s32 $0x980  }
0xa8: {  	[tilespmem:s12], [sflag:$0x2] =	stream.linear.gather [hbm4b:s19+s2], $0x80, $0x38;
	[tilespmem:$0x1D080] =	vst v63  }
0xa9: {  	s13 =	simm.s32 $0xD80;
	s14 =	sld [smem:$0x7F2]  }
0xaa: {  	[tilespmem:s13], [sflag:$0x2] =	stream.linear.gather [hbm4b:s20+s2], $0x80, $0x38;
	[tilespmem:$0x1D080] =	vst v63  }
0xab: {  	s15 =	simm.s32 $0x200  }
0xac: {  	[tilespmem:s15], [sflag:$0x2] =	stream.linear.gather [hbm4b:s14+s2], $0x80, $0x38;
	[tilespmem:$0x1D080] =	vst v63  }
0xad: {  	s16 =	simm.s32 $0x600  }
0xae: {  	[tilespmem:s16], [sflag:$0x2] =	stream.linear.gather [hbm4b:s21+s2], $0x80, $0x38;
	[tilespmem:$0x1D080] =	vst v63  }
0xaf: {  	s10 =	simm.s32 $0xA00  }
0xb0: {  	[tilespmem:s10], [sflag:$0x2] =	stream.linear.gather [hbm4b:s22+s2], $0x80, $0x38;
	[tilespmem:$0x1D080] =	vst v63  }
0xb1: {  	s11 =	simm.s32 $0xE00;
	s12 =	sld [smem:$0x7F3]  }
0xb2: {  	[tilespmem:s11], [sflag:$0x2] =	stream.linear.gather [hbm4b:s23+s2], $0x80, $0x38;
	[tilespmem:$0x1D080] =	vst v63  }
0xb3: {  	s13 =	simm.s32 $0x280  }
0xb4: {  	[tilespmem:s13], [sflag:$0x2] =	stream.linear.gather [hbm4b:s12+s2], $0x80, $0x38;
	[tilespmem:$0x1D080] =	vst v63  }
0xb5: {  	s14 =	simm.s32 $0x680  }
0xb6: {  	[tilespmem:s14], [sflag:$0x2] =	stream.linear.gather [hbm4b:s24+s2], $0x80, $0x38;
	[tilespmem:$0x1D080] =	vst v63  }
0xb7: {  	s15 =	simm.s32 $0xA80  }
0xb8: {  	[tilespmem:s15], [sflag:$0x2] =	stream.linear.gather [hbm4b:s25+s2], $0x80, $0x38;
	[tilespmem:$0x1D080] =	vst v63  }
0xb9: {  	s16 =	simm.s32 $0xE80;
	s10 =	sld [smem:$0x7F4]  }
0xba: {  	[tilespmem:s16], [sflag:$0x2] =	stream.linear.gather [hbm4b:s26+s2], $0x80, $0x38;
	[tilespmem:$0x1D080] =	vst v63  }
0xbb: {  	s11 =	simm.s32 $0x300  }
0xbc: {  	[tilespmem:s11], [sflag:$0x2] =	stream.linear.gather [hbm4b:s10+s2], $0x80, $0x38;
	[tilespmem:$0x1D080] =	vst v63  }
0xbd: {  	s12 =	simm.s32 $0x700  }
0xbe: {  	[tilespmem:s12], [sflag:$0x2] =	stream.linear.gather [hbm4b:s28+s2], $0x80, $0x38;
	[tilespmem:$0x1D080] =	vst v63  }
0xbf: {  	s13 =	simm.s32 $0xB00  }
0xc0: {  	[tilespmem:s13], [sflag:$0x2] =	stream.linear.gather [hbm4b:s29+s2], $0x80, $0x38;
	[tilespmem:$0x1D080] =	vst v63  }
0xc1: {  	s14 =	simm.s32 $0xF00;
	s15 =	sld [smem:$0x7F5]  }
0xc2: {  	[tilespmem:s14], [sflag:$0x2] =	stream.linear.gather [hbm4b:s30+s2], $0x80, $0x38;
	[tilespmem:$0x1D080] =	vst v63  }
0xc3: {  	s16 =	simm.s32 $0x380  }
0xc4: {  	[tilespmem:s16], [sflag:$0x2] =	stream.linear.gather [hbm4b:s15+s2], $0x80, $0x38;
	[tilespmem:$0x1D080] =	vst v63  }
0xc5: {  	s11 =	simm.s32 $0x780  }
0xc6: {  	[tilespmem:s11], [sflag:$0x2] =	stream.linear.gather [hbm4b:s31+s2], $0x80, $0x38;
	[tilespmem:$0x1D080] =	vst v63  }
0xc7: {  	s12 =	simm.s32 $0xB80  }
0xc8: {  	[tilespmem:s12], [sflag:$0x2] =	stream.linear.gather [hbm4b:s0+s2], $0x80, $0x38;
	[tilespmem:$0x1D080] =	vst v63  }
0xc9: {  	s13 =	simm.s32 $0xF80;
	s14 =	rddreg [dreg:$0x4]  }
0xca: {  	[tilespmem:s13], [sflag:$0x2] =	stream.linear.gather [hbm4b:s1+s2], $0x80, $0x38;
	[tilespmem:$0x1D080] =	vst v63  }
0xcb: {  	s15 =	sld [smem:$0x79B]  }
0xcc: {  	[tilespmem:s4], [sflag:$0x1] =	stream.linear.gather [hbm4b:s14+s2], $0x380, $0x38;
	[tilespmem:$0x1D080] =	vst v63  }
0xcd: {  	s16 =	simm.s32 $0x1400;
	s11 =	sld [smem:$0x79C]  }
0xce: {  	[tilespmem:s16], [sflag:$0x1] =	stream.linear.gather [hbm4b:s15+s2], $0x380, $0x38;
	[tilespmem:$0x1D080] =	vst v63  }
0xcf: {  	s12 =	simm.s32 $0x1800;
	s13 =	sld [smem:$0x79D]  }
0xd0: {  	[tilespmem:s12], [sflag:$0x1] =	stream.linear.gather [hbm4b:s11+s2], $0x380, $0x38;
	[tilespmem:$0x1D080] =	vst v63  }
0xd1: {  	s14 =	simm.s32 $0x1C00;
	s15 =	rddreg [dreg:$0x5]  }
0xd2: {  	[tilespmem:s14], [sflag:$0x1] =	stream.linear.gather [hbm4b:s13+s2], $0x380, $0x38;
	[tilespmem:$0x1D080] =	vst v63  }
0xd3: {  	s16 =	simm.s32 $0x2000;
	s11 =	sld [smem:$0x79E]  }
0xd4: {  	[tilespmem:s16], [sflag:$0x1] =	stream.linear.gather [hbm4b:s15+s2], $0x380, $0x38;
	[tilespmem:$0x1D080] =	vst v63  }
0xd5: {  	s12 =	simm.s32 $0x2400;
	s13 =	sld [smem:$0x79F]  }
0xd6: {  	[tilespmem:s12], [sflag:$0x1] =	stream.linear.gather [hbm4b:s11+s2], $0x380, $0x38;
	[tilespmem:$0x1D080] =	vst v63  }
0xd7: {  	s14 =	simm.s32 $0x2800;
	s15 =	sld [smem:$0x7A0]  }
0xd8: {  	[tilespmem:s14], [sflag:$0x1] =	stream.linear.gather [hbm4b:s13+s2], $0x380, $0x38;
	[tilespmem:$0x1D080] =	vst v63  }
0xd9: {  	s16 =	simm.s32 $0x2C00;
	s11 =	rddreg [dreg:$0x6]  }
0xda: {  	[tilespmem:s16], [sflag:$0x1] =	stream.linear.gather [hbm4b:s15+s2], $0x380, $0x38;
	[tilespmem:$0x1D080] =	vst v63  }
0xdb: {  	s12 =	simm.s32 $0x3000;
	s13 =	sld [smem:$0x7A1]  }
0xdc: {  	[tilespmem:s12], [sflag:$0x1] =	stream.linear.gather [hbm4b:s11+s2], $0x380, $0x38;
	[tilespmem:$0x1D080] =	vst v63  }
0xdd: {  	s14 =	simm.s32 $0x3400;
	s15 =	sld [smem:$0x7A2]  }
0xde: {  	[tilespmem:s14], [sflag:$0x1] =	stream.linear.gather [hbm4b:s13+s2], $0x380, $0x38;
	[tilespmem:$0x1D080] =	vst v63  }
0xdf: {  	s16 =	simm.s32 $0x3800;
	s11 =	sld [smem:$0x7A3]  }
0xe0: {  	[tilespmem:s16], [sflag:$0x1] =	stream.linear.gather [hbm4b:s15+s2], $0x380, $0x38;
	[tilespmem:$0x1D080] =	vst v63  }
0xe1: {  	s12 =	simm.s32 $0x3C00;
	s13 =	rddreg [dreg:$0x7]  }
0xe2: {  	[tilespmem:s12], [sflag:$0x1] =	stream.linear.gather [hbm4b:s11+s2], $0x380, $0x38;
	[tilespmem:$0x1D080] =	vst v63  }
0xe3: {  	s14 =	simm.s32 $0x4000;
	s15 =	sld [smem:$0x7A4]  }
0xe4: {  	[tilespmem:s14], [sflag:$0x1] =	stream.linear.gather [hbm4b:s13+s2], $0x380, $0x38;
	[tilespmem:$0x1D080] =	vst v63  }
0xe5: {  	s16 =	simm.s32 $0x4400;
	s11 =	sld [smem:$0x7A5]  }
0xe6: {  	[tilespmem:s16], [sflag:$0x1] =	stream.linear.gather [hbm4b:s15+s2], $0x380, $0x38;
	[tilespmem:$0x1D080] =	vst v63  }
0xe7: {  	s12 =	simm.s32 $0x4800;
	s13 =	sld [smem:$0x7A6]  }
0xe8: {  	[tilespmem:s12], [sflag:$0x1] =	stream.linear.gather [hbm4b:s11+s2], $0x380, $0x38;
	[tilespmem:$0x1D080] =	vst v63  }
0xe9: {  	s14 =	simm.s32 $0x4C00;
	s15 =	rddreg [dreg:$0x8]  }
0xea: {  	[tilespmem:s14], [sflag:$0x1] =	stream.linear.gather [hbm4b:s13+s2], $0x380, $0x38;
	[tilespmem:$0x1D080] =	vst v63  }
0xeb: {  	s16 =	simm.s32 $0x5000;
	s11 =	sld [smem:$0x7A7]  }
0xec: {  	[tilespmem:s16], [sflag:$0x1] =	stream.linear.gather [hbm4b:s15+s2], $0x380, $0x38;
	[tilespmem:$0x1D080] =	vst v63  }
0xed: {  	s12 =	simm.s32 $0x5400;
	s13 =	sld [smem:$0x7A8]  }
0xee: {  	[tilespmem:s12], [sflag:$0x1] =	stream.linear.gather [hbm4b:s11+s2], $0x380, $0x38;
	[tilespmem:$0x1D080] =	vst v63  }
0xef: {  	s14 =	simm.s32 $0x5800;
	s15 =	sld [smem:$0x7A9]  }
0xf0: {  	[tilespmem:s14], [sflag:$0x1] =	stream.linear.gather [hbm4b:s13+s2], $0x380, $0x38;
	[tilespmem:$0x1D080] =	vst v63  }
0xf1: {  	s16 =	simm.s32 $0x5C00;
	s11 =	rddreg [dreg:$0x9]  }
0xf2: {  	[tilespmem:s16], [sflag:$0x1] =	stream.linear.gather [hbm4b:s15+s2], $0x380, $0x38;
	[tilespmem:$0x1D080] =	vst v63  }
0xf3: {  	s12 =	simm.s32 $0x6000;
	s13 =	sld [smem:$0x7AA]  }
0xf4: {  	[tilespmem:s12], [sflag:$0x1] =	stream.linear.gather [hbm4b:s11+s2], $0x380, $0x38;
	[tilespmem:$0x1D080] =	vst v63  }
0xf5: {  	s14 =	simm.s32 $0x6400;
	s15 =	sld [smem:$0x7AB]  }
0xf6: {  	[tilespmem:s14], [sflag:$0x1] =	stream.linear.gather [hbm4b:s13+s2], $0x380, $0x38;
	[tilespmem:$0x1D080] =	vst v63  }
0xf7: {  	s16 =	simm.s32 $0x6800;
	s11 =	sld [smem:$0x7AC]  }
0xf8: {  	[tilespmem:s16], [sflag:$0x1] =	stream.linear.gather [hbm4b:s15+s2], $0x380, $0x38;
	[tilespmem:$0x1D080] =	vst v63  }
0xf9: {  	s12 =	simm.s32 $0x6C00;
	s13 =	rddreg [dreg:$0xa]  }
0xfa: {  	[tilespmem:s12], [sflag:$0x1] =	stream.linear.gather [hbm4b:s11+s2], $0x380, $0x38;
	[tilespmem:$0x1D080] =	vst v63  }
0xfb: {  	s14 =	simm.s32 $0x7000;
	s15 =	sld [smem:$0x7AD]  }
0xfc: {  	[tilespmem:s14], [sflag:$0x1] =	stream.linear.gather [hbm4b:s13+s2], $0x380, $0x38;
	[tilespmem:$0x1D080] =	vst v63  }
0xfd: {  	s16 =	simm.s32 $0x7400;
	s11 =	sld [smem:$0x7AE]  }
0xfe: {  	[tilespmem:s16], [sflag:$0x1] =	stream.linear.gather [hbm4b:s15+s2], $0x380, $0x38;
	[tilespmem:$0x1D080] =	vst v63  }
0xff: {  	s12 =	simm.s32 $0x7800;
	s13 =	sld [smem:$0x7AF]  }
0x100: {  	[tilespmem:s12], [sflag:$0x1] =	stream.linear.gather [hbm4b:s11+s2], $0x380, $0x38;
	[tilespmem:$0x1D080] =	vst v63  }
0x101: {  	s14 =	simm.s32 $0x7C00;
	s15 =	rddreg [dreg:$0xb]  }
0x102: {  	[tilespmem:s14], [sflag:$0x1] =	stream.linear.gather [hbm4b:s13+s2], $0x380, $0x38;
	[tilespmem:$0x1D080] =	vst v63  }
0x103: {  	s16 =	simm.s32 $0x8000;
	s11 =	sld [smem:$0x7B0]  }
0x104: {  	[tilespmem:s16], [sflag:$0x1] =	stream.linear.gather [hbm4b:s15+s2], $0x380, $0x38;
	[tilespmem:$0x1D080] =	vst v63  }
0x105: {  	s12 =	simm.s32 $0x8400;
	s13 =	sld [smem:$0x7B1]  }
0x106: {  	[tilespmem:s12], [sflag:$0x1] =	stream.linear.gather [hbm4b:s11+s2], $0x380, $0x38;
	[tilespmem:$0x1D080] =	vst v63  }
0x107: {  	s14 =	simm.s32 $0x8800;
	s15 =	sld [smem:$0x7B2]  }
0x108: {  	[tilespmem:s14], [sflag:$0x1] =	stream.linear.gather [hbm4b:s13+s2], $0x380, $0x38;
	[tilespmem:$0x1D080] =	vst v63  }
0x109: {  	s16 =	simm.s32 $0x8C00;
	s11 =	rddreg [dreg:$0xc]  }
0x10a: {  	[tilespmem:s16], [sflag:$0x1] =	stream.linear.gather [hbm4b:s15+s2], $0x380, $0x38;
	[tilespmem:$0x1D080] =	vst v63  }
0x10b: {  	s12 =	simm.s32 $0x9000;
	s13 =	sld [smem:$0x7B3]  }
0x10c: {  	[tilespmem:s12], [sflag:$0x1] =	stream.linear.gather [hbm4b:s11+s2], $0x380, $0x38;
	[tilespmem:$0x1D080] =	vst v63  }
0x10d: {  	s14 =	simm.s32 $0x9400;
	s15 =	sld [smem:$0x7B4]  }
0x10e: {  	[tilespmem:s14], [sflag:$0x1] =	stream.linear.gather [hbm4b:s13+s2], $0x380, $0x38;
	[tilespmem:$0x1D080] =	vst v63  }
0x10f: {  	s16 =	simm.s32 $0x9800;
	s11 =	sld [smem:$0x7B5]  }
0x110: {  	[tilespmem:s16], [sflag:$0x1] =	stream.linear.gather [hbm4b:s15+s2], $0x380, $0x38;
	[tilespmem:$0x1D080] =	vst v63  }
0x111: {  	s12 =	simm.s32 $0x9C00;
	s13 =	rddreg [dreg:$0xd]  }
0x112: {  	[tilespmem:s12], [sflag:$0x1] =	stream.linear.gather [hbm4b:s11+s2], $0x380, $0x38;
	[tilespmem:$0x1D080] =	vst v63  }
0x113: {  	s14 =	simm.s32 $0xA000;
	s15 =	sld [smem:$0x7B6]  }
0x114: {  	[tilespmem:s14], [sflag:$0x1] =	stream.linear.gather [hbm4b:s13+s2], $0x380, $0x38;
	[tilespmem:$0x1D080] =	vst v63  }
0x115: {  	s16 =	simm.s32 $0xA400;
	s11 =	sld [smem:$0x7B7]  }
0x116: {  	[tilespmem:s16], [sflag:$0x1] =	stream.linear.gather [hbm4b:s15+s2], $0x380, $0x38;
	[tilespmem:$0x1D080] =	vst v63  }
0x117: {  	s12 =	simm.s32 $0xA800;
	s13 =	sld [smem:$0x7B8]  }
0x118: {  	[tilespmem:s12], [sflag:$0x1] =	stream.linear.gather [hbm4b:s11+s2], $0x380, $0x38;
	[tilespmem:$0x1D080] =	vst v63  }
0x119: {  	s14 =	simm.s32 $0xAC00;
	s15 =	rddreg [dreg:$0xe]  }
0x11a: {  	[tilespmem:s14], [sflag:$0x1] =	stream.linear.gather [hbm4b:s13+s2], $0x380, $0x38;
	[tilespmem:$0x1D080] =	vst v63  }
0x11b: {  	s16 =	simm.s32 $0xB000;
	s11 =	sld [smem:$0x7B9]  }
0x11c: {  	[tilespmem:s16], [sflag:$0x1] =	stream.linear.gather [hbm4b:s15+s2], $0x380, $0x38;
	[tilespmem:$0x1D080] =	vst v63  }
0x11d: {  	s12 =	simm.s32 $0xB400;
	s13 =	sld [smem:$0x7BA]  }
0x11e: {  	[tilespmem:s12], [sflag:$0x1] =	stream.linear.gather [hbm4b:s11+s2], $0x380, $0x38;
	[tilespmem:$0x1D080] =	vst v63  }
0x11f: {  	s14 =	simm.s32 $0xB800;
	s15 =	sld [smem:$0x7BB]  }
0x120: {  	[tilespmem:s14], [sflag:$0x1] =	stream.linear.gather [hbm4b:s13+s2], $0x380, $0x38;
	[tilespmem:$0x1D080] =	vst v63  }
0x121: {  	s16 =	simm.s32 $0xBC00;
	s11 =	rddreg [dreg:$0xf]  }
0x122: {  	[tilespmem:s16], [sflag:$0x1] =	stream.linear.gather [hbm4b:s15+s2], $0x380, $0x38;
	[tilespmem:$0x1D080] =	vst v63  }
0x123: {  	s12 =	simm.s32 $0xC000;
	s13 =	sld [smem:$0x7BC]  }
0x124: {  	[tilespmem:s12], [sflag:$0x1] =	stream.linear.gather [hbm4b:s11+s2], $0x380, $0x38;
	[tilespmem:$0x1D080] =	vst v63  }
0x125: {  	s14 =	simm.s32 $0xC400;
	s15 =	sld [smem:$0x7BD]  }
0x126: {  	[tilespmem:s14], [sflag:$0x1] =	stream.linear.gather [hbm4b:s13+s2], $0x380, $0x38;
	[tilespmem:$0x1D080] =	vst v63  }
0x127: {  	s16 =	simm.s32 $0xC800;
	s11 =	sld [smem:$0x7BE]  }
0x128: {  	[tilespmem:s16], [sflag:$0x1] =	stream.linear.gather [hbm4b:s15+s2], $0x380, $0x38;
	[tilespmem:$0x1D080] =	vst v63  }
0x129: {  	s12 =	simm.s32 $0xCC00;
	s13 =	rddreg [dreg:$0x10]  }
0x12a: {  	[tilespmem:s12], [sflag:$0x1] =	stream.linear.gather [hbm4b:s11+s2], $0x380, $0x38;
	[tilespmem:$0x1D080] =	vst v63  }
0x12b: {  	s14 =	simm.s32 $0xD000;
	s15 =	sld [smem:$0x7BF]  }
0x12c: {  	[tilespmem:s14], [sflag:$0x1] =	stream.linear.gather [hbm4b:s13+s2], $0x380, $0x38;
	[tilespmem:$0x1D080] =	vst v63  }
0x12d: {  	s16 =	simm.s32 $0xD400;
	s11 =	sld [smem:$0x7C0]  }
0x12e: {  	[tilespmem:s16], [sflag:$0x1] =	stream.linear.gather [hbm4b:s15+s2], $0x380, $0x38;
	[tilespmem:$0x1D080] =	vst v63  }
0x12f: {  	s12 =	simm.s32 $0xD800;
	s13 =	sld [smem:$0x7C1]  }
0x130: {  	[tilespmem:s12], [sflag:$0x1] =	stream.linear.gather [hbm4b:s11+s2], $0x380, $0x38;
	[tilespmem:$0x1D080] =	vst v63  }
0x131: {  	s14 =	simm.s32 $0xDC00;
	s15 =	rddreg [dreg:$0x11]  }
0x132: {  	[tilespmem:s14], [sflag:$0x1] =	stream.linear.gather [hbm4b:s13+s2], $0x380, $0x38;
	[tilespmem:$0x1D080] =	vst v63  }
0x133: {  	s16 =	simm.s32 $0xE000;
	s11 =	sld [smem:$0x7C2]  }
0x134: {  	[tilespmem:s16], [sflag:$0x1] =	stream.linear.gather [hbm4b:s15+s2], $0x380, $0x38;
	[tilespmem:$0x1D080] =	vst v63  }
0x135: {  	s12 =	simm.s32 $0xE400;
	s13 =	sld [smem:$0x7C3]  }
0x136: {  	[tilespmem:s12], [sflag:$0x1] =	stream.linear.gather [hbm4b:s11+s2], $0x380, $0x38;
	[tilespmem:$0x1D080] =	vst v63  }
0x137: {  	s14 =	simm.s32 $0xE800;
	s15 =	sld [smem:$0x7C4]  }
0x138: {  	[tilespmem:s14], [sflag:$0x1] =	stream.linear.gather [hbm4b:s13+s2], $0x380, $0x38;
	[tilespmem:$0x1D080] =	vst v63  }
0x139: {  	s16 =	simm.s32 $0xEC00;
	s11 =	rddreg [dreg:$0x12]  }
0x13a: {  	[tilespmem:s16], [sflag:$0x1] =	stream.linear.gather [hbm4b:s15+s2], $0x380, $0x38;
	[tilespmem:$0x1D080] =	vst v63  }
0x13b: {  	s12 =	simm.s32 $0xF000;
	s13 =	sld [smem:$0x7C5]  }
0x13c: {  	[tilespmem:s12], [sflag:$0x1] =	stream.linear.gather [hbm4b:s11+s2], $0x380, $0x38;
	[tilespmem:$0x1D080] =	vst v63  }
0x13d: {  	s14 =	simm.s32 $0xF400;
	s15 =	sld [smem:$0x7C6]  }
0x13e: {  	[tilespmem:s14], [sflag:$0x1] =	stream.linear.gather [hbm4b:s13+s2], $0x380, $0x38;
	[tilespmem:$0x1D080] =	vst v63  }
0x13f: {  	s16 =	simm.s32 $0xF800;
	s11 =	sld [smem:$0x7C7]  }
0x140: {  	[tilespmem:s16], [sflag:$0x1] =	stream.linear.gather [hbm4b:s15+s2], $0x380, $0x38;
	[tilespmem:$0x1D080] =	vst v63  }
0x141: {  	s12 =	simm.s32 $0xFC00;
	s13 =	rddreg [dreg:$0x13]  }
0x142: {  	[tilespmem:s12], [sflag:$0x1] =	stream.linear.gather [hbm4b:s11+s2], $0x380, $0x38;
	[tilespmem:$0x1D080] =	vst v63  }
0x143: {  	s14 =	simm.s32 $0x10000;
	s15 =	sld [smem:$0x7C8]  }
0x144: {  	[tilespmem:s14], [sflag:$0x1] =	stream.linear.gather [hbm4b:s13+s2], $0x380, $0x38;
	[tilespmem:$0x1D080] =	vst v63  }
0x145: {  	s16 =	simm.s32 $0x10400;
	s11 =	sld [smem:$0x7C9]  }
0x146: {  	[tilespmem:s16], [sflag:$0x1] =	stream.linear.gather [hbm4b:s15+s2], $0x380, $0x38;
	[tilespmem:$0x1D080] =	vst v63  }
0x147: {  	s12 =	simm.s32 $0x10800;
	s13 =	sld [smem:$0x7CA]  }
0x148: {  	[tilespmem:s12], [sflag:$0x1] =	stream.linear.gather [hbm4b:s11+s2], $0x380, $0x38;
	[tilespmem:$0x1D080] =	vst v63  }
0x149: {  	s14 =	simm.s32 $0x10C00;
	s15 =	rddreg [dreg:$0x14]  }
0x14a: {  	[tilespmem:s14], [sflag:$0x1] =	stream.linear.gather [hbm4b:s13+s2], $0x380, $0x38;
	[tilespmem:$0x1D080] =	vst v63  }
0x14b: {  	s16 =	simm.s32 $0x11000;
	s11 =	sld [smem:$0x7CB]  }
0x14c: {  	[tilespmem:s16], [sflag:$0x1] =	stream.linear.gather [hbm4b:s15+s2], $0x380, $0x38;
	[tilespmem:$0x1D080] =	vst v63  }
0x14d: {  	s12 =	simm.s32 $0x11400;
	s13 =	sld [smem:$0x7CC]  }
0x14e: {  	[tilespmem:s12], [sflag:$0x1] =	stream.linear.gather [hbm4b:s11+s2], $0x380, $0x38;
	[tilespmem:$0x1D080] =	vst v63  }
0x14f: {  	s14 =	simm.s32 $0x11800;
	s15 =	sld [smem:$0x7CD]  }
0x150: {  	[tilespmem:s14], [sflag:$0x1] =	stream.linear.gather [hbm4b:s13+s2], $0x380, $0x38;
	[tilespmem:$0x1D080] =	vst v63  }
0x151: {  	s16 =	simm.s32 $0x11C00;
	s11 =	rddreg [dreg:$0x15]  }
0x152: {  	[tilespmem:s16], [sflag:$0x1] =	stream.linear.gather [hbm4b:s15+s2], $0x380, $0x38;
	[tilespmem:$0x1D080] =	vst v63  }
0x153: {  	s12 =	simm.s32 $0x12000;
	s13 =	sld [smem:$0x7CE]  }
0x154: {  	[tilespmem:s12], [sflag:$0x1] =	stream.linear.gather [hbm4b:s11+s2], $0x380, $0x38;
	[tilespmem:$0x1D080] =	vst v63  }
0x155: {  	s14 =	simm.s32 $0x12400;
	s15 =	sld [smem:$0x7CF]  }
0x156: {  	[tilespmem:s14], [sflag:$0x1] =	stream.linear.gather [hbm4b:s13+s2], $0x380, $0x38;
	[tilespmem:$0x1D080] =	vst v63  }
0x157: {  	s16 =	simm.s32 $0x12800;
	s11 =	sld [smem:$0x7D0]  }
0x158: {  	[tilespmem:s16], [sflag:$0x1] =	stream.linear.gather [hbm4b:s15+s2], $0x380, $0x38;
	[tilespmem:$0x1D080] =	vst v63  }
0x159: {  	s12 =	simm.s32 $0x12C00;
	s13 =	rddreg [dreg:$0x16]  }
0x15a: {  	[tilespmem:s12], [sflag:$0x1] =	stream.linear.gather [hbm4b:s11+s2], $0x380, $0x38;
	[tilespmem:$0x1D080] =	vst v63  }
0x15b: {  	s14 =	simm.s32 $0x13000;
	s15 =	sld [smem:$0x7D1]  }
0x15c: {  	[tilespmem:s14], [sflag:$0x1] =	stream.linear.gather [hbm4b:s13+s2], $0x380, $0x38;
	[tilespmem:$0x1D080] =	vst v63  }
0x15d: {  	s16 =	simm.s32 $0x13400;
	s11 =	sld [smem:$0x7D2]  }
0x15e: {  	[tilespmem:s16], [sflag:$0x1] =	stream.linear.gather [hbm4b:s15+s2], $0x380, $0x38;
	[tilespmem:$0x1D080] =	vst v63  }
0x15f: {  	s12 =	simm.s32 $0x13800;
	s13 =	sld [smem:$0x7D3]  }
0x160: {  	[tilespmem:s12], [sflag:$0x1] =	stream.linear.gather [hbm4b:s11+s2], $0x380, $0x38;
	[tilespmem:$0x1D080] =	vst v63  }
0x161: {  	s14 =	simm.s32 $0x13C00;
	s15 =	rddreg [dreg:$0x19]  }
0x162: {  	[tilespmem:s14], [sflag:$0x1] =	stream.linear.gather [hbm4b:s13+s2], $0x380, $0x38;
	[tilespmem:$0x1D080] =	vst v63  }
0x163: {  	s16 =	simm.s32 $0x14000;
	s11 =	sld [smem:$0x7D4]  }
0x164: {  	[tilespmem:s16], [sflag:$0x1] =	stream.linear.gather [hbm4b:s15+s2], $0x380, $0x38;
	[tilespmem:$0x1D080] =	vst v63  }
0x165: {  	s12 =	simm.s32 $0x14400;
	s13 =	sld [smem:$0x7D5]  }
0x166: {  	[tilespmem:s12], [sflag:$0x1] =	stream.linear.gather [hbm4b:s11+s2], $0x380, $0x38;
	[tilespmem:$0x1D080] =	vst v63  }
0x167: {  	s14 =	simm.s32 $0x14800;
	s15 =	sld [smem:$0x7D6]  }
0x168: {  	[tilespmem:s14], [sflag:$0x1] =	stream.linear.gather [hbm4b:s13+s2], $0x380, $0x38;
	[tilespmem:$0x1D080] =	vst v63  }
0x169: {  	s16 =	simm.s32 $0x14C00;
	s11 =	rddreg [dreg:$0x1a]  }
0x16a: {  	[tilespmem:s16], [sflag:$0x1] =	stream.linear.gather [hbm4b:s15+s2], $0x380, $0x38;
	[tilespmem:$0x1D080] =	vst v63  }
0x16b: {  	s12 =	simm.s32 $0x15000;
	s13 =	sld [smem:$0x7D7]  }
0x16c: {  	[tilespmem:s12], [sflag:$0x1] =	stream.linear.gather [hbm4b:s11+s2], $0x380, $0x38;
	[tilespmem:$0x1D080] =	vst v63  }
0x16d: {  	s14 =	simm.s32 $0x15400;
	s15 =	sld [smem:$0x7D8]  }
0x16e: {  	[tilespmem:s14], [sflag:$0x1] =	stream.linear.gather [hbm4b:s13+s2], $0x380, $0x38;
	[tilespmem:$0x1D080] =	vst v63  }
0x16f: {  	s16 =	simm.s32 $0x15800;
	s11 =	sld [smem:$0x7D9]  }
0x170: {  	[tilespmem:s16], [sflag:$0x1] =	stream.linear.gather [hbm4b:s15+s2], $0x380, $0x38;
	[tilespmem:$0x1D080] =	vst v63  }
0x171: {  	s12 =	simm.s32 $0x15C00;
	s13 =	rddreg [dreg:$0x1b]  }
0x172: {  	[tilespmem:s12], [sflag:$0x1] =	stream.linear.gather [hbm4b:s11+s2], $0x380, $0x38;
	[tilespmem:$0x1D080] =	vst v63  }
0x173: {  	s14 =	simm.s32 $0x16000;
	s15 =	sld [smem:$0x7DA]  }
0x174: {  	[tilespmem:s14], [sflag:$0x1] =	stream.linear.gather [hbm4b:s13+s2], $0x380, $0x38;
	[tilespmem:$0x1D080] =	vst v63  }
0x175: {  	s16 =	simm.s32 $0x16400;
	s11 =	sld [smem:$0x7DB]  }
0x176: {  	[tilespmem:s16], [sflag:$0x1] =	stream.linear.gather [hbm4b:s15+s2], $0x380, $0x38;
	[tilespmem:$0x1D080] =	vst v63  }
0x177: {  	s12 =	simm.s32 $0x16800;
	s13 =	sld [smem:$0x7DC]  }
0x178: {  	[tilespmem:s12], [sflag:$0x1] =	stream.linear.gather [hbm4b:s11+s2], $0x380, $0x38;
	[tilespmem:$0x1D080] =	vst v63  }
0x179: {  	s14 =	simm.s32 $0x16C00;
	s15 =	rddreg [dreg:$0x1c]  }
0x17a: {  	[tilespmem:s14], [sflag:$0x1] =	stream.linear.gather [hbm4b:s13+s2], $0x380, $0x38;
	[tilespmem:$0x1D080] =	vst v63  }
0x17b: {  	s16 =	simm.s32 $0x17000;
	s11 =	sld [smem:$0x7DD]  }
0x17c: {  	[tilespmem:s16], [sflag:$0x1] =	stream.linear.gather [hbm4b:s15+s2], $0x380, $0x38;
	[tilespmem:$0x1D080] =	vst v63  }
0x17d: {  	s12 =	simm.s32 $0x17400;
	s13 =	sld [smem:$0x7DE]  }
0x17e: {  	[tilespmem:s12], [sflag:$0x1] =	stream.linear.gather [hbm4b:s11+s2], $0x380, $0x38;
	[tilespmem:$0x1D080] =	vst v63  }
0x17f: {  	s14 =	simm.s32 $0x17800;
	s15 =	sld [smem:$0x7DF]  }
0x180: {  	[tilespmem:s14], [sflag:$0x1] =	stream.linear.gather [hbm4b:s13+s2], $0x380, $0x38;
	[tilespmem:$0x1D080] =	vst v63  }
0x181: {  	s16 =	simm.s32 $0x17C00;
	s11 =	rddreg [dreg:$0x1d]  }
0x182: {  	[tilespmem:s16], [sflag:$0x1] =	stream.linear.gather [hbm4b:s15+s2], $0x380, $0x38;
	[tilespmem:$0x1D080] =	vst v63  }
0x183: {  	s12 =	simm.s32 $0x18000;
	s13 =	sld [smem:$0x7E0]  }
0x184: {  	[tilespmem:s12], [sflag:$0x1] =	stream.linear.gather [hbm4b:s11+s2], $0x380, $0x38;
	[tilespmem:$0x1D080] =	vst v63  }
0x185: {  	s14 =	simm.s32 $0x18400;
	s15 =	sld [smem:$0x7E1]  }
0x186: {  	[tilespmem:s14], [sflag:$0x1] =	stream.linear.gather [hbm4b:s13+s2], $0x380, $0x38;
	[tilespmem:$0x1D080] =	vst v63  }
0x187: {  	s16 =	simm.s32 $0x18800;
	s11 =	sld [smem:$0x7E2]  }
0x188: {  	[tilespmem:s16], [sflag:$0x1] =	stream.linear.gather [hbm4b:s15+s2], $0x380, $0x38;
	[tilespmem:$0x1D080] =	vst v63  }
0x189: {  	s12 =	simm.s32 $0x18C00;
	s13 =	rddreg [dreg:$0x1e]  }
0x18a: {  	[tilespmem:s12], [sflag:$0x1] =	stream.linear.gather [hbm4b:s11+s2], $0x380, $0x38;
	[tilespmem:$0x1D080] =	vst v63  }
0x18b: {  	s14 =	simm.s32 $0x19000;
	s15 =	sld [smem:$0x7E3]  }
0x18c: {  	[tilespmem:s14], [sflag:$0x1] =	stream.linear.gather [hbm4b:s13+s2], $0x380, $0x38;
	[tilespmem:$0x1D080] =	vst v63  }
0x18d: {  	s16 =	simm.s32 $0x19400;
	s11 =	sld [smem:$0x7E4]  }
0x18e: {  	[tilespmem:s16], [sflag:$0x1] =	stream.linear.gather [hbm4b:s15+s2], $0x380, $0x38;
	[tilespmem:$0x1D080] =	vst v63  }
0x18f: {  	s12 =	simm.s32 $0x19800;
	s13 =	sld [smem:$0x7E5]  }
0x190: {  	[tilespmem:s12], [sflag:$0x1] =	stream.linear.gather [hbm4b:s11+s2], $0x380, $0x38;
	[tilespmem:$0x1D080] =	vst v63  }
0x191: {  	s14 =	simm.s32 $0x19C00;
	s15 =	rddreg [dreg:$0x1f]  }
0x192: {  	[tilespmem:s14], [sflag:$0x1] =	stream.linear.gather [hbm4b:s13+s2], $0x380, $0x38;
	[tilespmem:$0x1D080] =	vst v63  }
0x193: {  	s16 =	simm.s32 $0x1A000;
	s11 =	sld [smem:$0x7E6]  }
0x194: {  	[tilespmem:s16], [sflag:$0x1] =	stream.linear.gather [hbm4b:s15+s2], $0x380, $0x38;
	[tilespmem:$0x1D080] =	vst v63  }
0x195: {  	s12 =	simm.s32 $0x1A400;
	s13 =	sld [smem:$0x7E7]  }
0x196: {  	[tilespmem:s12], [sflag:$0x1] =	stream.linear.gather [hbm4b:s11+s2], $0x380, $0x38;
	[tilespmem:$0x1D080] =	vst v63  }
0x197: {  	s14 =	simm.s32 $0x1A800;
	s15 =	sld [smem:$0x7E8]  }
0x198: {  	[tilespmem:s14], [sflag:$0x1] =	stream.linear.gather [hbm4b:s13+s2], $0x380, $0x38;
	[tilespmem:$0x1D080] =	vst v63  }
0x199: {  	s16 =	simm.s32 $0x1AC00;
	s11 =	sld [smem:$0x799]  }
0x19a: {  	[tilespmem:s16], [sflag:$0x1] =	stream.linear.gather [hbm4b:s15+s2], $0x380, $0x38;
	[tilespmem:$0x1D080] =	vst v63  }
0x19b: {  	s12 =	simm.s32 $0x1B000;
	s13 =	sld [smem:$0x7E9]  }
0x19c: {  	[tilespmem:s12], [sflag:$0x1] =	stream.linear.gather [hbm4b:s11+s2], $0x380, $0x38;
	[tilespmem:$0x1D080] =	vst v63  }
0x19d: {  	s14 =	simm.s32 $0x1B400;
	s15 =	sld [smem:$0x7EA]  }
0x19e: {  	[tilespmem:s14], [sflag:$0x1] =	stream.linear.gather [hbm4b:s13+s2], $0x380, $0x38;
	[tilespmem:$0x1D080] =	vst v63  }
0x19f: {  	s16 =	simm.s32 $0x1B800;
	s11 =	sld [smem:$0x7EB]  }
0x1a0: {  	[tilespmem:s16], [sflag:$0x1] =	stream.linear.gather [hbm4b:s15+s2], $0x380, $0x38;
	[tilespmem:$0x1D080] =	vst v63  }
0x1a1: {  	s12 =	simm.s32 $0x1BC00;
	s13 =	sld [smem:$0x79A]  }
0x1a2: {  	[tilespmem:s12], [sflag:$0x1] =	stream.linear.gather [hbm4b:s11+s2], $0x380, $0x38;
	[tilespmem:$0x1D080] =	vst v63  }
0x1a3: {  	s14 =	simm.s32 $0x1C000;
	s15 =	sld [smem:$0x7EC]  }
0x1a4: {  	[tilespmem:s14], [sflag:$0x1] =	stream.linear.gather [hbm4b:s13+s2], $0x380, $0x38;
	[tilespmem:$0x1D080] =	vst v63  }
0x1a5: {  	s10 =	sld [smem:$0x7ED];
	s16 =	simm.s32 $0x1C400  }
0x1a6: {  	[tilespmem:s16], [sflag:$0x1] =	stream.linear.gather [hbm4b:s15+s2], $0x380, $0x38;
	[tilespmem:$0x1D080] =	vst v63  }
0x1a7: {  	s11 =	simm.s32 $0x1C800;
	s12 =	sld [smem:$0x7EE]  }
0x1a8: {  	[tilespmem:s11], [sflag:$0x1] =	stream.linear.gather [hbm4b:s10+s2], $0x380, $0x38;
	[tilespmem:$0x1D080] =	vst v63  }
0x1a9: {  	s13 =	simm.s32 $0x1CC00  }
0x1aa: {  	[tilespmem:s13], [sflag:$0x1] =	stream.linear.gather [hbm4b:s12+s2], $0x380, $0x38;
	[tilespmem:$0x1D080] =	vst v63  }
0x1ab: {  	_ =	swait.ge [sflag:s5], $0x200  }
0x1ac: {  	[sflag:s5] =	ssyncset.done $0x0  }
0x1ad: {  	[sflag:s5] =	ssyncadd.s32 $0xFFFFFE00  }
0x1ae: {  	_ =	swait.ge [sflag:s5], $0x200  }
0x1af: {  	[sflag:s5] =	ssyncset.done $0x0  }
0x1b0: {  	[sflag:s5] =	ssyncadd.s32 $0xFFFFFE00  }
0x1b1: {  	_ =	swait.ge [sflag:s5], $0x200  }
0x1b2: {  	[sflag:s5] =	ssyncset.done $0x0  }
0x1b3: {  	[sflag:s5] =	ssyncadd.s32 $0xFFFFFE00  }
0x1b4: {  	_ =	swait.ge [sflag:s5], $0x200  }
0x1b5: {  	[sflag:s5] =	ssyncset.done $0x0  }
0x1b6: {  	[sflag:s5] =	ssyncadd.s32 $0xFFFFFE00  }
0x1b7: {  	_ =	swait.ge [sflag:s5], $0x200  }
0x1b8: {  	[sflag:s5] =	ssyncset.done $0x0  }
0x1b9: {  	[sflag:s5] =	ssyncadd.s32 $0xFFFFFE00  }
0x1ba: {  	_ =	swait.ge [sflag:s5], $0x200  }
0x1bb: {  	[sflag:s5] =	ssyncset.done $0x0  }
0x1bc: {  	[sflag:s5] =	ssyncadd.s32 $0xFFFFFE00  }
0x1bd: {  	_ =	swait.ge [sflag:s5], $0x200  }
0x1be: {  	[sflag:s5] =	ssyncset.done $0x0  }
0x1bf: {  	[sflag:s5] =	ssyncadd.s32 $0xFFFFFE00  }
0x1c0: {  	_ =	swait.ge [sflag:s5], $0x200  }
0x1c1: {  	[sflag:s5] =	ssyncset.done $0x0  }
0x1c2: {  	[sflag:s5] =	ssyncadd.s32 $0xFFFFFE00  }
0x1c3: {  	_ =	swait.ge [sflag:s6], $0xE00  }
0x1c4: {  	[sflag:s6] =	ssyncset.done $0x0  }
0x1c5: {  	[sflag:s6] =	ssyncadd.s32 $0xFFFFF200  }
0x1c6: {  	_ =	swait.ge [sflag:s6], $0xE00  }
0x1c7: {  	[sflag:s6] =	ssyncset.done $0x0  }
0x1c8: {  	[sflag:s6] =	ssyncadd.s32 $0xFFFFF200  }
0x1c9: {  	_ =	swait.ge [sflag:s6], $0xE00  }
0x1ca: {  	[sflag:s6] =	ssyncset.done $0x0  }
0x1cb: {  	[sflag:s6] =	ssyncadd.s32 $0xFFFFF200  }
0x1cc: {  	_ =	swait.ge [sflag:s6], $0xE00  }
0x1cd: {  	[sflag:s6] =	ssyncset.done $0x0  }
0x1ce: {  	[sflag:s6] =	ssyncadd.s32 $0xFFFFF200  }
0x1cf: {  	_ =	swait.ge [sflag:s6], $0xE00  }
0x1d0: {  	[sflag:s6] =	ssyncset.done $0x0  }
0x1d1: {  	[sflag:s6] =	ssyncadd.s32 $0xFFFFF200  }
0x1d2: {  	_ =	swait.ge [sflag:s6], $0xE00  }
0x1d3: {  	[sflag:s6] =	ssyncset.done $0x0  }
0x1d4: {  	[sflag:s6] =	ssyncadd.s32 $0xFFFFF200  }
0x1d5: {  	_ =	swait.ge [sflag:s6], $0xE00  }
0x1d6: {  	[sflag:s6] =	ssyncset.done $0x0  }
0x1d7: {  	[sflag:s6] =	ssyncadd.s32 $0xFFFFF200  }
0x1d8: {  	_ =	swait.ge [sflag:s6], $0xE00  }
0x1d9: {  	[sflag:s6] =	ssyncset.done $0x0  }
0x1da: {  	[sflag:s6] =	ssyncadd.s32 $0xFFFFF200  }
0x1db: {  	_ =	swait.ge [sflag:s6], $0xE00  }
0x1dc: {  	[sflag:s6] =	ssyncset.done $0x0  }
0x1dd: {  	[sflag:s6] =	ssyncadd.s32 $0xFFFFF200  }
0x1de: {  	_ =	swait.ge [sflag:s6], $0xE00  }
0x1df: {  	[sflag:s6] =	ssyncset.done $0x0  }
0x1e0: {  	[sflag:s6] =	ssyncadd.s32 $0xFFFFF200  }
0x1e1: {  	_ =	swait.ge [sflag:s6], $0xE00  }
0x1e2: {  	[sflag:s6] =	ssyncset.done $0x0  }
0x1e3: {  	[sflag:s6] =	ssyncadd.s32 $0xFFFFF200  }
0x1e4: {  	_ =	swait.ge [sflag:s6], $0xE00  }
0x1e5: {  	[sflag:s6] =	ssyncset.done $0x0  }
0x1e6: {  	[sflag:s6] =	ssyncadd.s32 $0xFFFFF200  }
0x1e7: {  	_ =	swait.ge [sflag:s6], $0xE00  }
0x1e8: {  	[sflag:s6] =	ssyncset.done $0x0  }
0x1e9: {  	[sflag:s6] =	ssyncadd.s32 $0xFFFFF200  }
0x1ea: {  	_ =	swait.ge [sflag:s6], $0xE00  }
0x1eb: {  	[sflag:s6] =	ssyncset.done $0x0  }
0x1ec: {  	[sflag:s6] =	ssyncadd.s32 $0xFFFFF200  }
0x1ed: {  	_ =	swait.ge [sflag:s6], $0xE00  }
0x1ee: {  	[sflag:s6] =	ssyncset.done $0x0  }
0x1ef: {  	[sflag:s6] =	ssyncadd.s32 $0xFFFFF200  }
0x1f0: {  	_ =	swait.ge [sflag:s6], $0xE00  }
0x1f1: {  	[sflag:s6] =	ssyncset.done $0x0  }
0x1f2: {  	[sflag:s6] =	ssyncadd.s32 $0xFFFFF200  }
0x1f3: {  	_ =	swait.ge [sflag:s6], $0xE00  }
0x1f4: {  	[sflag:s6] =	ssyncset.done $0x0  }
0x1f5: {  	[sflag:s6] =	ssyncadd.s32 $0xFFFFF200  }
0x1f6: {  	_ =	swait.ge [sflag:s6], $0xE00  }
0x1f7: {  	[sflag:s6] =	ssyncset.done $0x0  }
0x1f8: {  	[sflag:s6] =	ssyncadd.s32 $0xFFFFF200  }
0x1f9: {  	_ =	swait.ge [sflag:s6], $0xE00  }
0x1fa: {  	[sflag:s6] =	ssyncset.done $0x0  }
0x1fb: {  	[sflag:s6] =	ssyncadd.s32 $0xFFFFF200  }
0x1fc: {  	_ =	swait.ge [sflag:s6], $0xE00  }
0x1fd: {  	[sflag:s6] =	ssyncset.done $0x0  }
0x1fe: {  	[sflag:s6] =	ssyncadd.s32 $0xFFFFF200  }
0x1ff: {  	_ =	swait.ge [sflag:s6], $0xE00  }
0x200: {  	[sflag:s6] =	ssyncset.done $0x0  }
0x201: {  	[sflag:s6] =	ssyncadd.s32 $0xFFFFF200  }
0x202: {  	_ =	swait.ge [sflag:s6], $0xE00  }
0x203: {  	[sflag:s6] =	ssyncset.done $0x0  }
0x204: {  	[sflag:s6] =	ssyncadd.s32 $0xFFFFF200  }
0x205: {  	_ =	swait.ge [sflag:s6], $0xE00  }
0x206: {  	[sflag:s6] =	ssyncset.done $0x0  }
0x207: {  	[sflag:s6] =	ssyncadd.s32 $0xFFFFF200  }
0x208: {  	_ =	swait.ge [sflag:s6], $0xE00  }
0x209: {  	[sflag:s6] =	ssyncset.done $0x0  }
0x20a: {  	[sflag:s6] =	ssyncadd.s32 $0xFFFFF200  }
0x20b: {  	_ =	swait.ge [sflag:s6], $0xE00  }
0x20c: {  	[sflag:s6] =	ssyncset.done $0x0  }
0x20d: {  	[sflag:s6] =	ssyncadd.s32 $0xFFFFF200  }
0x20e: {  	_ =	swait.ge [sflag:s6], $0xE00  }
0x20f: {  	[sflag:s6] =	ssyncset.done $0x0  }
0x210: {  	[sflag:s6] =	ssyncadd.s32 $0xFFFFF200  }
0x211: {  	_ =	swait.ge [sflag:s6], $0xE00  }
0x212: {  	[sflag:s6] =	ssyncset.done $0x0  }
0x213: {  	[sflag:s6] =	ssyncadd.s32 $0xFFFFF200  }
0x214: {  	_ =	swait.ge [sflag:s6], $0xE00  }
0x215: {  	s14 =	sand.u32 $0x70, s2;
	s15 =	sand.u32 $0xC00, s2;
	[sflag:s6] =	ssyncset.done $0x0  }
0x216: {  	s12 =	sor.u32 s14, s15;
	[sflag:s6] =	ssyncadd.s32 $0xFFFFF200  }
0x217: {  	v1 =	vld [tilespmem:s12+$0x200]  }
0x218: {  	v2 =	vld [tilespmem:s12+$0x280]  }
0x219: {  	v3 =	vld [tilespmem:s12+$0x0]  }
0x21a: {  	v4 =	vld [tilespmem:s12+$0x80];
	_ =	sdelay $0x2  }
0x21b: {  	v1 =	vtrunc.f32 v1  }
0x21c: {  	v5 =	vor.u32 s2, v0;
	v2 =	vtrunc.f32 v2;
	v3 =	vtrunc.f32 v3  }
0x21d: {  	v6 =	vmov s2;
	v4 =	vtrunc.f32 v4;
	v1 =	vcvt.f32.s32 v1  }
0x21e: {  	v6 =	vshll.u32 v6, $0x3;
	v3 =	vcvt.f32.s32 v3;
	v4 =	vcvt.f32.s32 v4  }
0x21f: {  	v5 =	vand.u32 $0x7F, v5;
	v6 =	vand.u32 $0xC00, v6;
	v2 =	vcvt.f32.s32 v2  }
0x220: {  	s9 =	simm.s32 $0x80;
	s10 =	simm.s32 $0x10;
	v1 =	vshll.u32 v1, $0xC;
	v3 =	vshll.u32 v3, $0xC;
	v8 =	vshll.u32 v4, $0x9  }
0x221: {  	s11 =	sand.u32 $0x70, s10;
	s13 =	sand.u32 $0xC00, s9;
	v9 =	vshll.u32 v2, $0x9;
	v4 =	vshll.u32 v4, $0x7;
	v2 =	vshll.u32 v2, $0x7  }
0x222: {  	s11 =	sor.u32 s11, s13;
	v3 =	vadd.s32 v3, v8;
	v4 =	vand.u32 $0x380, v4;
	v1 =	vadd.s32 v1, v9  }
0x223: {  	v9 =	vld [tilespmem:s11+$0x200];
	v2 =	vand.u32 $0x380, v2;
	v3 =	vand.u32 $0xFFFFF000, v3;
	v1 =	vand.u32 $0xFFFFF000, v1  }
0x224: {  	v7 =	vor.u32 v6, v5;
	v8 =	vor.u32 v4, v3;
	v1 =	vor.u32 v2, v1;
	v2 =	vld [tilespmem:s11+$0x0]  }
0x225: {  	v4 =	vor.u32 v4, v7;
	v7 =	vor.u32 v6, v8;
	v8 =	vld [tilespmem:s11+$0x280]  }
0x226: {  	v3 =	vor.u32 v3, v4;
	v1 =	vor.u32 v6, v1;
	v6 =	vld [tilespmem:s11+$0x80];
	v4 =	vor.u32 v5, v7  }
0x227: {  	v4 =	vadd.s32 $0x7000, v4  }
0x228: {  	v10 =	vor.u32 s10, v0;
	v11 =	vmov s10;
	v5 =	vor.u32 v5, v1  }
0x229: {  	v10 =	vand.u32 $0x7F, v10;
	v12 =	vld [tilespmem:s12+$0x100];
	v7 =	vadd.s32 $0xE000, v5;
	v9 =	vtrunc.f32 v9  }
0x22a: {  	v11 =	vshll.u32 v11, $0x3;
	v13 =	vld [tilespmem:s12+$0x180];
	v9 =	vcvt.f32.s32 v9;
	v2 =	vtrunc.f32 v2  }
0x22b: {  	v5 =	vadd.s32 $0x15000, v5;
	v8 =	vtrunc.f32 v8;
	v3 =	vld.idx.msk [tilespmem:v3+s4+$0x0], $0xffff;
	v6 =	vtrunc.f32 v6  }
0x22c: {  	v11 =	vand.u32 $0xC00, v11;
	v2 =	vcvt.f32.s32 v2;
	v8 =	vcvt.f32.s32 v8;
	v4 =	vld.idx.msk [tilespmem:v4+s4+$0x0], $0xffff  }
0x22d: {  	s16 =	sor.u32 s2, s2;
	v14 =	vor.u32 v11, v10;
	v16 =	vld [tilespmem:s12+$0x300];
	v6 =	vcvt.f32.s32 v6  }
0x22e: {  	s12 =	sor.u32 $0x380, s16;
	v9 =	vshll.u32 v9, $0xC;
	v7 =	vld.idx.msk [tilespmem:v7+s4+$0x0], $0xffff;
	v2 =	vshll.u32 v2, $0xC;
	v15 =	vshll.u32 v8, $0x9  }
0x22f: {  	v59 =	vld [tilespmem:s12+$0x0];
	v17 =	vshll.u32 v6, $0x9;
	v6 =	vshll.u32 v6, $0x7;
	v8 =	vshll.u32 v8, $0x7  }
0x230: {  	v5 =	vld.idx.msk [tilespmem:v5+s4+$0x0], $0xffff;
	v2 =	vadd.s32 v2, v17;
	v6 =	vand.u32 $0x380, v6;
	v9 =	vadd.s32 v9, v15  }
0x231: {  	s13 =	simm.s32 $0x100;
	s12 =	simm.s32 $0x20;
	v2 =	vand.u32 $0xFFFFF000, v2;
	v3 =	vsub.f32 v3, v12;
	v4 =	vsub.f32 v4, v13  }
0x232: {  	s15 =	sand.u32 $0xC00, s13;
	s14 =	sand.u32 $0x70, s12;
	v8 =	vand.u32 $0x380, v8;
	v9 =	vand.u32 $0xFFFFF000, v9;
	v60 =	vor.u32 v6, v2  }
0x233: {  	s14 =	sor.u32 s14, s15;
	v7 =	vsub.f32 v7, v16;
	v3 =	vmul.f32 v3, v3;
	v4 =	vmul.f32 v4, v4  }
0x234: {  	v61 =	vor.u32 v6, v14;
	v6 =	vld [tilespmem:s14+$0x200];
	v9 =	vor.u32 v8, v9;
	v12 =	vor.u32 v11, v60  }
0x235: {  	v8 =	vld [tilespmem:s14+$0x0];
	v15 =	vsub.f32 v5, v59;
	v62 =	vmul.f32 v7, v7;
	v3 =	vadd.f32 v4, v3  }
0x236: {  	v5 =	vor.u32 v2, v61;
	v63 =	vor.u32 v11, v9;
	v2 =	vor.u32 v10, v12;
	v7 =	vld [tilespmem:s14+$0x280]  }
0x237: {  	v9 =	vld [tilespmem:s14+$0x80];
	v4 =	vadd.s32 $0x7000, v2;
	v2 =	vadd.f32 v62, v3;
	v3 =	vmul.f32 v15, v15  }
0x238: {  	s15 =	simm.s32 $0x30;
	v1 =	vimm.f32 $0.0e+00;
	v11 =	vor.u32 s12, v0;
	v10 =	vor.u32 v10, v63  }
.LBB2_2:
0x239: {  	p0 =	sne.s32 s15, $0x1F0;
	v12 =	vmov s12;
	v13 =	vadd.s32 $0xE000, v10;
	v2 =	vadd.f32 v3, v2  }
0x23a: {  	v3 =	vtrunc.f32 v6;
	v14 =	vand.u32 $0x7F, v11;
	v6 =	vshll.u32 v12, $0x3;
	v11 =	vld [tilespmem:s11+$0x100]  }
0x23b: {  	v10 =	vadd.s32 $0x15000, v10;
	v7 =	vtrunc.f32 v7;
	v5 =	vld.idx.msk [tilespmem:v5+s4+$0x0], $0xffff;
	v2 =	vmul.f32 $5.000000000e+00, v2  }
0x23c: {  	v8 =	vtrunc.f32 v8;
	v12 =	vand.u32 $0xC00, v6;
	v9 =	vtrunc.f32 v9;
	v4 =	vld.idx.msk [tilespmem:v4+s4+$0x0], $0xffff  }
0x23d: {  	v3 =	vcvt.f32.s32 v3;
	v6 =	vcvt.f32.s32 v7;
	v7 =	vld [tilespmem:s11+$0x180];
	v1 =	vadd.f32 v2, v1  }
0x23e: {  	v2 =	vcvt.f32.s32 v8;
	v8 =	vcvt.f32.s32 v9;
	v9 =	vor.u32 v12, v14;
	v13 =	vld.idx.msk [tilespmem:v13+s4+$0x0], $0xffff  }
0x23f: {  	s10 =	sor.u32 s9, s10;
	s9 =	smov.u32 s13;
	v3 =	vshll.u32 v3, $0xC;
	v15 =	vshll.u32 v6, $0x9;
	v6 =	vshll.u32 v6, $0x7;
	v16 =	vld [tilespmem:s11+$0x300];
	s11 =	smov.u32 s14  }
0x240: {  	v2 =	vshll.u32 v2, $0xC;
	v17 =	vshll.u32 v8, $0x9;
	v8 =	vshll.u32 v8, $0x7;
	s14 =	sor.u32 $0x380, s10;
	s10 =	smov.u32 s12;
	s12 =	smov.u32 s15;
	v10 =	vld.idx.msk [tilespmem:v10+s4+$0x0], $0xffff  }
0x241: {  	v3 =	vadd.s32 v3, v15;
	v2 =	vadd.s32 v2, v17;
	v8 =	vand.u32 $0x380, v8;
	v15 =	vld [tilespmem:s14+$0x0]  }
0x242: {  	s13 =	sadd.s32 $0x80, s13;
	v5 =	vsub.f32 v5, v11;
	v2 =	vand.u32 $0xFFFFF000, v2;
	v4 =	vsub.f32 v4, v7  }
0x243: {  	s16 =	sand.u32 $0xC00, s13;
	v3 =	vand.u32 $0xFFFFF000, v3;
	v11 =	vand.u32 $0x380, v6;
	s14 =	sand.u32 $0x70, s15;
	v7 =	vor.u32 v8, v2  }
0x244: {  	s14 =	sor.u32 s14, s16;
	v5 =	vmul.f32 v5, v5;
	v13 =	vsub.f32 v13, v16;
	v4 =	vmul.f32 v4, v4  }
.Ltmp0:
0x245: {  	v9 =	vor.u32 v8, v9;
	v3 =	vor.u32 v11, v3;
	v16 =	vor.u32 v12, v7;
	v6 =	vld [tilespmem:s14+$0x200];
	(pc) =	sbr.rel @p0 .LBB2_2-.Ltmp0, $4  }
0x246: {  	v7 =	vld [tilespmem:s14+$0x280];
	v10 =	vsub.f32 v10, v15;
	v11 =	vadd.f32 v4, v5;
	v13 =	vmul.f32 v13, v13  }
0x247: {  	v12 =	vor.u32 v12, v3;
	v5 =	vor.u32 v2, v9;
	v2 =	vor.u32 v14, v16;
	v8 =	vld [tilespmem:s14+$0x0]  }
0x248: {  	v4 =	vadd.s32 $0x7000, v2;
	v9 =	vld [tilespmem:s14+$0x80];
	v2 =	vadd.f32 v13, v11;
	v3 =	vmul.f32 v10, v10  }
0x249: {  	s15 =	sadd.s32 $0x10, s15;
	v11 =	vor.u32 s12, v0;
	v10 =	vor.u32 v14, v12  }
0x24a: {  	_ = 	snop  }
0x24b: {  	v12 =	vmov s12;
	v6 =	vtrunc.f32 v6  }
0x24c: {  	v11 =	vand.u32 $0x7F, v11;
	v7 =	vtrunc.f32 v7;
	v6 =	vcvt.f32.s32 v6  }
0x24d: {  	v12 =	vshll.u32 v12, $0x3;
	v8 =	vtrunc.f32 v8;
	v9 =	vtrunc.f32 v9  }
0x24e: {  	v12 =	vand.u32 $0xC00, v12;
	v8 =	vcvt.f32.s32 v8;
	v9 =	vcvt.f32.s32 v9  }
0x24f: {  	v13 =	vadd.s32 $0xE000, v10;
	v7 =	vcvt.f32.s32 v7;
	v14 =	vor.u32 v12, v11  }
0x250: {  	v16 =	vld [tilespmem:s11+$0x100];
	v6 =	vshll.u32 v6, $0xC;
	v8 =	vshll.u32 v8, $0xC;
	v15 =	vshll.u32 v9, $0x9  }
0x251: {  	v5 =	vld.idx.msk [tilespmem:v5+s4+$0x0], $0xffff;
	v17 =	vshll.u32 v7, $0x9;
	v9 =	vshll.u32 v9, $0x7;
	v8 =	vadd.s32 v8, v15  }
0x252: {  	v4 =	vld.idx.msk [tilespmem:v4+s4+$0x0], $0xffff;
	v7 =	vshll.u32 v7, $0x7;
	v9 =	vand.u32 $0x380, v9;
	v8 =	vand.u32 $0xFFFFF000, v8  }
0x253: {  	v46 =	vld [tilespmem:s11+$0x180];
	v6 =	vadd.s32 v6, v17;
	v7 =	vand.u32 $0x380, v7;
	v45 =	vor.u32 v9, v8  }
0x254: {  	v50 =	vld [tilespmem:s11+$0x300];
	v6 =	vand.u32 $0xFFFFF000, v6;
	v9 =	vor.u32 v9, v14;
	v47 =	vor.u32 v12, v45  }
0x255: {  	v53 =	vld [tilespmem:s14+$0x100];
	v6 =	vor.u32 v7, v6;
	v48 =	vor.u32 v8, v9;
	v49 =	vor.u32 v11, v47  }
0x256: {  	s9 =	sor.u32 s9, s10;
	v54 =	vld [tilespmem:s14+$0x180];
	v6 =	vor.u32 v12, v6;
	v8 =	vadd.s32 $0x7000, v49  }
0x257: {  	v44 =	vadd.s32 $0x15000, v10;
	v55 =	vld [tilespmem:s14+$0x300];
	s9 =	sor.u32 $0x380, s9;
	v6 =	vor.u32 v11, v6  }
0x258: {  	v51 =	vld [tilespmem:s9+$0x0];
	v52 =	vadd.s32 $0xE000, v6  }
0x259: {  	v13 =	vld.idx.msk [tilespmem:v13+s4+$0x0], $0xffff  }
0x25a: {  	v6 =	vadd.s32 $0x15000, v6;
	v7 =	vld.idx.msk [tilespmem:v48+s4+$0x0], $0xffff  }
0x25b: {  	v8 =	vld.idx.msk [tilespmem:v8+s4+$0x0], $0xffff  }
0x25c: {  	s13 =	sor.u32 s13, s12;
	v10 =	vld.idx.msk [tilespmem:v44+s4+$0x0], $0xffff  }
0x25d: {  	s9 =	sor.u32 $0x380, s13;
	v5 =	vsub.f32 v5, v16;
	v4 =	vsub.f32 v4, v46;
	v12 =	vld.idx.msk [tilespmem:v52+s4+$0x0], $0xffff  }
0x25e: {  	v56 =	vld [tilespmem:s9+$0x0]  }
0x25f: {  	v5 =	vmul.f32 v5, v5;
	v4 =	vmul.f32 v4, v4;
	v9 =	vsub.f32 v13, v50;
	v6 =	vld.idx.msk [tilespmem:v6+s4+$0x0], $0xffff  }
0x260: {  	v7 =	vsub.f32 v7, v53;
	v8 =	vsub.f32 v8, v54  }
0x261: {  	v4 =	vadd.f32 v4, v5;
	v10 =	vsub.f32 v10, v51;
	v57 =	vmul.f32 v9, v9  }
0x262: {  	v58 =	vsub.f32 v12, v55;
	v7 =	vmul.f32 v7, v7;
	v8 =	vmul.f32 v8, v8  }
0x263: {  	v2 =	vadd.f32 v3, v2;
	v59 =	vmul.f32 v10, v10;
	v3 =	vadd.f32 v57, v4  }
0x264: {  	v60 =	vsub.f32 v6, v56;
	v62 =	vmul.f32 v58, v58;
	v61 =	vadd.f32 v8, v7  }
0x265: {  	v2 =	vmul.f32 $5.000000000e+00, v2  }
0x266: {  	v3 =	vadd.f32 v59, v3;
	v5 =	vmul.f32 v60, v60;
	v63 =	vadd.f32 v62, v61;
	_ =	sdelay $0x1  }
0x267: {  	v1 =	vadd.f32 v2, v1;
	v2 =	vmul.f32 $5.000000000e+00, v3;
	v3 =	vadd.f32 v5, v63;
	_ =	sdelay $0x1  }
0x268: {  	v1 =	vadd.f32 v2, v1;
	v2 =	vmul.f32 $5.000000000e+00, v3;
	_ =	sdelay $0x1  }
0x269: {  	v1 =	vadd.f32 v2, v1;
	_ =	sdelay $0x1  }
0x26a: {  	s14 =	rddreg [dreg:$0x17];
	s15 =	simm.s32 $0x1D000;
	[tilespmem:$0x1D000] =	vst v1  }
0x26b: {  	[hbm4b:s14+s2] =	stream.linear.scatter [tilespmem:s15], [sflag:$0x3], $0x80, $0x38;
	[tilespmem:$0x1D080] =	vst v63  }
0x26c: {  	_ =	swait.ge [sflag:s7], $0x80  }
0x26d: {  	s8 =	sadd.s32 $0x1, s8;
	s16 =	rddreg [dreg:$0x18]  }
0x26e: {  	p0 =	sne.s32 s8, s16  }
.Ltmp1:
0x26f: {  	_ = 	snop;
	(pc) =	sbr.rel @p0 .LBB2_1-.Ltmp1, $3  }
0x270: {  	_ =	sdelay $0x1  }
0x271: {  	[sflag:s7] =	ssyncset.done $0x0  }
0x272: {  	[sflag:s7] =	ssyncadd.s32 $0xFFFFFF80  }
0x273: {  	_ =	sfence.sel $0x180000  }
0x274: {  	[bflag:$0x0] =	sbarrier.arrive $0xFFFF  }
0x275: {  	_ =	strace $0x90000047  }
0x276: {  	s0 =	stileid.u32;
	[bflag:$0x2] =	sbarrier.arrive $0xFFFF  }
0x277: {  	p0 =	sne.s32 s0, $0x0;
	s0 =	rddreg [dreg:$0x3]  }
0x278: {  	s0 =	sadd.s32 @!p0 $0x100000, s0  }
0x279: {  	[sflag:s0] =	ssyncadd.tile.s32 @!p0 $0x1;
	_ =	shalt  }
.Lfunc_end2:
_tile_overlayer_lowered:
.L_overlay_start_2:
0x27a: {  	(tag) =	ssettag $0x2  }
0x27b: {  	s0 =	rddreg [dreg:$0x0];
	s2 =	stileid.u32  }
0x27c: {  	s1 =	rddreg [dreg:$0x1];
	p0 =	sne.s32 s2, $0x0  }
0x27d: {  	s3 =	rddreg [dreg:$0x2];
	[bflag:$0x3] =	sbarrier.arrive $0xFFFF;
	s2 =	simm.s32 @!p0 $0x1C03  }
0x27e: {  	[timem:s3], [sflag:s2] =	dma.local @!p0 [hbm:s0], s1  }
0x27f: {  	s0 =	simm.s32 @!p0 $0x3  }
0x280: {  	_ =	swait.ge @!p0 [sflag:s0], s1  }
0x281: {  	s1 =	ssub.s32 @!p0 $0x0, s1;
	[sflag:s0] =	ssyncset.done @!p0 $0x0  }
0x282: {  	[sflag:s0] =	ssyncadd.s32 @!p0 s1  }
0x283: {  	[bflag:$0x3] =	sbarrier.arrive $0xFFFF  }
0x284: {  	_ =	shalt  }

</sc_bundles>
